<compile_context>
chip_gen: v7x
topology: tpu7x:2x2x1
jax: 0.10.2.dev20260603
libtpu: 0.0.44.dev20260713+nightly
codegen_flags: <defaults>
</compile_context>

<pallas_src>
import functools

import jax
import jax.numpy as jnp
from jax import lax
from jax.experimental import pallas as pl
from jax.experimental.pallas import tpu as pltpu
from jax.experimental.pallas import tpu_sc as plsc

VOCAB = 1000000
BATCH = 4096
SEQ = 200
D = 64
TOT = BATCH * SEQ
NW = 32
CHUNK = 128
NCH = TOT // CHUNK
CPW = NCH // NW
BT = BATCH // 128

_mesh = plsc.VectorSubcoreMesh(core_axis_name="c", subcore_axis_name="s")

@functools.partial(
    pl.kernel,
    mesh=_mesh,
    out_type=jax.ShapeDtypeStruct((SEQ, D // 8, BT, 8, 128), jnp.float32),
    scratch_types=[
        pltpu.VMEM((CPW, 2, 128), jnp.int32),
        pltpu.VMEM((2 * CHUNK, 32), jnp.float32),
        pltpu.VMEM((2 * CHUNK, 32), jnp.float32),
        pltpu.VMEM((D, 129), jnp.float32),
        pltpu.VMEM((D, 129), jnp.float32),
        pltpu.SemaphoreType.DMA,
        pltpu.SemaphoreType.DMA,
        pltpu.SemaphoreType.DMA,
        pltpu.SemaphoreType.DMA,
    ],
    compiler_params=pltpu.CompilerParams(
        use_tc_tiling_on_sc=False, needs_layout_passes=False
    ),
)
def _sc_embed(tab_hbm, idx_hbm, out_hbm, idx_v, g0, g1, t0, t1,
              gs0, gs1, ws0, ws1):
    wid = lax.axis_index("s") * 2 + lax.axis_index("c")
    base = wid * CPW
    gbuf = (g0, g1)
    tbuf = (t0, t1)
    gsem = (gs0, gs1)
    wsem = (ws0, ws1)

    pltpu.sync_copy(idx_hbm.at[wid], idx_v)

    iota = lax.iota(jnp.int32, 16)
    rscat = [iota + 32 * hh + 16 * q for hh in range(2) for q in range(2)]

    def fire_gather(j, p):
        for h in range(2):
            pltpu.async_copy(
                tab_hbm.at[idx_v.at[j, h]],
                gbuf[p].at[pl.ds(128 * h, 128)],
                gsem[p],
            )

    def wait_gather(p):
        for h in range(2):
            pltpu.make_async_copy(
                tab_hbm.at[idx_v.at[0, 0]],
                gbuf[p].at[pl.ds(128 * h, 128)],
                gsem[p],
            ).wait()

    def transpose_chunk(p):
        g, t = gbuf[p], tbuf[p]

        def body(b, carry):
            cb = jnp.full((16,), b, dtype=jnp.int32)
            for hh in range(2):
                r = 2 * b + hh
                v0 = g[r, pl.ds(0, 16)]
                v1 = g[r, pl.ds(16, 16)]
                plsc.store_scatter(t, [rscat[hh * 2], cb], v0)
                plsc.store_scatter(t, [rscat[hh * 2 + 1], cb], v1)
            return carry

        lax.fori_loop(0, CHUNK, body, 0)

    def fire_write(j, p):
        c = base + j
        s = c // BT
        bt = c % BT
        for dt in range(8):
            pltpu.async_copy(
                tbuf[p].at[pl.ds(8 * dt, 8), pl.ds(0, 128)],
                out_hbm.at[s, dt, bt],
                wsem[p],
            )

    def wait_write(p):
        for dt in range(8):
            pltpu.make_async_copy(
                tbuf[p].at[pl.ds(8 * dt, 8), pl.ds(0, 128)],
                out_hbm.at[0, dt, 0],
                wsem[p],
            ).wait()

    def step(j, p, first):
        if first:
            fire_gather(j + 1, 1 - p)
        else:
            @pl.when(j + 1 < CPW)
            def _():
                fire_gather(j + 1, 1 - p)
        wait_gather(p)
        if not first:
            wait_write(p)
        transpose_chunk(p)
        fire_write(j, p)

    fire_gather(0, 0)
    step(0, 0, True)
    step(1, 1, True)

    def loop_body(i, carry):
        step(2 * i, 0, False)
        step(2 * i + 1, 1, False)
        return carry

    lax.fori_loop(1, CPW // 2, loop_body, 0)
    wait_write(0)
    wait_write(1)


def kernel(inp, table):
    idx_t = jnp.transpose(inp).reshape(NCH, CHUNK)
    idx2 = (2 * idx_t)[:, :, None] + jnp.arange(2, dtype=inp.dtype)
    idx4 = idx2.reshape(NW, CPW, 2, 128)
    out5 = _sc_embed(table.reshape(2 * VOCAB, 32), idx4)
    return out5.transpose(0, 2, 4, 1, 3).reshape(SEQ, BATCH, D)

# --- scband reference (transcript-rebuilt; emitter-appended) ---
"""Pipeline reference for scband-encoder-17308718203488 (READ-ONLY COPY).

The authoritative reference and input builder live on the scoring server;
editing this copy changes nothing except your own understanding.
"""

import jax, jax.numpy as jnp
import numpy as np

VOCAB = 1000000
D_MODEL = 64
PAD_IDX = 0
BATCH = 4096
SEQ = 200


def setup_inputs(seed: int = 0) -> dict:
    key = jax.random.key(seed)
    k_idx, k_tab = jax.random.split(key)
    inp = jax.random.randint(k_idx, (BATCH, SEQ), 0, VOCAB, dtype=jnp.int64 if jax.config.jax_enable_x64 else jnp.int32)
    table = jax.random.normal(k_tab, (VOCAB, D_MODEL), dtype=jnp.float32)
    # nn.Embedding with padding_idx zeros that row at init
    table = table.at[PAD_IDX].set(0.0)
    return {"inp": inp, "table": table}


def reference(inp, table):
    # k_mask = inp == padding_idx (side-effect state; not part of returned output)
    k_mask = inp == PAD_IDX
    # embedding gather (padding row is zero in the table)
    x = jnp.take(table, inp, axis=0)  # (batch, seq, d_model)
    # dropout p=0.0 -> identity
    # permute(1, 0, 2) -> (seq, batch, d_model)
    x = jnp.transpose(x, (1, 0, 2))
    return x

if __name__ == "__main__":
    import jax
    _d = setup_inputs()
    print(jax.jit(kernel)(*tuple(_d.values())))

</pallas_src>

<mosaic_0001>
#map = affine_map<(d0, d1) -> (0, 0)>
#map1 = affine_map<(d0, d1) -> (0, 0, 0, 0)>
#map2 = affine_map<(d0, d1) -> (0, 0, 0, 0, 0)>
module attributes {stable_mosaic.version = 14 : i64} {
  func.func @_sc_embed(%arg0: i32, %arg1: i32, %arg2: memref<2000000x32xf32, #tpu.memory_space<hbm>>, %arg3: memref<32x200x2x128xi32, #tpu.memory_space<hbm>>, %arg4: memref<200x8x32x8x128xf32, #tpu.memory_space<hbm>>, %arg5: memref<200x2x128xi32, #tpu.memory_space<vmem>>, %arg6: memref<256x32xf32, #tpu.memory_space<vmem>>, %arg7: memref<256x32xf32, #tpu.memory_space<vmem>>, %arg8: memref<64x129xf32, #tpu.memory_space<vmem>>, %arg9: memref<64x129xf32, #tpu.memory_space<vmem>>, %arg10: memref<!tpu.dma_semaphore, #tpu.memory_space<semaphore_mem>>, %arg11: memref<!tpu.dma_semaphore, #tpu.memory_space<semaphore_mem>>, %arg12: memref<!tpu.dma_semaphore, #tpu.memory_space<semaphore_mem>>, %arg13: memref<!tpu.dma_semaphore, #tpu.memory_space<semaphore_mem>>) attributes {dimension_semantics = [#tpu.dimension_semantics<core_parallel>, #tpu.dimension_semantics<subcore_parallel>], iteration_bounds = array<i64: 2, 16>, scalar_prefetch = 0 : i64, scratch_operands = 9 : i64, tpu.core_type = #tpu.core_type<sc_vector_subcore>, window_params = [{transform_indices = #map}, {transform_indices = #map1}, {transform_indices = #map2}]} {
    %mul3A = arith.constant 2 : i32
    %mul3A_0 = arith.muli %arg1, %mul3A : i32
    %add3A = arith.addi %mul3A_0, %arg0 : i32
    %mul3A_1 = arith.constant 200 : i32
    %mul3A_2 = arith.muli %add3A, %mul3A_1 : i32
    "tpu.region"() ({
      %run_scoped3A = tpu.sem_alloc : memref<!tpu.dma_semaphore, #tpu.memory_space<semaphore_mem>>
      %dma_start3A_738 = arith.constant 0 : i32
      %dma_start3A_739 = arith.constant 0 : i32
      %dma_start3A_740 = arith.constant 0 : i32
      %dma_start3A_741 = tpu.memref_slice %arg3[%add3A, %dma_start3A_738, %dma_start3A_739, %dma_start3A_740] : memref<32x200x2x128xi32, #tpu.memory_space<hbm>> -> memref<1x200x2x128xi32, #tpu.memory_space<hbm>>
      %dma_start3A_742 = tpu.memref_squeeze %dma_start3A_741 : memref<1x200x2x128xi32, #tpu.memory_space<hbm>> -> memref<200x2x128xi32, #tpu.memory_space<hbm>>
      %dma_start3A_743 = arith.constant 0 : i32
      %dma_start3A_744 = arith.constant 0 : i32
      %dma_start3A_745 = arith.constant 0 : i32
      %dma_start3A_746 = tpu.memref_slice %arg3[%add3A, %dma_start3A_743, %dma_start3A_744, %dma_start3A_745] : memref<32x200x2x128xi32, #tpu.memory_space<hbm>> -> memref<1x200x2x128xi32, #tpu.memory_space<hbm>>
      %dma_start3A_747 = tpu.memref_squeeze %dma_start3A_746 : memref<1x200x2x128xi32, #tpu.memory_space<hbm>> -> memref<200x2x128xi32, #tpu.memory_space<hbm>>
      tpu.enqueue_dma source(%dma_start3A_747 : memref<200x2x128xi32, #tpu.memory_space<hbm>>) target(%arg5 : memref<200x2x128xi32, #tpu.memory_space<vmem>>) target_semaphore(%run_scoped3A : memref<!tpu.dma_semaphore, #tpu.memory_space<semaphore_mem>>)
      %dma_wait3A_748 = arith.constant 0 : i32
      %dma_wait3A_749 = arith.constant 0 : i32
      %dma_wait3A_750 = arith.constant 0 : i32
      %dma_wait3A_751 = tpu.memref_slice %arg3[%add3A, %dma_wait3A_748, %dma_wait3A_749, %dma_wait3A_750] : memref<32x200x2x128xi32, #tpu.memory_space<hbm>> -> memref<1x200x2x128xi32, #tpu.memory_space<hbm>>
      %dma_wait3A_752 = tpu.memref_squeeze %dma_wait3A_751 : memref<1x200x2x128xi32, #tpu.memory_space<hbm>> -> memref<200x2x128xi32, #tpu.memory_space<hbm>>
      %dma_wait3A_753 = arith.constant 0 : i32
      %dma_wait3A_754 = arith.constant 0 : i32
      %dma_wait3A_755 = arith.constant 0 : i32
      %dma_wait3A_756 = tpu.memref_slice %arg3[%add3A, %dma_wait3A_753, %dma_wait3A_754, %dma_wait3A_755] : memref<32x200x2x128xi32, #tpu.memory_space<hbm>> -> memref<1x200x2x128xi32, #tpu.memory_space<hbm>>
      %dma_wait3A_757 = tpu.memref_squeeze %dma_wait3A_756 : memref<1x200x2x128xi32, #tpu.memory_space<hbm>> -> memref<200x2x128xi32, #tpu.memory_space<hbm>>
      tpu.wait_dma2 semaphore(%run_scoped3A : memref<!tpu.dma_semaphore, #tpu.memory_space<semaphore_mem>>) src(%dma_wait3A_757 : memref<200x2x128xi32, #tpu.memory_space<hbm>>) dst(%arg5 : memref<200x2x128xi32, #tpu.memory_space<vmem>>)
      tpu.yield
    }) : () -> ()
    %iota3A = tpu.iota {dimensions = array<i32: 0>} : vector<16xi32>
    %add3A_3 = arith.constant 0 : i32
    %add3A_4 = vector.broadcast %add3A_3 : i32 to vector<16xi32>
    %add3A_5 = arith.addi %iota3A, %add3A_4 : vector<16xi32>
    %add3A_6 = arith.constant 0 : i32
    %add3A_7 = vector.broadcast %add3A_6 : i32 to vector<16xi32>
    %add3A_8 = arith.addi %add3A_5, %add3A_7 : vector<16xi32>
    %add3A_9 = arith.constant 0 : i32
    %add3A_10 = vector.broadcast %add3A_9 : i32 to vector<16xi32>
    %add3A_11 = arith.addi %iota3A, %add3A_10 : vector<16xi32>
    %add3A_12 = arith.constant 16 : i32
    %add3A_13 = vector.broadcast %add3A_12 : i32 to vector<16xi32>
    %add3A_14 = arith.addi %add3A_11, %add3A_13 : vector<16xi32>
    %add3A_15 = arith.constant 32 : i32
    %add3A_16 = vector.broadcast %add3A_15 : i32 to vector<16xi32>
    %add3A_17 = arith.addi %iota3A, %add3A_16 : vector<16xi32>
    %add3A_18 = arith.constant 0 : i32
    %add3A_19 = vector.broadcast %add3A_18 : i32 to vector<16xi32>
    %add3A_20 = arith.addi %add3A_17, %add3A_19 : vector<16xi32>
    %add3A_21 = arith.constant 32 : i32
    %add3A_22 = vector.broadcast %add3A_21 : i32 to vector<16xi32>
    %add3A_23 = arith.addi %iota3A, %add3A_22 : vector<16xi32>
    %add3A_24 = arith.constant 16 : i32
    %add3A_25 = vector.broadcast %add3A_24 : i32 to vector<16xi32>
    %add3A_26 = arith.addi %add3A_23, %add3A_25 : vector<16xi32>
    %dma_start3A = arith.constant 0 : i32
    %dma_start3A_27 = arith.constant 0 : i32
    %dma_start3A_28 = arith.constant 0 : i32
    %dma_start3A_29 = arith.constant 0 : i32
    %dma_start3A_30 = tpu.memref_slice %arg6[%dma_start3A_28, %dma_start3A_29] : memref<256x32xf32, #tpu.memory_space<vmem>> -> memref<128x32xf32, #tpu.memory_space<vmem>>
    %dma_start3A_31 = arith.constant 0 : i32
    %dma_start3A_32 = tpu.memref_slice %arg5[%dma_start3A, %dma_start3A_27, %dma_start3A_31] : memref<200x2x128xi32, #tpu.memory_space<vmem>> -> memref<1x1x128xi32, #tpu.memory_space<vmem>>
    %dma_start3A_33 = tpu.memref_squeeze %dma_start3A_32 : memref<1x1x128xi32, #tpu.memory_space<vmem>> -> memref<128xi32, #tpu.memory_space<vmem>>
    %dma_start3A_34 = arith.constant 0 : i32
    %dma_start3A_35 = arith.constant 0 : i32
    %dma_start3A_36 = tpu.memref_slice %arg2[%dma_start3A_34, %dma_start3A_35] : memref<2000000x32xf32, #tpu.memory_space<hbm>> -> memref<2000000x32xf32, #tpu.memory_space<hbm>>
    tpu.enqueue_indirect_dma source(%dma_start3A_36 : memref<2000000x32xf32, #tpu.memory_space<hbm>>) target(%dma_start3A_30 : memref<128x32xf32, #tpu.memory_space<vmem>>) offsets(%dma_start3A_33 : memref<128xi32, #tpu.memory_space<vmem>>) semaphore(%arg10 : memref<!tpu.dma_semaphore, #tpu.memory_space<semaphore_mem>>)
    %dma_start3A_37 = arith.constant 0 : i32
    %dma_start3A_38 = arith.constant 1 : i32
    %dma_start3A_39 = arith.constant 128 : i32
    %dma_start3A_40 = arith.constant 0 : i32
    %dma_start3A_41 = tpu.memref_slice %arg6[%dma_start3A_39, %dma_start3A_40] : memref<256x32xf32, #tpu.memory_space<vmem>> -> memref<128x32xf32, #tpu.memory_space<vmem>>
    %dma_start3A_42 = arith.constant 0 : i32
    %dma_start3A_43 = tpu.memref_slice %arg5[%dma_start3A_37, %dma_start3A_38, %dma_start3A_42] : memref<200x2x128xi32, #tpu.memory_space<vmem>> -> memref<1x1x128xi32, #tpu.memory_space<vmem>>
    %dma_start3A_44 = tpu.memref_squeeze %dma_start3A_43 : memref<1x1x128xi32, #tpu.memory_space<vmem>> -> memref<128xi32, #tpu.memory_space<vmem>>
    %dma_start3A_45 = arith.constant 0 : i32
    %dma_start3A_46 = arith.constant 0 : i32
    %dma_start3A_47 = tpu.memref_slice %arg2[%dma_start3A_45, %dma_start3A_46] : memref<2000000x32xf32, #tpu.memory_space<hbm>> -> memref<2000000x32xf32, #tpu.memory_space<hbm>>
    tpu.enqueue_indirect_dma source(%dma_start3A_47 : memref<2000000x32xf32, #tpu.memory_space<hbm>>) target(%dma_start3A_41 : memref<128x32xf32, #tpu.memory_space<vmem>>) offsets(%dma_start3A_44 : memref<128xi32, #tpu.memory_space<vmem>>) semaphore(%arg10 : memref<!tpu.dma_semaphore, #tpu.memory_space<semaphore_mem>>)
    %dma_start3A_48 = arith.constant 1 : i32
    %dma_start3A_49 = arith.constant 0 : i32
    %dma_start3A_50 = arith.constant 0 : i32
    %dma_start3A_51 = arith.constant 0 : i32
    %dma_start3A_52 = tpu.memref_slice %arg7[%dma_start3A_50, %dma_start3A_51] : memref<256x32xf32, #tpu.memory_space<vmem>> -> memref<128x32xf32, #tpu.memory_space<vmem>>
    %dma_start3A_53 = arith.constant 0 : i32
    %dma_start3A_54 = tpu.memref_slice %arg5[%dma_start3A_48, %dma_start3A_49, %dma_start3A_53] : memref<200x2x128xi32, #tpu.memory_space<vmem>> -> memref<1x1x128xi32, #tpu.memory_space<vmem>>
    %dma_start3A_55 = tpu.memref_squeeze %dma_start3A_54 : memref<1x1x128xi32, #tpu.memory_space<vmem>> -> memref<128xi32, #tpu.memory_space<vmem>>
    %dma_start3A_56 = arith.constant 0 : i32
    %dma_start3A_57 = arith.constant 0 : i32
    %dma_start3A_58 = tpu.memref_slice %arg2[%dma_start3A_56, %dma_start3A_57] : memref<2000000x32xf32, #tpu.memory_space<hbm>> -> memref<2000000x32xf32, #tpu.memory_space<hbm>>
    tpu.enqueue_indirect_dma source(%dma_start3A_58 : memref<2000000x32xf32, #tpu.memory_space<hbm>>) target(%dma_start3A_52 : memref<128x32xf32, #tpu.memory_space<vmem>>) offsets(%dma_start3A_55 : memref<128xi32, #tpu.memory_space<vmem>>) semaphore(%arg11 : memref<!tpu.dma_semaphore, #tpu.memory_space<semaphore_mem>>)
    %dma_start3A_59 = arith.constant 1 : i32
    %dma_start3A_60 = arith.constant 1 : i32
    %dma_start3A_61 = arith.constant 128 : i32
    %dma_start3A_62 = arith.constant 0 : i32
    %dma_start3A_63 = tpu.memref_slice %arg7[%dma_start3A_61, %dma_start3A_62] : memref<256x32xf32, #tpu.memory_space<vmem>> -> memref<128x32xf32, #tpu.memory_space<vmem>>
    %dma_start3A_64 = arith.constant 0 : i32
    %dma_start3A_65 = tpu.memref_slice %arg5[%dma_start3A_59, %dma_start3A_60, %dma_start3A_64] : memref<200x2x128xi32, #tpu.memory_space<vmem>> -> memref<1x1x128xi32, #tpu.memory_space<vmem>>
    %dma_start3A_66 = tpu.memref_squeeze %dma_start3A_65 : memref<1x1x128xi32, #tpu.memory_space<vmem>> -> memref<128xi32, #tpu.memory_space<vmem>>
    %dma_start3A_67 = arith.constant 0 : i32
    %dma_start3A_68 = arith.constant 0 : i32
    %dma_start3A_69 = tpu.memref_slice %arg2[%dma_start3A_67, %dma_start3A_68] : memref<2000000x32xf32, #tpu.memory_space<hbm>> -> memref<2000000x32xf32, #tpu.memory_space<hbm>>
    tpu.enqueue_indirect_dma source(%dma_start3A_69 : memref<2000000x32xf32, #tpu.memory_space<hbm>>) target(%dma_start3A_63 : memref<128x32xf32, #tpu.memory_space<vmem>>) offsets(%dma_start3A_66 : memref<128xi32, #tpu.memory_space<vmem>>) semaphore(%arg11 : memref<!tpu.dma_semaphore, #tpu.memory_space<semaphore_mem>>)
    %dma_wait3A = arith.constant 0 : i32
    %dma_wait3A_70 = arith.constant 0 : i32
    %dma_wait3A_71 = arith.constant 0 : i32
    %dma_wait3A_72 = arith.constant 0 : i32
    %dma_wait3A_73 = tpu.memref_slice %arg6[%dma_wait3A_71, %dma_wait3A_72] : memref<256x32xf32, #tpu.memory_space<vmem>> -> memref<128x32xf32, #tpu.memory_space<vmem>>
    %dma_wait3A_74 = arith.constant 0 : i32
    %dma_wait3A_75 = tpu.memref_slice %arg5[%dma_wait3A, %dma_wait3A_70, %dma_wait3A_74] : memref<200x2x128xi32, #tpu.memory_space<vmem>> -> memref<1x1x128xi32, #tpu.memory_space<vmem>>
    %dma_wait3A_76 = tpu.memref_squeeze %dma_wait3A_75 : memref<1x1x128xi32, #tpu.memory_space<vmem>> -> memref<128xi32, #tpu.memory_space<vmem>>
    %dma_wait3A_77 = arith.constant 0 : i32
    %dma_wait3A_78 = arith.constant 0 : i32
    %dma_wait3A_79 = tpu.memref_slice %arg2[%dma_wait3A_77, %dma_wait3A_78] : memref<2000000x32xf32, #tpu.memory_space<hbm>> -> memref<2000000x32xf32, #tpu.memory_space<hbm>>
    tpu.wait_indirect_dma semaphore(%arg10 : memref<!tpu.dma_semaphore, #tpu.memory_space<semaphore_mem>>) src(%dma_wait3A_79 : memref<2000000x32xf32, #tpu.memory_space<hbm>>) dst(%dma_wait3A_73 : memref<128x32xf32, #tpu.memory_space<vmem>>)
    %dma_wait3A_80 = arith.constant 0 : i32
    %dma_wait3A_81 = arith.constant 0 : i32
    %dma_wait3A_82 = arith.constant 128 : i32
    %dma_wait3A_83 = arith.constant 0 : i32
    %dma_wait3A_84 = tpu.memref_slice %arg6[%dma_wait3A_82, %dma_wait3A_83] : memref<256x32xf32, #tpu.memory_space<vmem>> -> memref<128x32xf32, #tpu.memory_space<vmem>>
    %dma_wait3A_85 = arith.constant 0 : i32
    %dma_wait3A_86 = tpu.memref_slice %arg5[%dma_wait3A_80, %dma_wait3A_81, %dma_wait3A_85] : memref<200x2x128xi32, #tpu.memory_space<vmem>> -> memref<1x1x128xi32, #tpu.memory_space<vmem>>
    %dma_wait3A_87 = tpu.memref_squeeze %dma_wait3A_86 : memref<1x1x128xi32, #tpu.memory_space<vmem>> -> memref<128xi32, #tpu.memory_space<vmem>>
    %dma_wait3A_88 = arith.constant 0 : i32
    %dma_wait3A_89 = arith.constant 0 : i32
    %dma_wait3A_90 = tpu.memref_slice %arg2[%dma_wait3A_88, %dma_wait3A_89] : memref<2000000x32xf32, #tpu.memory_space<hbm>> -> memref<2000000x32xf32, #tpu.memory_space<hbm>>
    tpu.wait_indirect_dma semaphore(%arg10 : memref<!tpu.dma_semaphore, #tpu.memory_space<semaphore_mem>>) src(%dma_wait3A_90 : memref<2000000x32xf32, #tpu.memory_space<hbm>>) dst(%dma_wait3A_84 : memref<128x32xf32, #tpu.memory_space<vmem>>)
    %scan3A = arith.constant 0 : i32
    %scan3A_91 = arith.constant 0 : i32
    %scan3A_92 = arith.constant 128 : i32
    %scan3A_93 = arith.addi %scan3A_91, %scan3A_92 : i32
    %scan3A_94 = arith.constant 1 : i32
    scf.for %scan3A_738 = %scan3A_91 to %scan3A_93 step %scan3A_94  : i32 {
      %broadcast_in_dim3A = vector.broadcast %scan3A_738 : i32 to vector<16xi32>
      %mul3A_739 = arith.constant 2 : i32
      %mul3A_740 = arith.muli %mul3A_739, %scan3A_738 : i32
      %add3A_741 = arith.constant 0 : i32
      %add3A_742 = arith.addi %mul3A_740, %add3A_741 : i32
      %get3A = arith.index_cast %add3A_742 : i32 to index
      %get3A_743 = arith.constant 0 : index
      %get3A_744 = tpu.vector_load %arg6[%get3A, %get3A_743] {strides = array<i32>} : memref<256x32xf32, #tpu.memory_space<vmem>>, vector<16xf32>,
      %get3A_745 = arith.index_cast %add3A_742 : i32 to index
      %get3A_746 = arith.constant 16 : index
      %get3A_747 = tpu.vector_load %arg6[%get3A_745, %get3A_746] {strides = array<i32>} : memref<256x32xf32, #tpu.memory_space<vmem>>, vector<16xf32>,
      tpu.vector_store_idx %arg8[%add3A_8, %broadcast_in_dim3A], %get3A_744 : memref<64x129xf32, #tpu.memory_space<vmem>>[vector<16xi32>, vector<16xi32>], vector<16xf32>,
      tpu.vector_store_idx %arg8[%add3A_14, %broadcast_in_dim3A], %get3A_747 : memref<64x129xf32, #tpu.memory_space<vmem>>[vector<16xi32>, vector<16xi32>], vector<16xf32>,
      %mul3A_748 = arith.constant 2 : i32
      %mul3A_749 = arith.muli %mul3A_748, %scan3A_738 : i32
      %add3A_750 = arith.constant 1 : i32
      %add3A_751 = arith.addi %mul3A_749, %add3A_750 : i32
      %get3A_752 = arith.index_cast %add3A_751 : i32 to index
      %get3A_753 = arith.constant 0 : index
      %get3A_754 = tpu.vector_load %arg6[%get3A_752, %get3A_753] {strides = array<i32>} : memref<256x32xf32, #tpu.memory_space<vmem>>, vector<16xf32>,
      %get3A_755 = arith.index_cast %add3A_751 : i32 to index
      %get3A_756 = arith.constant 16 : index
      %get3A_757 = tpu.vector_load %arg6[%get3A_755, %get3A_756] {strides = array<i32>} : memref<256x32xf32, #tpu.memory_space<vmem>>, vector<16xf32>,
      tpu.vector_store_idx %arg8[%add3A_20, %broadcast_in_dim3A], %get3A_754 : memref<64x129xf32, #tpu.memory_space<vmem>>[vector<16xi32>, vector<16xi32>], vector<16xf32>,
      tpu.vector_store_idx %arg8[%add3A_26, %broadcast_in_dim3A], %get3A_757 : memref<64x129xf32, #tpu.memory_space<vmem>>[vector<16xi32>, vector<16xi32>], vector<16xf32>,
    }
    %scan3A_95 = arith.constant 128 : i32
    %add3A_96 = arith.constant 0 : i32
    %add3A_97 = arith.addi %mul3A_2, %add3A_96 : i32
    %jit3A = arith.constant 32 : i32
    %div3A = arith.divsi %add3A_97, %jit3A : i32
    %sign3A = arith.constant 0 : i32
    %sign3A_98 = arith.cmpi sgt, %add3A_97, %sign3A : i32
    %sign3A_99 = arith.extui %sign3A_98 : i1 to i32
    %sign3A_100 = arith.constant 0 : i32
    %sign3A_101 = arith.cmpi slt, %add3A_97, %sign3A_100 : i32
    %sign3A_102 = arith.extui %sign3A_101 : i1 to i32
    %sign3A_103 = arith.subi %sign3A_99, %sign3A_102 : i32
    %sign3A_104 = arith.constant 0 : i32
    %sign3A_105 = arith.cmpi sgt, %jit3A, %sign3A_104 : i32
    %sign3A_106 = arith.extui %sign3A_105 : i1 to i32
    %sign3A_107 = arith.constant 0 : i32
    %sign3A_108 = arith.cmpi slt, %jit3A, %sign3A_107 : i32
    %sign3A_109 = arith.extui %sign3A_108 : i1 to i32
    %sign3A_110 = arith.subi %sign3A_106, %sign3A_109 : i32
    %ne3A = arith.cmpi ne, %sign3A_103, %sign3A_110 : i32
    %rem3A = arith.remsi %add3A_97, %jit3A : i32
    %ne3A_111 = arith.constant 0 : i32
    %ne3A_112 = arith.cmpi ne, %rem3A, %ne3A_111 : i32
    %and3A = arith.andi %ne3A, %ne3A_112 : i1
    %sub3A = arith.constant 1 : i32
    %sub3A_113 = arith.subi %div3A, %sub3A : i32
    %select_n3A = arith.select %and3A, %sub3A_113, %div3A : i32
    %jit3A_114 = arith.constant 32 : i32
    %eq3A = arith.constant 0 : i32
    %eq3A_115 = arith.cmpi eq, %jit3A_114, %eq3A : i32
    %jit3A_116 = arith.constant 1 : i32
    %select_n3A_117 = arith.select %eq3A_115, %jit3A_116, %jit3A_114 : i32
    %rem3A_118 = arith.remsi %add3A_97, %select_n3A_117 : i32
    %ne3A_119 = arith.constant 0 : i32
    %ne3A_120 = arith.cmpi ne, %rem3A_118, %ne3A_119 : i32
    %lt3A = arith.constant 0 : i32
    %lt3A_121 = arith.cmpi slt, %rem3A_118, %lt3A : i32
    %lt3A_122 = arith.constant 0 : i32
    %lt3A_123 = arith.cmpi slt, %select_n3A_117, %lt3A_122 : i32
    %ne3A_124 = arith.xori %lt3A_121, %lt3A_123 : i1
    %and3A_125 = arith.andi %ne3A_124, %ne3A_120 : i1
    %add3A_126 = arith.addi %rem3A_118, %select_n3A_117 : i32
    %select_n3A_127 = arith.select %and3A_125, %add3A_126, %rem3A_118 : i32
    %dma_start3A_128 = arith.constant 0 : i32
    %dma_start3A_129 = arith.constant 0 : i32
    %dma_start3A_130 = arith.constant 0 : i32
    %dma_start3A_131 = tpu.memref_slice %arg8[%dma_start3A_129, %dma_start3A_130] : memref<64x129xf32, #tpu.memory_space<vmem>> -> memref<8x128xf32, #tpu.memory_space<vmem>>
    %dma_start3A_132 = arith.constant 0 : i32
    %dma_start3A_133 = arith.constant 0 : i32
    %dma_start3A_134 = tpu.memref_slice %arg4[%select_n3A, %dma_start3A_128, %select_n3A_127, %dma_start3A_132, %dma_start3A_133] : memref<200x8x32x8x128xf32, #tpu.memory_space<hbm>> -> memref<1x1x1x8x128xf32, #tpu.memory_space<hbm>>
    %dma_start3A_135 = tpu.memref_squeeze %dma_start3A_134 : memref<1x1x1x8x128xf32, #tpu.memory_space<hbm>> -> memref<8x128xf32, #tpu.memory_space<hbm>>
    %dma_start3A_136 = arith.constant 0 : i32
    %dma_start3A_137 = arith.constant 0 : i32
    %dma_start3A_138 = tpu.memref_slice %arg4[%select_n3A, %dma_start3A_128, %select_n3A_127, %dma_start3A_136, %dma_start3A_137] : memref<200x8x32x8x128xf32, #tpu.memory_space<hbm>> -> memref<1x1x1x8x128xf32, #tpu.memory_space<hbm>>
    %dma_start3A_139 = tpu.memref_squeeze %dma_start3A_138 : memref<1x1x1x8x128xf32, #tpu.memory_space<hbm>> -> memref<8x128xf32, #tpu.memory_space<hbm>>
    %dma_start3A_140 = arith.constant 0 : i32
    %dma_start3A_141 = arith.constant 0 : i32
    %dma_start3A_142 = tpu.memref_slice %arg8[%dma_start3A_140, %dma_start3A_141] : memref<64x129xf32, #tpu.memory_space<vmem>> -> memref<8x128xf32, #tpu.memory_space<vmem>>
    tpu.enqueue_dma source(%dma_start3A_142 : memref<8x128xf32, #tpu.memory_space<vmem>>) target(%dma_start3A_139 : memref<8x128xf32, #tpu.memory_space<hbm>>) target_semaphore(%arg12 : memref<!tpu.dma_semaphore, #tpu.memory_space<semaphore_mem>>)
    %dma_start3A_143 = arith.constant 1 : i32
    %dma_start3A_144 = arith.constant 8 : i32
    %dma_start3A_145 = arith.constant 0 : i32
    %dma_start3A_146 = tpu.memref_slice %arg8[%dma_start3A_144, %dma_start3A_145] : memref<64x129xf32, #tpu.memory_space<vmem>> -> memref<8x128xf32, #tpu.memory_space<vmem>>
    %dma_start3A_147 = arith.constant 0 : i32
    %dma_start3A_148 = arith.constant 0 : i32
    %dma_start3A_149 = tpu.memref_slice %arg4[%select_n3A, %dma_start3A_143, %select_n3A_127, %dma_start3A_147, %dma_start3A_148] : memref<200x8x32x8x128xf32, #tpu.memory_space<hbm>> -> memref<1x1x1x8x128xf32, #tpu.memory_space<hbm>>
    %dma_start3A_150 = tpu.memref_squeeze %dma_start3A_149 : memref<1x1x1x8x128xf32, #tpu.memory_space<hbm>> -> memref<8x128xf32, #tpu.memory_space<hbm>>
    %dma_start3A_151 = arith.constant 0 : i32
    %dma_start3A_152 = arith.constant 0 : i32
    %dma_start3A_153 = tpu.memref_slice %arg4[%select_n3A, %dma_start3A_143, %select_n3A_127, %dma_start3A_151, %dma_start3A_152] : memref<200x8x32x8x128xf32, #tpu.memory_space<hbm>> -> memref<1x1x1x8x128xf32, #tpu.memory_space<hbm>>
    %dma_start3A_154 = tpu.memref_squeeze %dma_start3A_153 : memref<1x1x1x8x128xf32, #tpu.memory_space<hbm>> -> memref<8x128xf32, #tpu.memory_space<hbm>>
    %dma_start3A_155 = arith.constant 8 : i32
    %dma_start3A_156 = arith.constant 0 : i32
    %dma_start3A_157 = tpu.memref_slice %arg8[%dma_start3A_155, %dma_start3A_156] : memref<64x129xf32, #tpu.memory_space<vmem>> -> memref<8x128xf32, #tpu.memory_space<vmem>>
    tpu.enqueue_dma source(%dma_start3A_157 : memref<8x128xf32, #tpu.memory_space<vmem>>) target(%dma_start3A_154 : memref<8x128xf32, #tpu.memory_space<hbm>>) target_semaphore(%arg12 : memref<!tpu.dma_semaphore, #tpu.memory_space<semaphore_mem>>)
    %dma_start3A_158 = arith.constant 2 : i32
    %dma_start3A_159 = arith.constant 16 : i32
    %dma_start3A_160 = arith.constant 0 : i32
    %dma_start3A_161 = tpu.memref_slice %arg8[%dma_start3A_159, %dma_start3A_160] : memref<64x129xf32, #tpu.memory_space<vmem>> -> memref<8x128xf32, #tpu.memory_space<vmem>>
    %dma_start3A_162 = arith.constant 0 : i32
    %dma_start3A_163 = arith.constant 0 : i32
    %dma_start3A_164 = tpu.memref_slice %arg4[%select_n3A, %dma_start3A_158, %select_n3A_127, %dma_start3A_162, %dma_start3A_163] : memref<200x8x32x8x128xf32, #tpu.memory_space<hbm>> -> memref<1x1x1x8x128xf32, #tpu.memory_space<hbm>>
    %dma_start3A_165 = tpu.memref_squeeze %dma_start3A_164 : memref<1x1x1x8x128xf32, #tpu.memory_space<hbm>> -> memref<8x128xf32, #tpu.memory_space<hbm>>
    %dma_start3A_166 = arith.constant 0 : i32
    %dma_start3A_167 = arith.constant 0 : i32
    %dma_start3A_168 = tpu.memref_slice %arg4[%select_n3A, %dma_start3A_158, %select_n3A_127, %dma_start3A_166, %dma_start3A_167] : memref<200x8x32x8x128xf32, #tpu.memory_space<hbm>> -> memref<1x1x1x8x128xf32, #tpu.memory_space<hbm>>
    %dma_start3A_169 = tpu.memref_squeeze %dma_start3A_168 : memref<1x1x1x8x128xf32, #tpu.memory_space<hbm>> -> memref<8x128xf32, #tpu.memory_space<hbm>>
    %dma_start3A_170 = arith.constant 16 : i32
    %dma_start3A_171 = arith.constant 0 : i32
    %dma_start3A_172 = tpu.memref_slice %arg8[%dma_start3A_170, %dma_start3A_171] : memref<64x129xf32, #tpu.memory_space<vmem>> -> memref<8x128xf32, #tpu.memory_space<vmem>>
    tpu.enqueue_dma source(%dma_start3A_172 : memref<8x128xf32, #tpu.memory_space<vmem>>) target(%dma_start3A_169 : memref<8x128xf32, #tpu.memory_space<hbm>>) target_semaphore(%arg12 : memref<!tpu.dma_semaphore, #tpu.memory_space<semaphore_mem>>)
    %dma_start3A_173 = arith.constant 3 : i32
    %dma_start3A_174 = arith.constant 24 : i32
    %dma_start3A_175 = arith.constant 0 : i32
    %dma_start3A_176 = tpu.memref_slice %arg8[%dma_start3A_174, %dma_start3A_175] : memref<64x129xf32, #tpu.memory_space<vmem>> -> memref<8x128xf32, #tpu.memory_space<vmem>>
    %dma_start3A_177 = arith.constant 0 : i32
    %dma_start3A_178 = arith.constant 0 : i32
    %dma_start3A_179 = tpu.memref_slice %arg4[%select_n3A, %dma_start3A_173, %select_n3A_127, %dma_start3A_177, %dma_start3A_178] : memref<200x8x32x8x128xf32, #tpu.memory_space<hbm>> -> memref<1x1x1x8x128xf32, #tpu.memory_space<hbm>>
    %dma_start3A_180 = tpu.memref_squeeze %dma_start3A_179 : memref<1x1x1x8x128xf32, #tpu.memory_space<hbm>> -> memref<8x128xf32, #tpu.memory_space<hbm>>
    %dma_start3A_181 = arith.constant 0 : i32
    %dma_start3A_182 = arith.constant 0 : i32
    %dma_start3A_183 = tpu.memref_slice %arg4[%select_n3A, %dma_start3A_173, %select_n3A_127, %dma_start3A_181, %dma_start3A_182] : memref<200x8x32x8x128xf32, #tpu.memory_space<hbm>> -> memref<1x1x1x8x128xf32, #tpu.memory_space<hbm>>
    %dma_start3A_184 = tpu.memref_squeeze %dma_start3A_183 : memref<1x1x1x8x128xf32, #tpu.memory_space<hbm>> -> memref<8x128xf32, #tpu.memory_space<hbm>>
    %dma_start3A_185 = arith.constant 24 : i32
    %dma_start3A_186 = arith.constant 0 : i32
    %dma_start3A_187 = tpu.memref_slice %arg8[%dma_start3A_185, %dma_start3A_186] : memref<64x129xf32, #tpu.memory_space<vmem>> -> memref<8x128xf32, #tpu.memory_space<vmem>>
    tpu.enqueue_dma source(%dma_start3A_187 : memref<8x128xf32, #tpu.memory_space<vmem>>) target(%dma_start3A_184 : memref<8x128xf32, #tpu.memory_space<hbm>>) target_semaphore(%arg12 : memref<!tpu.dma_semaphore, #tpu.memory_space<semaphore_mem>>)
    %dma_start3A_188 = arith.constant 4 : i32
    %dma_start3A_189 = arith.constant 32 : i32
    %dma_start3A_190 = arith.constant 0 : i32
    %dma_start3A_191 = tpu.memref_slice %arg8[%dma_start3A_189, %dma_start3A_190] : memref<64x129xf32, #tpu.memory_space<vmem>> -> memref<8x128xf32, #tpu.memory_space<vmem>>
    %dma_start3A_192 = arith.constant 0 : i32
    %dma_start3A_193 = arith.constant 0 : i32
    %dma_start3A_194 = tpu.memref_slice %arg4[%select_n3A, %dma_start3A_188, %select_n3A_127, %dma_start3A_192, %dma_start3A_193] : memref<200x8x32x8x128xf32, #tpu.memory_space<hbm>> -> memref<1x1x1x8x128xf32, #tpu.memory_space<hbm>>
    %dma_start3A_195 = tpu.memref_squeeze %dma_start3A_194 : memref<1x1x1x8x128xf32, #tpu.memory_space<hbm>> -> memref<8x128xf32, #tpu.memory_space<hbm>>
    %dma_start3A_196 = arith.constant 0 : i32
    %dma_start3A_197 = arith.constant 0 : i32
    %dma_start3A_198 = tpu.memref_slice %arg4[%select_n3A, %dma_start3A_188, %select_n3A_127, %dma_start3A_196, %dma_start3A_197] : memref<200x8x32x8x128xf32, #tpu.memory_space<hbm>> -> memref<1x1x1x8x128xf32, #tpu.memory_space<hbm>>
    %dma_start3A_199 = tpu.memref_squeeze %dma_start3A_198 : memref<1x1x1x8x128xf32, #tpu.memory_space<hbm>> -> memref<8x128xf32, #tpu.memory_space<hbm>>
    %dma_start3A_200 = arith.constant 32 : i32
    %dma_start3A_201 = arith.constant 0 : i32
    %dma_start3A_202 = tpu.memref_slice %arg8[%dma_start3A_200, %dma_start3A_201] : memref<64x129xf32, #tpu.memory_space<vmem>> -> memref<8x128xf32, #tpu.memory_space<vmem>>
    tpu.enqueue_dma source(%dma_start3A_202 : memref<8x128xf32, #tpu.memory_space<vmem>>) target(%dma_start3A_199 : memref<8x128xf32, #tpu.memory_space<hbm>>) target_semaphore(%arg12 : memref<!tpu.dma_semaphore, #tpu.memory_space<semaphore_mem>>)
    %dma_start3A_203 = arith.constant 5 : i32
    %dma_start3A_204 = arith.constant 40 : i32
    %dma_start3A_205 = arith.constant 0 : i32
    %dma_start3A_206 = tpu.memref_slice %arg8[%dma_start3A_204, %dma_start3A_205] : memref<64x129xf32, #tpu.memory_space<vmem>> -> memref<8x128xf32, #tpu.memory_space<vmem>>
    %dma_start3A_207 = arith.constant 0 : i32
    %dma_start3A_208 = arith.constant 0 : i32
    %dma_start3A_209 = tpu.memref_slice %arg4[%select_n3A, %dma_start3A_203, %select_n3A_127, %dma_start3A_207, %dma_start3A_208] : memref<200x8x32x8x128xf32, #tpu.memory_space<hbm>> -> memref<1x1x1x8x128xf32, #tpu.memory_space<hbm>>
    %dma_start3A_210 = tpu.memref_squeeze %dma_start3A_209 : memref<1x1x1x8x128xf32, #tpu.memory_space<hbm>> -> memref<8x128xf32, #tpu.memory_space<hbm>>
    %dma_start3A_211 = arith.constant 0 : i32
    %dma_start3A_212 = arith.constant 0 : i32
    %dma_start3A_213 = tpu.memref_slice %arg4[%select_n3A, %dma_start3A_203, %select_n3A_127, %dma_start3A_211, %dma_start3A_212] : memref<200x8x32x8x128xf32, #tpu.memory_space<hbm>> -> memref<1x1x1x8x128xf32, #tpu.memory_space<hbm>>
    %dma_start3A_214 = tpu.memref_squeeze %dma_start3A_213 : memref<1x1x1x8x128xf32, #tpu.memory_space<hbm>> -> memref<8x128xf32, #tpu.memory_space<hbm>>
    %dma_start3A_215 = arith.constant 40 : i32
    %dma_start3A_216 = arith.constant 0 : i32
    %dma_start3A_217 = tpu.memref_slice %arg8[%dma_start3A_215, %dma_start3A_216] : memref<64x129xf32, #tpu.memory_space<vmem>> -> memref<8x128xf32, #tpu.memory_space<vmem>>
    tpu.enqueue_dma source(%dma_start3A_217 : memref<8x128xf32, #tpu.memory_space<vmem>>) target(%dma_start3A_214 : memref<8x128xf32, #tpu.memory_space<hbm>>) target_semaphore(%arg12 : memref<!tpu.dma_semaphore, #tpu.memory_space<semaphore_mem>>)
    %dma_start3A_218 = arith.constant 6 : i32
    %dma_start3A_219 = arith.constant 48 : i32
    %dma_start3A_220 = arith.constant 0 : i32
    %dma_start3A_221 = tpu.memref_slice %arg8[%dma_start3A_219, %dma_start3A_220] : memref<64x129xf32, #tpu.memory_space<vmem>> -> memref<8x128xf32, #tpu.memory_space<vmem>>
    %dma_start3A_222 = arith.constant 0 : i32
    %dma_start3A_223 = arith.constant 0 : i32
    %dma_start3A_224 = tpu.memref_slice %arg4[%select_n3A, %dma_start3A_218, %select_n3A_127, %dma_start3A_222, %dma_start3A_223] : memref<200x8x32x8x128xf32, #tpu.memory_space<hbm>> -> memref<1x1x1x8x128xf32, #tpu.memory_space<hbm>>
    %dma_start3A_225 = tpu.memref_squeeze %dma_start3A_224 : memref<1x1x1x8x128xf32, #tpu.memory_space<hbm>> -> memref<8x128xf32, #tpu.memory_space<hbm>>
    %dma_start3A_226 = arith.constant 0 : i32
    %dma_start3A_227 = arith.constant 0 : i32
    %dma_start3A_228 = tpu.memref_slice %arg4[%select_n3A, %dma_start3A_218, %select_n3A_127, %dma_start3A_226, %dma_start3A_227] : memref<200x8x32x8x128xf32, #tpu.memory_space<hbm>> -> memref<1x1x1x8x128xf32, #tpu.memory_space<hbm>>
    %dma_start3A_229 = tpu.memref_squeeze %dma_start3A_228 : memref<1x1x1x8x128xf32, #tpu.memory_space<hbm>> -> memref<8x128xf32, #tpu.memory_space<hbm>>
    %dma_start3A_230 = arith.constant 48 : i32
    %dma_start3A_231 = arith.constant 0 : i32
    %dma_start3A_232 = tpu.memref_slice %arg8[%dma_start3A_230, %dma_start3A_231] : memref<64x129xf32, #tpu.memory_space<vmem>> -> memref<8x128xf32, #tpu.memory_space<vmem>>
    tpu.enqueue_dma source(%dma_start3A_232 : memref<8x128xf32, #tpu.memory_space<vmem>>) target(%dma_start3A_229 : memref<8x128xf32, #tpu.memory_space<hbm>>) target_semaphore(%arg12 : memref<!tpu.dma_semaphore, #tpu.memory_space<semaphore_mem>>)
    %dma_start3A_233 = arith.constant 7 : i32
    %dma_start3A_234 = arith.constant 56 : i32
    %dma_start3A_235 = arith.constant 0 : i32
    %dma_start3A_236 = tpu.memref_slice %arg8[%dma_start3A_234, %dma_start3A_235] : memref<64x129xf32, #tpu.memory_space<vmem>> -> memref<8x128xf32, #tpu.memory_space<vmem>>
    %dma_start3A_237 = arith.constant 0 : i32
    %dma_start3A_238 = arith.constant 0 : i32
    %dma_start3A_239 = tpu.memref_slice %arg4[%select_n3A, %dma_start3A_233, %select_n3A_127, %dma_start3A_237, %dma_start3A_238] : memref<200x8x32x8x128xf32, #tpu.memory_space<hbm>> -> memref<1x1x1x8x128xf32, #tpu.memory_space<hbm>>
    %dma_start3A_240 = tpu.memref_squeeze %dma_start3A_239 : memref<1x1x1x8x128xf32, #tpu.memory_space<hbm>> -> memref<8x128xf32, #tpu.memory_space<hbm>>
    %dma_start3A_241 = arith.constant 0 : i32
    %dma_start3A_242 = arith.constant 0 : i32
    %dma_start3A_243 = tpu.memref_slice %arg4[%select_n3A, %dma_start3A_233, %select_n3A_127, %dma_start3A_241, %dma_start3A_242] : memref<200x8x32x8x128xf32, #tpu.memory_space<hbm>> -> memref<1x1x1x8x128xf32, #tpu.memory_space<hbm>>
    %dma_start3A_244 = tpu.memref_squeeze %dma_start3A_243 : memref<1x1x1x8x128xf32, #tpu.memory_space<hbm>> -> memref<8x128xf32, #tpu.memory_space<hbm>>
    %dma_start3A_245 = arith.constant 56 : i32
    %dma_start3A_246 = arith.constant 0 : i32
    %dma_start3A_247 = tpu.memref_slice %arg8[%dma_start3A_245, %dma_start3A_246] : memref<64x129xf32, #tpu.memory_space<vmem>> -> memref<8x128xf32, #tpu.memory_space<vmem>>
    tpu.enqueue_dma source(%dma_start3A_247 : memref<8x128xf32, #tpu.memory_space<vmem>>) target(%dma_start3A_244 : memref<8x128xf32, #tpu.memory_space<hbm>>) target_semaphore(%arg12 : memref<!tpu.dma_semaphore, #tpu.memory_space<semaphore_mem>>)
    %dma_start3A_248 = arith.constant 2 : i32
    %dma_start3A_249 = arith.constant 0 : i32
    %dma_start3A_250 = arith.constant 0 : i32
    %dma_start3A_251 = arith.constant 0 : i32
    %dma_start3A_252 = tpu.memref_slice %arg6[%dma_start3A_250, %dma_start3A_251] : memref<256x32xf32, #tpu.memory_space<vmem>> -> memref<128x32xf32, #tpu.memory_space<vmem>>
    %dma_start3A_253 = arith.constant 0 : i32
    %dma_start3A_254 = tpu.memref_slice %arg5[%dma_start3A_248, %dma_start3A_249, %dma_start3A_253] : memref<200x2x128xi32, #tpu.memory_space<vmem>> -> memref<1x1x128xi32, #tpu.memory_space<vmem>>
    %dma_start3A_255 = tpu.memref_squeeze %dma_start3A_254 : memref<1x1x128xi32, #tpu.memory_space<vmem>> -> memref<128xi32, #tpu.memory_space<vmem>>
    %dma_start3A_256 = arith.constant 0 : i32
    %dma_start3A_257 = arith.constant 0 : i32
    %dma_start3A_258 = tpu.memref_slice %arg2[%dma_start3A_256, %dma_start3A_257] : memref<2000000x32xf32, #tpu.memory_space<hbm>> -> memref<2000000x32xf32, #tpu.memory_space<hbm>>
    tpu.enqueue_indirect_dma source(%dma_start3A_258 : memref<2000000x32xf32, #tpu.memory_space<hbm>>) target(%dma_start3A_252 : memref<128x32xf32, #tpu.memory_space<vmem>>) offsets(%dma_start3A_255 : memref<128xi32, #tpu.memory_space<vmem>>) semaphore(%arg10 : memref<!tpu.dma_semaphore, #tpu.memory_space<semaphore_mem>>)
    %dma_start3A_259 = arith.constant 2 : i32
    %dma_start3A_260 = arith.constant 1 : i32
    %dma_start3A_261 = arith.constant 128 : i32
    %dma_start3A_262 = arith.constant 0 : i32
    %dma_start3A_263 = tpu.memref_slice %arg6[%dma_start3A_261, %dma_start3A_262] : memref<256x32xf32, #tpu.memory_space<vmem>> -> memref<128x32xf32, #tpu.memory_space<vmem>>
    %dma_start3A_264 = arith.constant 0 : i32
    %dma_start3A_265 = tpu.memref_slice %arg5[%dma_start3A_259, %dma_start3A_260, %dma_start3A_264] : memref<200x2x128xi32, #tpu.memory_space<vmem>> -> memref<1x1x128xi32, #tpu.memory_space<vmem>>
    %dma_start3A_266 = tpu.memref_squeeze %dma_start3A_265 : memref<1x1x128xi32, #tpu.memory_space<vmem>> -> memref<128xi32, #tpu.memory_space<vmem>>
    %dma_start3A_267 = arith.constant 0 : i32
    %dma_start3A_268 = arith.constant 0 : i32
    %dma_start3A_269 = tpu.memref_slice %arg2[%dma_start3A_267, %dma_start3A_268] : memref<2000000x32xf32, #tpu.memory_space<hbm>> -> memref<2000000x32xf32, #tpu.memory_space<hbm>>
    tpu.enqueue_indirect_dma source(%dma_start3A_269 : memref<2000000x32xf32, #tpu.memory_space<hbm>>) target(%dma_start3A_263 : memref<128x32xf32, #tpu.memory_space<vmem>>) offsets(%dma_start3A_266 : memref<128xi32, #tpu.memory_space<vmem>>) semaphore(%arg10 : memref<!tpu.dma_semaphore, #tpu.memory_space<semaphore_mem>>)
    %dma_wait3A_270 = arith.constant 0 : i32
    %dma_wait3A_271 = arith.constant 0 : i32
    %dma_wait3A_272 = arith.constant 0 : i32
    %dma_wait3A_273 = arith.constant 0 : i32
    %dma_wait3A_274 = tpu.memref_slice %arg7[%dma_wait3A_272, %dma_wait3A_273] : memref<256x32xf32, #tpu.memory_space<vmem>> -> memref<128x32xf32, #tpu.memory_space<vmem>>
    %dma_wait3A_275 = arith.constant 0 : i32
    %dma_wait3A_276 = tpu.memref_slice %arg5[%dma_wait3A_270, %dma_wait3A_271, %dma_wait3A_275] : memref<200x2x128xi32, #tpu.memory_space<vmem>> -> memref<1x1x128xi32, #tpu.memory_space<vmem>>
    %dma_wait3A_277 = tpu.memref_squeeze %dma_wait3A_276 : memref<1x1x128xi32, #tpu.memory_space<vmem>> -> memref<128xi32, #tpu.memory_space<vmem>>
    %dma_wait3A_278 = arith.constant 0 : i32
    %dma_wait3A_279 = arith.constant 0 : i32
    %dma_wait3A_280 = tpu.memref_slice %arg2[%dma_wait3A_278, %dma_wait3A_279] : memref<2000000x32xf32, #tpu.memory_space<hbm>> -> memref<2000000x32xf32, #tpu.memory_space<hbm>>
    tpu.wait_indirect_dma semaphore(%arg11 : memref<!tpu.dma_semaphore, #tpu.memory_space<semaphore_mem>>) src(%dma_wait3A_280 : memref<2000000x32xf32, #tpu.memory_space<hbm>>) dst(%dma_wait3A_274 : memref<128x32xf32, #tpu.memory_space<vmem>>)
    %dma_wait3A_281 = arith.constant 0 : i32
    %dma_wait3A_282 = arith.constant 0 : i32
    %dma_wait3A_283 = arith.constant 128 : i32
    %dma_wait3A_284 = arith.constant 0 : i32
    %dma_wait3A_285 = tpu.memref_slice %arg7[%dma_wait3A_283, %dma_wait3A_284] : memref<256x32xf32, #tpu.memory_space<vmem>> -> memref<128x32xf32, #tpu.memory_space<vmem>>
    %dma_wait3A_286 = arith.constant 0 : i32
    %dma_wait3A_287 = tpu.memref_slice %arg5[%dma_wait3A_281, %dma_wait3A_282, %dma_wait3A_286] : memref<200x2x128xi32, #tpu.memory_space<vmem>> -> memref<1x1x128xi32, #tpu.memory_space<vmem>>
    %dma_wait3A_288 = tpu.memref_squeeze %dma_wait3A_287 : memref<1x1x128xi32, #tpu.memory_space<vmem>> -> memref<128xi32, #tpu.memory_space<vmem>>
    %dma_wait3A_289 = arith.constant 0 : i32
    %dma_wait3A_290 = arith.constant 0 : i32
    %dma_wait3A_291 = tpu.memref_slice %arg2[%dma_wait3A_289, %dma_wait3A_290] : memref<2000000x32xf32, #tpu.memory_space<hbm>> -> memref<2000000x32xf32, #tpu.memory_space<hbm>>
    tpu.wait_indirect_dma semaphore(%arg11 : memref<!tpu.dma_semaphore, #tpu.memory_space<semaphore_mem>>) src(%dma_wait3A_291 : memref<2000000x32xf32, #tpu.memory_space<hbm>>) dst(%dma_wait3A_285 : memref<128x32xf32, #tpu.memory_space<vmem>>)
    %scan3A_292 = arith.constant 0 : i32
    %scan3A_293 = arith.constant 0 : i32
    %scan3A_294 = arith.constant 128 : i32
    %scan3A_295 = arith.addi %scan3A_293, %scan3A_294 : i32
    %scan3A_296 = arith.constant 1 : i32
    scf.for %scan3A_738 = %scan3A_293 to %scan3A_295 step %scan3A_296  : i32 {
      %broadcast_in_dim3A = vector.broadcast %scan3A_738 : i32 to vector<16xi32>
      %mul3A_739 = arith.constant 2 : i32
      %mul3A_740 = arith.muli %mul3A_739, %scan3A_738 : i32
      %add3A_741 = arith.constant 0 : i32
      %add3A_742 = arith.addi %mul3A_740, %add3A_741 : i32
      %get3A = arith.index_cast %add3A_742 : i32 to index
      %get3A_743 = arith.constant 0 : index
      %get3A_744 = tpu.vector_load %arg7[%get3A, %get3A_743] {strides = array<i32>} : memref<256x32xf32, #tpu.memory_space<vmem>>, vector<16xf32>,
      %get3A_745 = arith.index_cast %add3A_742 : i32 to index
      %get3A_746 = arith.constant 16 : index
      %get3A_747 = tpu.vector_load %arg7[%get3A_745, %get3A_746] {strides = array<i32>} : memref<256x32xf32, #tpu.memory_space<vmem>>, vector<16xf32>,
      tpu.vector_store_idx %arg9[%add3A_8, %broadcast_in_dim3A], %get3A_744 : memref<64x129xf32, #tpu.memory_space<vmem>>[vector<16xi32>, vector<16xi32>], vector<16xf32>,
      tpu.vector_store_idx %arg9[%add3A_14, %broadcast_in_dim3A], %get3A_747 : memref<64x129xf32, #tpu.memory_space<vmem>>[vector<16xi32>, vector<16xi32>], vector<16xf32>,
      %mul3A_748 = arith.constant 2 : i32
      %mul3A_749 = arith.muli %mul3A_748, %scan3A_738 : i32
      %add3A_750 = arith.constant 1 : i32
      %add3A_751 = arith.addi %mul3A_749, %add3A_750 : i32
      %get3A_752 = arith.index_cast %add3A_751 : i32 to index
      %get3A_753 = arith.constant 0 : index
      %get3A_754 = tpu.vector_load %arg7[%get3A_752, %get3A_753] {strides = array<i32>} : memref<256x32xf32, #tpu.memory_space<vmem>>, vector<16xf32>,
      %get3A_755 = arith.index_cast %add3A_751 : i32 to index
      %get3A_756 = arith.constant 16 : index
      %get3A_757 = tpu.vector_load %arg7[%get3A_755, %get3A_756] {strides = array<i32>} : memref<256x32xf32, #tpu.memory_space<vmem>>, vector<16xf32>,
      tpu.vector_store_idx %arg9[%add3A_20, %broadcast_in_dim3A], %get3A_754 : memref<64x129xf32, #tpu.memory_space<vmem>>[vector<16xi32>, vector<16xi32>], vector<16xf32>,
      tpu.vector_store_idx %arg9[%add3A_26, %broadcast_in_dim3A], %get3A_757 : memref<64x129xf32, #tpu.memory_space<vmem>>[vector<16xi32>, vector<16xi32>], vector<16xf32>,
    }
    %scan3A_297 = arith.constant 128 : i32
    %add3A_298 = arith.constant 1 : i32
    %add3A_299 = arith.addi %mul3A_2, %add3A_298 : i32
    %jit3A_300 = arith.constant 32 : i32
    %div3A_301 = arith.divsi %add3A_299, %jit3A_300 : i32
    %sign3A_302 = arith.constant 0 : i32
    %sign3A_303 = arith.cmpi sgt, %add3A_299, %sign3A_302 : i32
    %sign3A_304 = arith.extui %sign3A_303 : i1 to i32
    %sign3A_305 = arith.constant 0 : i32
    %sign3A_306 = arith.cmpi slt, %add3A_299, %sign3A_305 : i32
    %sign3A_307 = arith.extui %sign3A_306 : i1 to i32
    %sign3A_308 = arith.subi %sign3A_304, %sign3A_307 : i32
    %sign3A_309 = arith.constant 0 : i32
    %sign3A_310 = arith.cmpi sgt, %jit3A_300, %sign3A_309 : i32
    %sign3A_311 = arith.extui %sign3A_310 : i1 to i32
    %sign3A_312 = arith.constant 0 : i32
    %sign3A_313 = arith.cmpi slt, %jit3A_300, %sign3A_312 : i32
    %sign3A_314 = arith.extui %sign3A_313 : i1 to i32
    %sign3A_315 = arith.subi %sign3A_311, %sign3A_314 : i32
    %ne3A_316 = arith.cmpi ne, %sign3A_308, %sign3A_315 : i32
    %rem3A_317 = arith.remsi %add3A_299, %jit3A_300 : i32
    %ne3A_318 = arith.constant 0 : i32
    %ne3A_319 = arith.cmpi ne, %rem3A_317, %ne3A_318 : i32
    %and3A_320 = arith.andi %ne3A_316, %ne3A_319 : i1
    %sub3A_321 = arith.constant 1 : i32
    %sub3A_322 = arith.subi %div3A_301, %sub3A_321 : i32
    %select_n3A_323 = arith.select %and3A_320, %sub3A_322, %div3A_301 : i32
    %jit3A_324 = arith.constant 32 : i32
    %eq3A_325 = arith.constant 0 : i32
    %eq3A_326 = arith.cmpi eq, %jit3A_324, %eq3A_325 : i32
    %jit3A_327 = arith.constant 1 : i32
    %select_n3A_328 = arith.select %eq3A_326, %jit3A_327, %jit3A_324 : i32
    %rem3A_329 = arith.remsi %add3A_299, %select_n3A_328 : i32
    %ne3A_330 = arith.constant 0 : i32
    %ne3A_331 = arith.cmpi ne, %rem3A_329, %ne3A_330 : i32
    %lt3A_332 = arith.constant 0 : i32
    %lt3A_333 = arith.cmpi slt, %rem3A_329, %lt3A_332 : i32
    %lt3A_334 = arith.constant 0 : i32
    %lt3A_335 = arith.cmpi slt, %select_n3A_328, %lt3A_334 : i32
    %ne3A_336 = arith.xori %lt3A_333, %lt3A_335 : i1
    %and3A_337 = arith.andi %ne3A_336, %ne3A_331 : i1
    %add3A_338 = arith.addi %rem3A_329, %select_n3A_328 : i32
    %select_n3A_339 = arith.select %and3A_337, %add3A_338, %rem3A_329 : i32
    %dma_start3A_340 = arith.constant 0 : i32
    %dma_start3A_341 = arith.constant 0 : i32
    %dma_start3A_342 = arith.constant 0 : i32
    %dma_start3A_343 = tpu.memref_slice %arg9[%dma_start3A_341, %dma_start3A_342] : memref<64x129xf32, #tpu.memory_space<vmem>> -> memref<8x128xf32, #tpu.memory_space<vmem>>
    %dma_start3A_344 = arith.constant 0 : i32
    %dma_start3A_345 = arith.constant 0 : i32
    %dma_start3A_346 = tpu.memref_slice %arg4[%select_n3A_323, %dma_start3A_340, %select_n3A_339, %dma_start3A_344, %dma_start3A_345] : memref<200x8x32x8x128xf32, #tpu.memory_space<hbm>> -> memref<1x1x1x8x128xf32, #tpu.memory_space<hbm>>
    %dma_start3A_347 = tpu.memref_squeeze %dma_start3A_346 : memref<1x1x1x8x128xf32, #tpu.memory_space<hbm>> -> memref<8x128xf32, #tpu.memory_space<hbm>>
    %dma_start3A_348 = arith.constant 0 : i32
    %dma_start3A_349 = arith.constant 0 : i32
    %dma_start3A_350 = tpu.memref_slice %arg4[%select_n3A_323, %dma_start3A_340, %select_n3A_339, %dma_start3A_348, %dma_start3A_349] : memref<200x8x32x8x128xf32, #tpu.memory_space<hbm>> -> memref<1x1x1x8x128xf32, #tpu.memory_space<hbm>>
    %dma_start3A_351 = tpu.memref_squeeze %dma_start3A_350 : memref<1x1x1x8x128xf32, #tpu.memory_space<hbm>> -> memref<8x128xf32, #tpu.memory_space<hbm>>
    %dma_start3A_352 = arith.constant 0 : i32
    %dma_start3A_353 = arith.constant 0 : i32
    %dma_start3A_354 = tpu.memref_slice %arg9[%dma_start3A_352, %dma_start3A_353] : memref<64x129xf32, #tpu.memory_space<vmem>> -> memref<8x128xf32, #tpu.memory_space<vmem>>
    tpu.enqueue_dma source(%dma_start3A_354 : memref<8x128xf32, #tpu.memory_space<vmem>>) target(%dma_start3A_351 : memref<8x128xf32, #tpu.memory_space<hbm>>) target_semaphore(%arg13 : memref<!tpu.dma_semaphore, #tpu.memory_space<semaphore_mem>>)
    %dma_start3A_355 = arith.constant 1 : i32
    %dma_start3A_356 = arith.constant 8 : i32
    %dma_start3A_357 = arith.constant 0 : i32
    %dma_start3A_358 = tpu.memref_slice %arg9[%dma_start3A_356, %dma_start3A_357] : memref<64x129xf32, #tpu.memory_space<vmem>> -> memref<8x128xf32, #tpu.memory_space<vmem>>
    %dma_start3A_359 = arith.constant 0 : i32
    %dma_start3A_360 = arith.constant 0 : i32
    %dma_start3A_361 = tpu.memref_slice %arg4[%select_n3A_323, %dma_start3A_355, %select_n3A_339, %dma_start3A_359, %dma_start3A_360] : memref<200x8x32x8x128xf32, #tpu.memory_space<hbm>> -> memref<1x1x1x8x128xf32, #tpu.memory_space<hbm>>
    %dma_start3A_362 = tpu.memref_squeeze %dma_start3A_361 : memref<1x1x1x8x128xf32, #tpu.memory_space<hbm>> -> memref<8x128xf32, #tpu.memory_space<hbm>>
    %dma_start3A_363 = arith.constant 0 : i32
    %dma_start3A_364 = arith.constant 0 : i32
    %dma_start3A_365 = tpu.memref_slice %arg4[%select_n3A_323, %dma_start3A_355, %select_n3A_339, %dma_start3A_363, %dma_start3A_364] : memref<200x8x32x8x128xf32, #tpu.memory_space<hbm>> -> memref<1x1x1x8x128xf32, #tpu.memory_space<hbm>>
    %dma_start3A_366 = tpu.memref_squeeze %dma_start3A_365 : memref<1x1x1x8x128xf32, #tpu.memory_space<hbm>> -> memref<8x128xf32, #tpu.memory_space<hbm>>
    %dma_start3A_367 = arith.constant 8 : i32
    %dma_start3A_368 = arith.constant 0 : i32
    %dma_start3A_369 = tpu.memref_slice %arg9[%dma_start3A_367, %dma_start3A_368] : memref<64x129xf32, #tpu.memory_space<vmem>> -> memref<8x128xf32, #tpu.memory_space<vmem>>
    tpu.enqueue_dma source(%dma_start3A_369 : memref<8x128xf32, #tpu.memory_space<vmem>>) target(%dma_start3A_366 : memref<8x128xf32, #tpu.memory_space<hbm>>) target_semaphore(%arg13 : memref<!tpu.dma_semaphore, #tpu.memory_space<semaphore_mem>>)
    %dma_start3A_370 = arith.constant 2 : i32
    %dma_start3A_371 = arith.constant 16 : i32
    %dma_start3A_372 = arith.constant 0 : i32
    %dma_start3A_373 = tpu.memref_slice %arg9[%dma_start3A_371, %dma_start3A_372] : memref<64x129xf32, #tpu.memory_space<vmem>> -> memref<8x128xf32, #tpu.memory_space<vmem>>
    %dma_start3A_374 = arith.constant 0 : i32
    %dma_start3A_375 = arith.constant 0 : i32
    %dma_start3A_376 = tpu.memref_slice %arg4[%select_n3A_323, %dma_start3A_370, %select_n3A_339, %dma_start3A_374, %dma_start3A_375] : memref<200x8x32x8x128xf32, #tpu.memory_space<hbm>> -> memref<1x1x1x8x128xf32, #tpu.memory_space<hbm>>
    %dma_start3A_377 = tpu.memref_squeeze %dma_start3A_376 : memref<1x1x1x8x128xf32, #tpu.memory_space<hbm>> -> memref<8x128xf32, #tpu.memory_space<hbm>>
    %dma_start3A_378 = arith.constant 0 : i32
    %dma_start3A_379 = arith.constant 0 : i32
    %dma_start3A_380 = tpu.memref_slice %arg4[%select_n3A_323, %dma_start3A_370, %select_n3A_339, %dma_start3A_378, %dma_start3A_379] : memref<200x8x32x8x128xf32, #tpu.memory_space<hbm>> -> memref<1x1x1x8x128xf32, #tpu.memory_space<hbm>>
    %dma_start3A_381 = tpu.memref_squeeze %dma_start3A_380 : memref<1x1x1x8x128xf32, #tpu.memory_space<hbm>> -> memref<8x128xf32, #tpu.memory_space<hbm>>
    %dma_start3A_382 = arith.constant 16 : i32
    %dma_start3A_383 = arith.constant 0 : i32
    %dma_start3A_384 = tpu.memref_slice %arg9[%dma_start3A_382, %dma_start3A_383] : memref<64x129xf32, #tpu.memory_space<vmem>> -> memref<8x128xf32, #tpu.memory_space<vmem>>
    tpu.enqueue_dma source(%dma_start3A_384 : memref<8x128xf32, #tpu.memory_space<vmem>>) target(%dma_start3A_381 : memref<8x128xf32, #tpu.memory_space<hbm>>) target_semaphore(%arg13 : memref<!tpu.dma_semaphore, #tpu.memory_space<semaphore_mem>>)
    %dma_start3A_385 = arith.constant 3 : i32
    %dma_start3A_386 = arith.constant 24 : i32
    %dma_start3A_387 = arith.constant 0 : i32
    %dma_start3A_388 = tpu.memref_slice %arg9[%dma_start3A_386, %dma_start3A_387] : memref<64x129xf32, #tpu.memory_space<vmem>> -> memref<8x128xf32, #tpu.memory_space<vmem>>
    %dma_start3A_389 = arith.constant 0 : i32
    %dma_start3A_390 = arith.constant 0 : i32
    %dma_start3A_391 = tpu.memref_slice %arg4[%select_n3A_323, %dma_start3A_385, %select_n3A_339, %dma_start3A_389, %dma_start3A_390] : memref<200x8x32x8x128xf32, #tpu.memory_space<hbm>> -> memref<1x1x1x8x128xf32, #tpu.memory_space<hbm>>
    %dma_start3A_392 = tpu.memref_squeeze %dma_start3A_391 : memref<1x1x1x8x128xf32, #tpu.memory_space<hbm>> -> memref<8x128xf32, #tpu.memory_space<hbm>>
    %dma_start3A_393 = arith.constant 0 : i32
    %dma_start3A_394 = arith.constant 0 : i32
    %dma_start3A_395 = tpu.memref_slice %arg4[%select_n3A_323, %dma_start3A_385, %select_n3A_339, %dma_start3A_393, %dma_start3A_394] : memref<200x8x32x8x128xf32, #tpu.memory_space<hbm>> -> memref<1x1x1x8x128xf32, #tpu.memory_space<hbm>>
    %dma_start3A_396 = tpu.memref_squeeze %dma_start3A_395 : memref<1x1x1x8x128xf32, #tpu.memory_space<hbm>> -> memref<8x128xf32, #tpu.memory_space<hbm>>
    %dma_start3A_397 = arith.constant 24 : i32
    %dma_start3A_398 = arith.constant 0 : i32
    %dma_start3A_399 = tpu.memref_slice %arg9[%dma_start3A_397, %dma_start3A_398] : memref<64x129xf32, #tpu.memory_space<vmem>> -> memref<8x128xf32, #tpu.memory_space<vmem>>
    tpu.enqueue_dma source(%dma_start3A_399 : memref<8x128xf32, #tpu.memory_space<vmem>>) target(%dma_start3A_396 : memref<8x128xf32, #tpu.memory_space<hbm>>) target_semaphore(%arg13 : memref<!tpu.dma_semaphore, #tpu.memory_space<semaphore_mem>>)
    %dma_start3A_400 = arith.constant 4 : i32
    %dma_start3A_401 = arith.constant 32 : i32
    %dma_start3A_402 = arith.constant 0 : i32
    %dma_start3A_403 = tpu.memref_slice %arg9[%dma_start3A_401, %dma_start3A_402] : memref<64x129xf32, #tpu.memory_space<vmem>> -> memref<8x128xf32, #tpu.memory_space<vmem>>
    %dma_start3A_404 = arith.constant 0 : i32
    %dma_start3A_405 = arith.constant 0 : i32
    %dma_start3A_406 = tpu.memref_slice %arg4[%select_n3A_323, %dma_start3A_400, %select_n3A_339, %dma_start3A_404, %dma_start3A_405] : memref<200x8x32x8x128xf32, #tpu.memory_space<hbm>> -> memref<1x1x1x8x128xf32, #tpu.memory_space<hbm>>
    %dma_start3A_407 = tpu.memref_squeeze %dma_start3A_406 : memref<1x1x1x8x128xf32, #tpu.memory_space<hbm>> -> memref<8x128xf32, #tpu.memory_space<hbm>>
    %dma_start3A_408 = arith.constant 0 : i32
    %dma_start3A_409 = arith.constant 0 : i32
    %dma_start3A_410 = tpu.memref_slice %arg4[%select_n3A_323, %dma_start3A_400, %select_n3A_339, %dma_start3A_408, %dma_start3A_409] : memref<200x8x32x8x128xf32, #tpu.memory_space<hbm>> -> memref<1x1x1x8x128xf32, #tpu.memory_space<hbm>>
    %dma_start3A_411 = tpu.memref_squeeze %dma_start3A_410 : memref<1x1x1x8x128xf32, #tpu.memory_space<hbm>> -> memref<8x128xf32, #tpu.memory_space<hbm>>
    %dma_start3A_412 = arith.constant 32 : i32
    %dma_start3A_413 = arith.constant 0 : i32
    %dma_start3A_414 = tpu.memref_slice %arg9[%dma_start3A_412, %dma_start3A_413] : memref<64x129xf32, #tpu.memory_space<vmem>> -> memref<8x128xf32, #tpu.memory_space<vmem>>
    tpu.enqueue_dma source(%dma_start3A_414 : memref<8x128xf32, #tpu.memory_space<vmem>>) target(%dma_start3A_411 : memref<8x128xf32, #tpu.memory_space<hbm>>) target_semaphore(%arg13 : memref<!tpu.dma_semaphore, #tpu.memory_space<semaphore_mem>>)
    %dma_start3A_415 = arith.constant 5 : i32
    %dma_start3A_416 = arith.constant 40 : i32
    %dma_start3A_417 = arith.constant 0 : i32
    %dma_start3A_418 = tpu.memref_slice %arg9[%dma_start3A_416, %dma_start3A_417] : memref<64x129xf32, #tpu.memory_space<vmem>> -> memref<8x128xf32, #tpu.memory_space<vmem>>
    %dma_start3A_419 = arith.constant 0 : i32
    %dma_start3A_420 = arith.constant 0 : i32
    %dma_start3A_421 = tpu.memref_slice %arg4[%select_n3A_323, %dma_start3A_415, %select_n3A_339, %dma_start3A_419, %dma_start3A_420] : memref<200x8x32x8x128xf32, #tpu.memory_space<hbm>> -> memref<1x1x1x8x128xf32, #tpu.memory_space<hbm>>
    %dma_start3A_422 = tpu.memref_squeeze %dma_start3A_421 : memref<1x1x1x8x128xf32, #tpu.memory_space<hbm>> -> memref<8x128xf32, #tpu.memory_space<hbm>>
    %dma_start3A_423 = arith.constant 0 : i32
    %dma_start3A_424 = arith.constant 0 : i32
    %dma_start3A_425 = tpu.memref_slice %arg4[%select_n3A_323, %dma_start3A_415, %select_n3A_339, %dma_start3A_423, %dma_start3A_424] : memref<200x8x32x8x128xf32, #tpu.memory_space<hbm>> -> memref<1x1x1x8x128xf32, #tpu.memory_space<hbm>>
    %dma_start3A_426 = tpu.memref_squeeze %dma_start3A_425 : memref<1x1x1x8x128xf32, #tpu.memory_space<hbm>> -> memref<8x128xf32, #tpu.memory_space<hbm>>
    %dma_start3A_427 = arith.constant 40 : i32
    %dma_start3A_428 = arith.constant 0 : i32
    %dma_start3A_429 = tpu.memref_slice %arg9[%dma_start3A_427, %dma_start3A_428] : memref<64x129xf32, #tpu.memory_space<vmem>> -> memref<8x128xf32, #tpu.memory_space<vmem>>
    tpu.enqueue_dma source(%dma_start3A_429 : memref<8x128xf32, #tpu.memory_space<vmem>>) target(%dma_start3A_426 : memref<8x128xf32, #tpu.memory_space<hbm>>) target_semaphore(%arg13 : memref<!tpu.dma_semaphore, #tpu.memory_space<semaphore_mem>>)
    %dma_start3A_430 = arith.constant 6 : i32
    %dma_start3A_431 = arith.constant 48 : i32
    %dma_start3A_432 = arith.constant 0 : i32
    %dma_start3A_433 = tpu.memref_slice %arg9[%dma_start3A_431, %dma_start3A_432] : memref<64x129xf32, #tpu.memory_space<vmem>> -> memref<8x128xf32, #tpu.memory_space<vmem>>
    %dma_start3A_434 = arith.constant 0 : i32
    %dma_start3A_435 = arith.constant 0 : i32
    %dma_start3A_436 = tpu.memref_slice %arg4[%select_n3A_323, %dma_start3A_430, %select_n3A_339, %dma_start3A_434, %dma_start3A_435] : memref<200x8x32x8x128xf32, #tpu.memory_space<hbm>> -> memref<1x1x1x8x128xf32, #tpu.memory_space<hbm>>
    %dma_start3A_437 = tpu.memref_squeeze %dma_start3A_436 : memref<1x1x1x8x128xf32, #tpu.memory_space<hbm>> -> memref<8x128xf32, #tpu.memory_space<hbm>>
    %dma_start3A_438 = arith.constant 0 : i32
    %dma_start3A_439 = arith.constant 0 : i32
    %dma_start3A_440 = tpu.memref_slice %arg4[%select_n3A_323, %dma_start3A_430, %select_n3A_339, %dma_start3A_438, %dma_start3A_439] : memref<200x8x32x8x128xf32, #tpu.memory_space<hbm>> -> memref<1x1x1x8x128xf32, #tpu.memory_space<hbm>>
    %dma_start3A_441 = tpu.memref_squeeze %dma_start3A_440 : memref<1x1x1x8x128xf32, #tpu.memory_space<hbm>> -> memref<8x128xf32, #tpu.memory_space<hbm>>
    %dma_start3A_442 = arith.constant 48 : i32
    %dma_start3A_443 = arith.constant 0 : i32
    %dma_start3A_444 = tpu.memref_slice %arg9[%dma_start3A_442, %dma_start3A_443] : memref<64x129xf32, #tpu.memory_space<vmem>> -> memref<8x128xf32, #tpu.memory_space<vmem>>
    tpu.enqueue_dma source(%dma_start3A_444 : memref<8x128xf32, #tpu.memory_space<vmem>>) target(%dma_start3A_441 : memref<8x128xf32, #tpu.memory_space<hbm>>) target_semaphore(%arg13 : memref<!tpu.dma_semaphore, #tpu.memory_space<semaphore_mem>>)
    %dma_start3A_445 = arith.constant 7 : i32
    %dma_start3A_446 = arith.constant 56 : i32
    %dma_start3A_447 = arith.constant 0 : i32
    %dma_start3A_448 = tpu.memref_slice %arg9[%dma_start3A_446, %dma_start3A_447] : memref<64x129xf32, #tpu.memory_space<vmem>> -> memref<8x128xf32, #tpu.memory_space<vmem>>
    %dma_start3A_449 = arith.constant 0 : i32
    %dma_start3A_450 = arith.constant 0 : i32
    %dma_start3A_451 = tpu.memref_slice %arg4[%select_n3A_323, %dma_start3A_445, %select_n3A_339, %dma_start3A_449, %dma_start3A_450] : memref<200x8x32x8x128xf32, #tpu.memory_space<hbm>> -> memref<1x1x1x8x128xf32, #tpu.memory_space<hbm>>
    %dma_start3A_452 = tpu.memref_squeeze %dma_start3A_451 : memref<1x1x1x8x128xf32, #tpu.memory_space<hbm>> -> memref<8x128xf32, #tpu.memory_space<hbm>>
    %dma_start3A_453 = arith.constant 0 : i32
    %dma_start3A_454 = arith.constant 0 : i32
    %dma_start3A_455 = tpu.memref_slice %arg4[%select_n3A_323, %dma_start3A_445, %select_n3A_339, %dma_start3A_453, %dma_start3A_454] : memref<200x8x32x8x128xf32, #tpu.memory_space<hbm>> -> memref<1x1x1x8x128xf32, #tpu.memory_space<hbm>>
    %dma_start3A_456 = tpu.memref_squeeze %dma_start3A_455 : memref<1x1x1x8x128xf32, #tpu.memory_space<hbm>> -> memref<8x128xf32, #tpu.memory_space<hbm>>
    %dma_start3A_457 = arith.constant 56 : i32
    %dma_start3A_458 = arith.constant 0 : i32
    %dma_start3A_459 = tpu.memref_slice %arg9[%dma_start3A_457, %dma_start3A_458] : memref<64x129xf32, #tpu.memory_space<vmem>> -> memref<8x128xf32, #tpu.memory_space<vmem>>
    tpu.enqueue_dma source(%dma_start3A_459 : memref<8x128xf32, #tpu.memory_space<vmem>>) target(%dma_start3A_456 : memref<8x128xf32, #tpu.memory_space<hbm>>) target_semaphore(%arg13 : memref<!tpu.dma_semaphore, #tpu.memory_space<semaphore_mem>>)
    %scan3A_460 = arith.constant 0 : i32
    %scan3A_461 = arith.constant 1 : i32
    %scan3A_462 = arith.constant 99 : i32
    %scan3A_463 = arith.addi %scan3A_461, %scan3A_462 : i32
    %scan3A_464 = arith.constant 1 : i32
    scf.for %scan3A_738 = %scan3A_461 to %scan3A_463 step %scan3A_464  : i32 {
      %mul3A_739 = arith.constant 2 : i32
      %mul3A_740 = arith.muli %mul3A_739, %scan3A_738 : i32
      %add3A_741 = arith.constant 1 : i32
      %add3A_742 = arith.addi %mul3A_740, %add3A_741 : i32
      %lt3A_743 = arith.constant 200 : i32
      %lt3A_744 = arith.cmpi slt, %add3A_742, %lt3A_743 : i32
      %convert_element_type3A = arith.extui %lt3A_744 : i1 to i32
      %cond3A = arith.constant 0 : i32
      %cond3A_745 = arith.cmpi ne, %convert_element_type3A, %cond3A : i32
      scf.if %cond3A_745 {
        %add3A_1407 = arith.constant 1 : i32
        %add3A_1408 = arith.addi %mul3A_740, %add3A_1407 : i32
        %dma_start3A_1409 = arith.constant 0 : i32
        %dma_start3A_1410 = arith.constant 0 : i32
        %dma_start3A_1411 = arith.constant 0 : i32
        %dma_start3A_1412 = tpu.memref_slice %arg7[%dma_start3A_1410, %dma_start3A_1411] : memref<256x32xf32, #tpu.memory_space<vmem>> -> memref<128x32xf32, #tpu.memory_space<vmem>>
        %dma_start3A_1413 = arith.constant 0 : i32
        %dma_start3A_1414 = tpu.memref_slice %arg5[%add3A_1408, %dma_start3A_1409, %dma_start3A_1413] : memref<200x2x128xi32, #tpu.memory_space<vmem>> -> memref<1x1x128xi32, #tpu.memory_space<vmem>>
        %dma_start3A_1415 = tpu.memref_squeeze %dma_start3A_1414 : memref<1x1x128xi32, #tpu.memory_space<vmem>> -> memref<128xi32, #tpu.memory_space<vmem>>
        %dma_start3A_1416 = arith.constant 0 : i32
        %dma_start3A_1417 = arith.constant 0 : i32
        %dma_start3A_1418 = tpu.memref_slice %arg2[%dma_start3A_1416, %dma_start3A_1417] : memref<2000000x32xf32, #tpu.memory_space<hbm>> -> memref<2000000x32xf32, #tpu.memory_space<hbm>>
        tpu.enqueue_indirect_dma source(%dma_start3A_1418 : memref<2000000x32xf32, #tpu.memory_space<hbm>>) target(%dma_start3A_1412 : memref<128x32xf32, #tpu.memory_space<vmem>>) offsets(%dma_start3A_1415 : memref<128xi32, #tpu.memory_space<vmem>>) semaphore(%arg11 : memref<!tpu.dma_semaphore, #tpu.memory_space<semaphore_mem>>)
        %dma_start3A_1419 = arith.constant 1 : i32
        %dma_start3A_1420 = arith.constant 128 : i32
        %dma_start3A_1421 = arith.constant 0 : i32
        %dma_start3A_1422 = tpu.memref_slice %arg7[%dma_start3A_1420, %dma_start3A_1421] : memref<256x32xf32, #tpu.memory_space<vmem>> -> memref<128x32xf32, #tpu.memory_space<vmem>>
        %dma_start3A_1423 = arith.constant 0 : i32
        %dma_start3A_1424 = tpu.memref_slice %arg5[%add3A_1408, %dma_start3A_1419, %dma_start3A_1423] : memref<200x2x128xi32, #tpu.memory_space<vmem>> -> memref<1x1x128xi32, #tpu.memory_space<vmem>>
        %dma_start3A_1425 = tpu.memref_squeeze %dma_start3A_1424 : memref<1x1x128xi32, #tpu.memory_space<vmem>> -> memref<128xi32, #tpu.memory_space<vmem>>
        %dma_start3A_1426 = arith.constant 0 : i32
        %dma_start3A_1427 = arith.constant 0 : i32
        %dma_start3A_1428 = tpu.memref_slice %arg2[%dma_start3A_1426, %dma_start3A_1427] : memref<2000000x32xf32, #tpu.memory_space<hbm>> -> memref<2000000x32xf32, #tpu.memory_space<hbm>>
        tpu.enqueue_indirect_dma source(%dma_start3A_1428 : memref<2000000x32xf32, #tpu.memory_space<hbm>>) target(%dma_start3A_1422 : memref<128x32xf32, #tpu.memory_space<vmem>>) offsets(%dma_start3A_1425 : memref<128xi32, #tpu.memory_space<vmem>>) semaphore(%arg11 : memref<!tpu.dma_semaphore, #tpu.memory_space<semaphore_mem>>)
      } else {
      }
      %dma_wait3A_746 = arith.constant 0 : i32
      %dma_wait3A_747 = arith.constant 0 : i32
      %dma_wait3A_748 = arith.constant 0 : i32
      %dma_wait3A_749 = arith.constant 0 : i32
      %dma_wait3A_750 = tpu.memref_slice %arg6[%dma_wait3A_748, %dma_wait3A_749] : memref<256x32xf32, #tpu.memory_space<vmem>> -> memref<128x32xf32, #tpu.memory_space<vmem>>
      %dma_wait3A_751 = arith.constant 0 : i32
      %dma_wait3A_752 = tpu.memref_slice %arg5[%dma_wait3A_746, %dma_wait3A_747, %dma_wait3A_751] : memref<200x2x128xi32, #tpu.memory_space<vmem>> -> memref<1x1x128xi32, #tpu.memory_space<vmem>>
      %dma_wait3A_753 = tpu.memref_squeeze %dma_wait3A_752 : memref<1x1x128xi32, #tpu.memory_space<vmem>> -> memref<128xi32, #tpu.memory_space<vmem>>
      %dma_wait3A_754 = arith.constant 0 : i32
      %dma_wait3A_755 = arith.constant 0 : i32
      %dma_wait3A_756 = tpu.memref_slice %arg2[%dma_wait3A_754, %dma_wait3A_755] : memref<2000000x32xf32, #tpu.memory_space<hbm>> -> memref<2000000x32xf32, #tpu.memory_space<hbm>>
      tpu.wait_indirect_dma semaphore(%arg10 : memref<!tpu.dma_semaphore, #tpu.memory_space<semaphore_mem>>) src(%dma_wait3A_756 : memref<2000000x32xf32, #tpu.memory_space<hbm>>) dst(%dma_wait3A_750 : memref<128x32xf32, #tpu.memory_space<vmem>>)
      %dma_wait3A_757 = arith.constant 0 : i32
      %dma_wait3A_758 = arith.constant 0 : i32
      %dma_wait3A_759 = arith.constant 128 : i32
      %dma_wait3A_760 = arith.constant 0 : i32
      %dma_wait3A_761 = tpu.memref_slice %arg6[%dma_wait3A_759, %dma_wait3A_760] : memref<256x32xf32, #tpu.memory_space<vmem>> -> memref<128x32xf32, #tpu.memory_space<vmem>>
      %dma_wait3A_762 = arith.constant 0 : i32
      %dma_wait3A_763 = tpu.memref_slice %arg5[%dma_wait3A_757, %dma_wait3A_758, %dma_wait3A_762] : memref<200x2x128xi32, #tpu.memory_space<vmem>> -> memref<1x1x128xi32, #tpu.memory_space<vmem>>
      %dma_wait3A_764 = tpu.memref_squeeze %dma_wait3A_763 : memref<1x1x128xi32, #tpu.memory_space<vmem>> -> memref<128xi32, #tpu.memory_space<vmem>>
      %dma_wait3A_765 = arith.constant 0 : i32
      %dma_wait3A_766 = arith.constant 0 : i32
      %dma_wait3A_767 = tpu.memref_slice %arg2[%dma_wait3A_765, %dma_wait3A_766] : memref<2000000x32xf32, #tpu.memory_space<hbm>> -> memref<2000000x32xf32, #tpu.memory_space<hbm>>
      tpu.wait_indirect_dma semaphore(%arg10 : memref<!tpu.dma_semaphore, #tpu.memory_space<semaphore_mem>>) src(%dma_wait3A_767 : memref<2000000x32xf32, #tpu.memory_space<hbm>>) dst(%dma_wait3A_761 : memref<128x32xf32, #tpu.memory_space<vmem>>)
      %dma_wait3A_768 = arith.constant 0 : i32
      %dma_wait3A_769 = arith.constant 0 : i32
      %dma_wait3A_770 = arith.constant 0 : i32
      %dma_wait3A_771 = arith.constant 0 : i32
      %dma_wait3A_772 = arith.constant 0 : i32
      %dma_wait3A_773 = tpu.memref_slice %arg8[%dma_wait3A_771, %dma_wait3A_772] : memref<64x129xf32, #tpu.memory_space<vmem>> -> memref<8x128xf32, #tpu.memory_space<vmem>>
      %dma_wait3A_774 = arith.constant 0 : i32
      %dma_wait3A_775 = arith.constant 0 : i32
      %dma_wait3A_776 = tpu.memref_slice %arg4[%dma_wait3A_768, %dma_wait3A_769, %dma_wait3A_770, %dma_wait3A_774, %dma_wait3A_775] : memref<200x8x32x8x128xf32, #tpu.memory_space<hbm>> -> memref<1x1x1x8x128xf32, #tpu.memory_space<hbm>>
      %dma_wait3A_777 = tpu.memref_squeeze %dma_wait3A_776 : memref<1x1x1x8x128xf32, #tpu.memory_space<hbm>> -> memref<8x128xf32, #tpu.memory_space<hbm>>
      %dma_wait3A_778 = arith.constant 0 : i32
      %dma_wait3A_779 = arith.constant 0 : i32
      %dma_wait3A_780 = tpu.memref_slice %arg4[%dma_wait3A_768, %dma_wait3A_769, %dma_wait3A_770, %dma_wait3A_778, %dma_wait3A_779] : memref<200x8x32x8x128xf32, #tpu.memory_space<hbm>> -> memref<1x1x1x8x128xf32, #tpu.memory_space<hbm>>
      %dma_wait3A_781 = tpu.memref_squeeze %dma_wait3A_780 : memref<1x1x1x8x128xf32, #tpu.memory_space<hbm>> -> memref<8x128xf32, #tpu.memory_space<hbm>>
      %dma_wait3A_782 = arith.constant 0 : i32
      %dma_wait3A_783 = arith.constant 0 : i32
      %dma_wait3A_784 = tpu.memref_slice %arg8[%dma_wait3A_782, %dma_wait3A_783] : memref<64x129xf32, #tpu.memory_space<vmem>> -> memref<8x128xf32, #tpu.memory_space<vmem>>
      tpu.wait_dma2 semaphore(%arg12 : memref<!tpu.dma_semaphore, #tpu.memory_space<semaphore_mem>>) src(%dma_wait3A_784 : memref<8x128xf32, #tpu.memory_space<vmem>>) dst(%dma_wait3A_781 : memref<8x128xf32, #tpu.memory_space<hbm>>)
      %dma_wait3A_785 = arith.constant 0 : i32
      %dma_wait3A_786 = arith.constant 1 : i32
      %dma_wait3A_787 = arith.constant 0 : i32
      %dma_wait3A_788 = arith.constant 8 : i32
      %dma_wait3A_789 = arith.constant 0 : i32
      %dma_wait3A_790 = tpu.memref_slice %arg8[%dma_wait3A_788, %dma_wait3A_789] : memref<64x129xf32, #tpu.memory_space<vmem>> -> memref<8x128xf32, #tpu.memory_space<vmem>>
      %dma_wait3A_791 = arith.constant 0 : i32
      %dma_wait3A_792 = arith.constant 0 : i32
      %dma_wait3A_793 = tpu.memref_slice %arg4[%dma_wait3A_785, %dma_wait3A_786, %dma_wait3A_787, %dma_wait3A_791, %dma_wait3A_792] : memref<200x8x32x8x128xf32, #tpu.memory_space<hbm>> -> memref<1x1x1x8x128xf32, #tpu.memory_space<hbm>>
      %dma_wait3A_794 = tpu.memref_squeeze %dma_wait3A_793 : memref<1x1x1x8x128xf32, #tpu.memory_space<hbm>> -> memref<8x128xf32, #tpu.memory_space<hbm>>
      %dma_wait3A_795 = arith.constant 0 : i32
      %dma_wait3A_796 = arith.constant 0 : i32
      %dma_wait3A_797 = tpu.memref_slice %arg4[%dma_wait3A_785, %dma_wait3A_786, %dma_wait3A_787, %dma_wait3A_795, %dma_wait3A_796] : memref<200x8x32x8x128xf32, #tpu.memory_space<hbm>> -> memref<1x1x1x8x128xf32, #tpu.memory_space<hbm>>
      %dma_wait3A_798 = tpu.memref_squeeze %dma_wait3A_797 : memref<1x1x1x8x128xf32, #tpu.memory_space<hbm>> -> memref<8x128xf32, #tpu.memory_space<hbm>>
      %dma_wait3A_799 = arith.constant 8 : i32
      %dma_wait3A_800 = arith.constant 0 : i32
      %dma_wait3A_801 = tpu.memref_slice %arg8[%dma_wait3A_799, %dma_wait3A_800] : memref<64x129xf32, #tpu.memory_space<vmem>> -> memref<8x128xf32, #tpu.memory_space<vmem>>
      tpu.wait_dma2 semaphore(%arg12 : memref<!tpu.dma_semaphore, #tpu.memory_space<semaphore_mem>>) src(%dma_wait3A_801 : memref<8x128xf32, #tpu.memory_space<vmem>>) dst(%dma_wait3A_798 : memref<8x128xf32, #tpu.memory_space<hbm>>)
      %dma_wait3A_802 = arith.constant 0 : i32
      %dma_wait3A_803 = arith.constant 2 : i32
      %dma_wait3A_804 = arith.constant 0 : i32
      %dma_wait3A_805 = arith.constant 16 : i32
      %dma_wait3A_806 = arith.constant 0 : i32
      %dma_wait3A_807 = tpu.memref_slice %arg8[%dma_wait3A_805, %dma_wait3A_806] : memref<64x129xf32, #tpu.memory_space<vmem>> -> memref<8x128xf32, #tpu.memory_space<vmem>>
      %dma_wait3A_808 = arith.constant 0 : i32
      %dma_wait3A_809 = arith.constant 0 : i32
      %dma_wait3A_810 = tpu.memref_slice %arg4[%dma_wait3A_802, %dma_wait3A_803, %dma_wait3A_804, %dma_wait3A_808, %dma_wait3A_809] : memref<200x8x32x8x128xf32, #tpu.memory_space<hbm>> -> memref<1x1x1x8x128xf32, #tpu.memory_space<hbm>>
      %dma_wait3A_811 = tpu.memref_squeeze %dma_wait3A_810 : memref<1x1x1x8x128xf32, #tpu.memory_space<hbm>> -> memref<8x128xf32, #tpu.memory_space<hbm>>
      %dma_wait3A_812 = arith.constant 0 : i32
      %dma_wait3A_813 = arith.constant 0 : i32
      %dma_wait3A_814 = tpu.memref_slice %arg4[%dma_wait3A_802, %dma_wait3A_803, %dma_wait3A_804, %dma_wait3A_812, %dma_wait3A_813] : memref<200x8x32x8x128xf32, #tpu.memory_space<hbm>> -> memref<1x1x1x8x128xf32, #tpu.memory_space<hbm>>
      %dma_wait3A_815 = tpu.memref_squeeze %dma_wait3A_814 : memref<1x1x1x8x128xf32, #tpu.memory_space<hbm>> -> memref<8x128xf32, #tpu.memory_space<hbm>>
      %dma_wait3A_816 = arith.constant 16 : i32
      %dma_wait3A_817 = arith.constant 0 : i32
      %dma_wait3A_818 = tpu.memref_slice %arg8[%dma_wait3A_816, %dma_wait3A_817] : memref<64x129xf32, #tpu.memory_space<vmem>> -> memref<8x128xf32, #tpu.memory_space<vmem>>
      tpu.wait_dma2 semaphore(%arg12 : memref<!tpu.dma_semaphore, #tpu.memory_space<semaphore_mem>>) src(%dma_wait3A_818 : memref<8x128xf32, #tpu.memory_space<vmem>>) dst(%dma_wait3A_815 : memref<8x128xf32, #tpu.memory_space<hbm>>)
      %dma_wait3A_819 = arith.constant 0 : i32
      %dma_wait3A_820 = arith.constant 3 : i32
      %dma_wait3A_821 = arith.constant 0 : i32
      %dma_wait3A_822 = arith.constant 24 : i32
      %dma_wait3A_823 = arith.constant 0 : i32
      %dma_wait3A_824 = tpu.memref_slice %arg8[%dma_wait3A_822, %dma_wait3A_823] : memref<64x129xf32, #tpu.memory_space<vmem>> -> memref<8x128xf32, #tpu.memory_space<vmem>>
      %dma_wait3A_825 = arith.constant 0 : i32
      %dma_wait3A_826 = arith.constant 0 : i32
      %dma_wait3A_827 = tpu.memref_slice %arg4[%dma_wait3A_819, %dma_wait3A_820, %dma_wait3A_821, %dma_wait3A_825, %dma_wait3A_826] : memref<200x8x32x8x128xf32, #tpu.memory_space<hbm>> -> memref<1x1x1x8x128xf32, #tpu.memory_space<hbm>>
      %dma_wait3A_828 = tpu.memref_squeeze %dma_wait3A_827 : memref<1x1x1x8x128xf32, #tpu.memory_space<hbm>> -> memref<8x128xf32, #tpu.memory_space<hbm>>
      %dma_wait3A_829 = arith.constant 0 : i32
      %dma_wait3A_830 = arith.constant 0 : i32
      %dma_wait3A_831 = tpu.memref_slice %arg4[%dma_wait3A_819, %dma_wait3A_820, %dma_wait3A_821, %dma_wait3A_829, %dma_wait3A_830] : memref<200x8x32x8x128xf32, #tpu.memory_space<hbm>> -> memref<1x1x1x8x128xf32, #tpu.memory_space<hbm>>
      %dma_wait3A_832 = tpu.memref_squeeze %dma_wait3A_831 : memref<1x1x1x8x128xf32, #tpu.memory_space<hbm>> -> memref<8x128xf32, #tpu.memory_space<hbm>>
      %dma_wait3A_833 = arith.constant 24 : i32
      %dma_wait3A_834 = arith.constant 0 : i32
      %dma_wait3A_835 = tpu.memref_slice %arg8[%dma_wait3A_833, %dma_wait3A_834] : memref<64x129xf32, #tpu.memory_space<vmem>> -> memref<8x128xf32, #tpu.memory_space<vmem>>
      tpu.wait_dma2 semaphore(%arg12 : memref<!tpu.dma_semaphore, #tpu.memory_space<semaphore_mem>>) src(%dma_wait3A_835 : memref<8x128xf32, #tpu.memory_space<vmem>>) dst(%dma_wait3A_832 : memref<8x128xf32, #tpu.memory_space<hbm>>)
      %dma_wait3A_836 = arith.constant 0 : i32
      %dma_wait3A_837 = arith.constant 4 : i32
      %dma_wait3A_838 = arith.constant 0 : i32
      %dma_wait3A_839 = arith.constant 32 : i32
      %dma_wait3A_840 = arith.constant 0 : i32
      %dma_wait3A_841 = tpu.memref_slice %arg8[%dma_wait3A_839, %dma_wait3A_840] : memref<64x129xf32, #tpu.memory_space<vmem>> -> memref<8x128xf32, #tpu.memory_space<vmem>>
      %dma_wait3A_842 = arith.constant 0 : i32
      %dma_wait3A_843 = arith.constant 0 : i32
      %dma_wait3A_844 = tpu.memref_slice %arg4[%dma_wait3A_836, %dma_wait3A_837, %dma_wait3A_838, %dma_wait3A_842, %dma_wait3A_843] : memref<200x8x32x8x128xf32, #tpu.memory_space<hbm>> -> memref<1x1x1x8x128xf32, #tpu.memory_space<hbm>>
      %dma_wait3A_845 = tpu.memref_squeeze %dma_wait3A_844 : memref<1x1x1x8x128xf32, #tpu.memory_space<hbm>> -> memref<8x128xf32, #tpu.memory_space<hbm>>
      %dma_wait3A_846 = arith.constant 0 : i32
      %dma_wait3A_847 = arith.constant 0 : i32
      %dma_wait3A_848 = tpu.memref_slice %arg4[%dma_wait3A_836, %dma_wait3A_837, %dma_wait3A_838, %dma_wait3A_846, %dma_wait3A_847] : memref<200x8x32x8x128xf32, #tpu.memory_space<hbm>> -> memref<1x1x1x8x128xf32, #tpu.memory_space<hbm>>
      %dma_wait3A_849 = tpu.memref_squeeze %dma_wait3A_848 : memref<1x1x1x8x128xf32, #tpu.memory_space<hbm>> -> memref<8x128xf32, #tpu.memory_space<hbm>>
      %dma_wait3A_850 = arith.constant 32 : i32
      %dma_wait3A_851 = arith.constant 0 : i32
      %dma_wait3A_852 = tpu.memref_slice %arg8[%dma_wait3A_850, %dma_wait3A_851] : memref<64x129xf32, #tpu.memory_space<vmem>> -> memref<8x128xf32, #tpu.memory_space<vmem>>
      tpu.wait_dma2 semaphore(%arg12 : memref<!tpu.dma_semaphore, #tpu.memory_space<semaphore_mem>>) src(%dma_wait3A_852 : memref<8x128xf32, #tpu.memory_space<vmem>>) dst(%dma_wait3A_849 : memref<8x128xf32, #tpu.memory_space<hbm>>)
      %dma_wait3A_853 = arith.constant 0 : i32
      %dma_wait3A_854 = arith.constant 5 : i32
      %dma_wait3A_855 = arith.constant 0 : i32
      %dma_wait3A_856 = arith.constant 40 : i32
      %dma_wait3A_857 = arith.constant 0 : i32
      %dma_wait3A_858 = tpu.memref_slice %arg8[%dma_wait3A_856, %dma_wait3A_857] : memref<64x129xf32, #tpu.memory_space<vmem>> -> memref<8x128xf32, #tpu.memory_space<vmem>>
      %dma_wait3A_859 = arith.constant 0 : i32
      %dma_wait3A_860 = arith.constant 0 : i32
      %dma_wait3A_861 = tpu.memref_slice %arg4[%dma_wait3A_853, %dma_wait3A_854, %dma_wait3A_855, %dma_wait3A_859, %dma_wait3A_860] : memref<200x8x32x8x128xf32, #tpu.memory_space<hbm>> -> memref<1x1x1x8x128xf32, #tpu.memory_space<hbm>>
      %dma_wait3A_862 = tpu.memref_squeeze %dma_wait3A_861 : memref<1x1x1x8x128xf32, #tpu.memory_space<hbm>> -> memref<8x128xf32, #tpu.memory_space<hbm>>
      %dma_wait3A_863 = arith.constant 0 : i32
      %dma_wait3A_864 = arith.constant 0 : i32
      %dma_wait3A_865 = tpu.memref_slice %arg4[%dma_wait3A_853, %dma_wait3A_854, %dma_wait3A_855, %dma_wait3A_863, %dma_wait3A_864] : memref<200x8x32x8x128xf32, #tpu.memory_space<hbm>> -> memref<1x1x1x8x128xf32, #tpu.memory_space<hbm>>
      %dma_wait3A_866 = tpu.memref_squeeze %dma_wait3A_865 : memref<1x1x1x8x128xf32, #tpu.memory_space<hbm>> -> memref<8x128xf32, #tpu.memory_space<hbm>>
      %dma_wait3A_867 = arith.constant 40 : i32
      %dma_wait3A_868 = arith.constant 0 : i32
      %dma_wait3A_869 = tpu.memref_slice %arg8[%dma_wait3A_867, %dma_wait3A_868] : memref<64x129xf32, #tpu.memory_space<vmem>> -> memref<8x128xf32, #tpu.memory_space<vmem>>
      tpu.wait_dma2 semaphore(%arg12 : memref<!tpu.dma_semaphore, #tpu.memory_space<semaphore_mem>>) src(%dma_wait3A_869 : memref<8x128xf32, #tpu.memory_space<vmem>>) dst(%dma_wait3A_866 : memref<8x128xf32, #tpu.memory_space<hbm>>)
      %dma_wait3A_870 = arith.constant 0 : i32
      %dma_wait3A_871 = arith.constant 6 : i32
      %dma_wait3A_872 = arith.constant 0 : i32
      %dma_wait3A_873 = arith.constant 48 : i32
      %dma_wait3A_874 = arith.constant 0 : i32
      %dma_wait3A_875 = tpu.memref_slice %arg8[%dma_wait3A_873, %dma_wait3A_874] : memref<64x129xf32, #tpu.memory_space<vmem>> -> memref<8x128xf32, #tpu.memory_space<vmem>>
      %dma_wait3A_876 = arith.constant 0 : i32
      %dma_wait3A_877 = arith.constant 0 : i32
      %dma_wait3A_878 = tpu.memref_slice %arg4[%dma_wait3A_870, %dma_wait3A_871, %dma_wait3A_872, %dma_wait3A_876, %dma_wait3A_877] : memref<200x8x32x8x128xf32, #tpu.memory_space<hbm>> -> memref<1x1x1x8x128xf32, #tpu.memory_space<hbm>>
      %dma_wait3A_879 = tpu.memref_squeeze %dma_wait3A_878 : memref<1x1x1x8x128xf32, #tpu.memory_space<hbm>> -> memref<8x128xf32, #tpu.memory_space<hbm>>
      %dma_wait3A_880 = arith.constant 0 : i32
      %dma_wait3A_881 = arith.constant 0 : i32
      %dma_wait3A_882 = tpu.memref_slice %arg4[%dma_wait3A_870, %dma_wait3A_871, %dma_wait3A_872, %dma_wait3A_880, %dma_wait3A_881] : memref<200x8x32x8x128xf32, #tpu.memory_space<hbm>> -> memref<1x1x1x8x128xf32, #tpu.memory_space<hbm>>
      %dma_wait3A_883 = tpu.memref_squeeze %dma_wait3A_882 : memref<1x1x1x8x128xf32, #tpu.memory_space<hbm>> -> memref<8x128xf32, #tpu.memory_space<hbm>>
      %dma_wait3A_884 = arith.constant 48 : i32
      %dma_wait3A_885 = arith.constant 0 : i32
      %dma_wait3A_886 = tpu.memref_slice %arg8[%dma_wait3A_884, %dma_wait3A_885] : memref<64x129xf32, #tpu.memory_space<vmem>> -> memref<8x128xf32, #tpu.memory_space<vmem>>
      tpu.wait_dma2 semaphore(%arg12 : memref<!tpu.dma_semaphore, #tpu.memory_space<semaphore_mem>>) src(%dma_wait3A_886 : memref<8x128xf32, #tpu.memory_space<vmem>>) dst(%dma_wait3A_883 : memref<8x128xf32, #tpu.memory_space<hbm>>)
      %dma_wait3A_887 = arith.constant 0 : i32
      %dma_wait3A_888 = arith.constant 7 : i32
      %dma_wait3A_889 = arith.constant 0 : i32
      %dma_wait3A_890 = arith.constant 56 : i32
      %dma_wait3A_891 = arith.constant 0 : i32
      %dma_wait3A_892 = tpu.memref_slice %arg8[%dma_wait3A_890, %dma_wait3A_891] : memref<64x129xf32, #tpu.memory_space<vmem>> -> memref<8x128xf32, #tpu.memory_space<vmem>>
      %dma_wait3A_893 = arith.constant 0 : i32
      %dma_wait3A_894 = arith.constant 0 : i32
      %dma_wait3A_895 = tpu.memref_slice %arg4[%dma_wait3A_887, %dma_wait3A_888, %dma_wait3A_889, %dma_wait3A_893, %dma_wait3A_894] : memref<200x8x32x8x128xf32, #tpu.memory_space<hbm>> -> memref<1x1x1x8x128xf32, #tpu.memory_space<hbm>>
      %dma_wait3A_896 = tpu.memref_squeeze %dma_wait3A_895 : memref<1x1x1x8x128xf32, #tpu.memory_space<hbm>> -> memref<8x128xf32, #tpu.memory_space<hbm>>
      %dma_wait3A_897 = arith.constant 0 : i32
      %dma_wait3A_898 = arith.constant 0 : i32
      %dma_wait3A_899 = tpu.memref_slice %arg4[%dma_wait3A_887, %dma_wait3A_888, %dma_wait3A_889, %dma_wait3A_897, %dma_wait3A_898] : memref<200x8x32x8x128xf32, #tpu.memory_space<hbm>> -> memref<1x1x1x8x128xf32, #tpu.memory_space<hbm>>
      %dma_wait3A_900 = tpu.memref_squeeze %dma_wait3A_899 : memref<1x1x1x8x128xf32, #tpu.memory_space<hbm>> -> memref<8x128xf32, #tpu.memory_space<hbm>>
      %dma_wait3A_901 = arith.constant 56 : i32
      %dma_wait3A_902 = arith.constant 0 : i32
      %dma_wait3A_903 = tpu.memref_slice %arg8[%dma_wait3A_901, %dma_wait3A_902] : memref<64x129xf32, #tpu.memory_space<vmem>> -> memref<8x128xf32, #tpu.memory_space<vmem>>
      tpu.wait_dma2 semaphore(%arg12 : memref<!tpu.dma_semaphore, #tpu.memory_space<semaphore_mem>>) src(%dma_wait3A_903 : memref<8x128xf32, #tpu.memory_space<vmem>>) dst(%dma_wait3A_900 : memref<8x128xf32, #tpu.memory_space<hbm>>)
      %scan3A_904 = arith.constant 0 : i32
      %scan3A_905 = arith.constant 0 : i32
      %scan3A_906 = arith.constant 128 : i32
      %scan3A_907 = arith.addi %scan3A_905, %scan3A_906 : i32
      %scan3A_908 = arith.constant 1 : i32
      scf.for %scan3A_1407 = %scan3A_905 to %scan3A_907 step %scan3A_908  : i32 {
        %broadcast_in_dim3A = vector.broadcast %scan3A_1407 : i32 to vector<16xi32>
        %mul3A_1408 = arith.constant 2 : i32
        %mul3A_1409 = arith.muli %mul3A_1408, %scan3A_1407 : i32
        %add3A_1410 = arith.constant 0 : i32
        %add3A_1411 = arith.addi %mul3A_1409, %add3A_1410 : i32
        %get3A = arith.index_cast %add3A_1411 : i32 to index
        %get3A_1412 = arith.constant 0 : index
        %get3A_1413 = tpu.vector_load %arg6[%get3A, %get3A_1412] {strides = array<i32>} : memref<256x32xf32, #tpu.memory_space<vmem>>, vector<16xf32>,
        %get3A_1414 = arith.index_cast %add3A_1411 : i32 to index
        %get3A_1415 = arith.constant 16 : index
        %get3A_1416 = tpu.vector_load %arg6[%get3A_1414, %get3A_1415] {strides = array<i32>} : memref<256x32xf32, #tpu.memory_space<vmem>>, vector<16xf32>,
        tpu.vector_store_idx %arg8[%add3A_8, %broadcast_in_dim3A], %get3A_1413 : memref<64x129xf32, #tpu.memory_space<vmem>>[vector<16xi32>, vector<16xi32>], vector<16xf32>,
        tpu.vector_store_idx %arg8[%add3A_14, %broadcast_in_dim3A], %get3A_1416 : memref<64x129xf32, #tpu.memory_space<vmem>>[vector<16xi32>, vector<16xi32>], vector<16xf32>,
        %mul3A_1417 = arith.constant 2 : i32
        %mul3A_1418 = arith.muli %mul3A_1417, %scan3A_1407 : i32
        %add3A_1419 = arith.constant 1 : i32
        %add3A_1420 = arith.addi %mul3A_1418, %add3A_1419 : i32
        %get3A_1421 = arith.index_cast %add3A_1420 : i32 to index
        %get3A_1422 = arith.constant 0 : index
        %get3A_1423 = tpu.vector_load %arg6[%get3A_1421, %get3A_1422] {strides = array<i32>} : memref<256x32xf32, #tpu.memory_space<vmem>>, vector<16xf32>,
        %get3A_1424 = arith.index_cast %add3A_1420 : i32 to index
        %get3A_1425 = arith.constant 16 : index
        %get3A_1426 = tpu.vector_load %arg6[%get3A_1424, %get3A_1425] {strides = array<i32>} : memref<256x32xf32, #tpu.memory_space<vmem>>, vector<16xf32>,
        tpu.vector_store_idx %arg8[%add3A_20, %broadcast_in_dim3A], %get3A_1423 : memref<64x129xf32, #tpu.memory_space<vmem>>[vector<16xi32>, vector<16xi32>], vector<16xf32>,
        tpu.vector_store_idx %arg8[%add3A_26, %broadcast_in_dim3A], %get3A_1426 : memref<64x129xf32, #tpu.memory_space<vmem>>[vector<16xi32>, vector<16xi32>], vector<16xf32>,
      }
      %scan3A_909 = arith.constant 128 : i32
      %add3A_910 = arith.addi %mul3A_2, %mul3A_740 : i32
      %jit3A_911 = arith.constant 32 : i32
      %div3A_912 = arith.divsi %add3A_910, %jit3A_911 : i32
      %sign3A_913 = arith.constant 0 : i32
      %sign3A_914 = arith.cmpi sgt, %add3A_910, %sign3A_913 : i32
      %sign3A_915 = arith.extui %sign3A_914 : i1 to i32
      %sign3A_916 = arith.constant 0 : i32
      %sign3A_917 = arith.cmpi slt, %add3A_910, %sign3A_916 : i32
      %sign3A_918 = arith.extui %sign3A_917 : i1 to i32
      %sign3A_919 = arith.subi %sign3A_915, %sign3A_918 : i32
      %sign3A_920 = arith.constant 0 : i32
      %sign3A_921 = arith.cmpi sgt, %jit3A_911, %sign3A_920 : i32
      %sign3A_922 = arith.extui %sign3A_921 : i1 to i32
      %sign3A_923 = arith.constant 0 : i32
      %sign3A_924 = arith.cmpi slt, %jit3A_911, %sign3A_923 : i32
      %sign3A_925 = arith.extui %sign3A_924 : i1 to i32
      %sign3A_926 = arith.subi %sign3A_922, %sign3A_925 : i32
      %ne3A_927 = arith.cmpi ne, %sign3A_919, %sign3A_926 : i32
      %rem3A_928 = arith.remsi %add3A_910, %jit3A_911 : i32
      %ne3A_929 = arith.constant 0 : i32
      %ne3A_930 = arith.cmpi ne, %rem3A_928, %ne3A_929 : i32
      %and3A_931 = arith.andi %ne3A_927, %ne3A_930 : i1
      %sub3A_932 = arith.constant 1 : i32
      %sub3A_933 = arith.subi %div3A_912, %sub3A_932 : i32
      %select_n3A_934 = arith.select %and3A_931, %sub3A_933, %div3A_912 : i32
      %jit3A_935 = arith.constant 32 : i32
      %eq3A_936 = arith.constant 0 : i32
      %eq3A_937 = arith.cmpi eq, %jit3A_935, %eq3A_936 : i32
      %jit3A_938 = arith.constant 1 : i32
      %select_n3A_939 = arith.select %eq3A_937, %jit3A_938, %jit3A_935 : i32
      %rem3A_940 = arith.remsi %add3A_910, %select_n3A_939 : i32
      %ne3A_941 = arith.constant 0 : i32
      %ne3A_942 = arith.cmpi ne, %rem3A_940, %ne3A_941 : i32
      %lt3A_943 = arith.constant 0 : i32
      %lt3A_944 = arith.cmpi slt, %rem3A_940, %lt3A_943 : i32
      %lt3A_945 = arith.constant 0 : i32
      %lt3A_946 = arith.cmpi slt, %select_n3A_939, %lt3A_945 : i32
      %ne3A_947 = arith.xori %lt3A_944, %lt3A_946 : i1
      %and3A_948 = arith.andi %ne3A_947, %ne3A_942 : i1
      %add3A_949 = arith.addi %rem3A_940, %select_n3A_939 : i32
      %select_n3A_950 = arith.select %and3A_948, %add3A_949, %rem3A_940 : i32
      %dma_start3A_951 = arith.constant 0 : i32
      %dma_start3A_952 = arith.constant 0 : i32
      %dma_start3A_953 = arith.constant 0 : i32
      %dma_start3A_954 = tpu.memref_slice %arg8[%dma_start3A_952, %dma_start3A_953] : memref<64x129xf32, #tpu.memory_space<vmem>> -> memref<8x128xf32, #tpu.memory_space<vmem>>
      %dma_start3A_955 = arith.constant 0 : i32
      %dma_start3A_956 = arith.constant 0 : i32
      %dma_start3A_957 = tpu.memref_slice %arg4[%select_n3A_934, %dma_start3A_951, %select_n3A_950, %dma_start3A_955, %dma_start3A_956] : memref<200x8x32x8x128xf32, #tpu.memory_space<hbm>> -> memref<1x1x1x8x128xf32, #tpu.memory_space<hbm>>
      %dma_start3A_958 = tpu.memref_squeeze %dma_start3A_957 : memref<1x1x1x8x128xf32, #tpu.memory_space<hbm>> -> memref<8x128xf32, #tpu.memory_space<hbm>>
      %dma_start3A_959 = arith.constant 0 : i32
      %dma_start3A_960 = arith.constant 0 : i32
      %dma_start3A_961 = tpu.memref_slice %arg4[%select_n3A_934, %dma_start3A_951, %select_n3A_950, %dma_start3A_959, %dma_start3A_960] : memref<200x8x32x8x128xf32, #tpu.memory_space<hbm>> -> memref<1x1x1x8x128xf32, #tpu.memory_space<hbm>>
      %dma_start3A_962 = tpu.memref_squeeze %dma_start3A_961 : memref<1x1x1x8x128xf32, #tpu.memory_space<hbm>> -> memref<8x128xf32, #tpu.memory_space<hbm>>
      %dma_start3A_963 = arith.constant 0 : i32
      %dma_start3A_964 = arith.constant 0 : i32
      %dma_start3A_965 = tpu.memref_slice %arg8[%dma_start3A_963, %dma_start3A_964] : memref<64x129xf32, #tpu.memory_space<vmem>> -> memref<8x128xf32, #tpu.memory_space<vmem>>
      tpu.enqueue_dma source(%dma_start3A_965 : memref<8x128xf32, #tpu.memory_space<vmem>>) target(%dma_start3A_962 : memref<8x128xf32, #tpu.memory_space<hbm>>) target_semaphore(%arg12 : memref<!tpu.dma_semaphore, #tpu.memory_space<semaphore_mem>>)
      %dma_start3A_966 = arith.constant 1 : i32
      %dma_start3A_967 = arith.constant 8 : i32
      %dma_start3A_968 = arith.constant 0 : i32
      %dma_start3A_969 = tpu.memref_slice %arg8[%dma_start3A_967, %dma_start3A_968] : memref<64x129xf32, #tpu.memory_space<vmem>> -> memref<8x128xf32, #tpu.memory_space<vmem>>
      %dma_start3A_970 = arith.constant 0 : i32
      %dma_start3A_971 = arith.constant 0 : i32
      %dma_start3A_972 = tpu.memref_slice %arg4[%select_n3A_934, %dma_start3A_966, %select_n3A_950, %dma_start3A_970, %dma_start3A_971] : memref<200x8x32x8x128xf32, #tpu.memory_space<hbm>> -> memref<1x1x1x8x128xf32, #tpu.memory_space<hbm>>
      %dma_start3A_973 = tpu.memref_squeeze %dma_start3A_972 : memref<1x1x1x8x128xf32, #tpu.memory_space<hbm>> -> memref<8x128xf32, #tpu.memory_space<hbm>>
      %dma_start3A_974 = arith.constant 0 : i32
      %dma_start3A_975 = arith.constant 0 : i32
      %dma_start3A_976 = tpu.memref_slice %arg4[%select_n3A_934, %dma_start3A_966, %select_n3A_950, %dma_start3A_974, %dma_start3A_975] : memref<200x8x32x8x128xf32, #tpu.memory_space<hbm>> -> memref<1x1x1x8x128xf32, #tpu.memory_space<hbm>>
      %dma_start3A_977 = tpu.memref_squeeze %dma_start3A_976 : memref<1x1x1x8x128xf32, #tpu.memory_space<hbm>> -> memref<8x128xf32, #tpu.memory_space<hbm>>
      %dma_start3A_978 = arith.constant 8 : i32
      %dma_start3A_979 = arith.constant 0 : i32
      %dma_start3A_980 = tpu.memref_slice %arg8[%dma_start3A_978, %dma_start3A_979] : memref<64x129xf32, #tpu.memory_space<vmem>> -> memref<8x128xf32, #tpu.memory_space<vmem>>
      tpu.enqueue_dma source(%dma_start3A_980 : memref<8x128xf32, #tpu.memory_space<vmem>>) target(%dma_start3A_977 : memref<8x128xf32, #tpu.memory_space<hbm>>) target_semaphore(%arg12 : memref<!tpu.dma_semaphore, #tpu.memory_space<semaphore_mem>>)
      %dma_start3A_981 = arith.constant 2 : i32
      %dma_start3A_982 = arith.constant 16 : i32
      %dma_start3A_983 = arith.constant 0 : i32
      %dma_start3A_984 = tpu.memref_slice %arg8[%dma_start3A_982, %dma_start3A_983] : memref<64x129xf32, #tpu.memory_space<vmem>> -> memref<8x128xf32, #tpu.memory_space<vmem>>
      %dma_start3A_985 = arith.constant 0 : i32
      %dma_start3A_986 = arith.constant 0 : i32
      %dma_start3A_987 = tpu.memref_slice %arg4[%select_n3A_934, %dma_start3A_981, %select_n3A_950, %dma_start3A_985, %dma_start3A_986] : memref<200x8x32x8x128xf32, #tpu.memory_space<hbm>> -> memref<1x1x1x8x128xf32, #tpu.memory_space<hbm>>
      %dma_start3A_988 = tpu.memref_squeeze %dma_start3A_987 : memref<1x1x1x8x128xf32, #tpu.memory_space<hbm>> -> memref<8x128xf32, #tpu.memory_space<hbm>>
      %dma_start3A_989 = arith.constant 0 : i32
      %dma_start3A_990 = arith.constant 0 : i32
      %dma_start3A_991 = tpu.memref_slice %arg4[%select_n3A_934, %dma_start3A_981, %select_n3A_950, %dma_start3A_989, %dma_start3A_990] : memref<200x8x32x8x128xf32, #tpu.memory_space<hbm>> -> memref<1x1x1x8x128xf32, #tpu.memory_space<hbm>>
      %dma_start3A_992 = tpu.memref_squeeze %dma_start3A_991 : memref<1x1x1x8x128xf32, #tpu.memory_space<hbm>> -> memref<8x128xf32, #tpu.memory_space<hbm>>
      %dma_start3A_993 = arith.constant 16 : i32
      %dma_start3A_994 = arith.constant 0 : i32
      %dma_start3A_995 = tpu.memref_slice %arg8[%dma_start3A_993, %dma_start3A_994] : memref<64x129xf32, #tpu.memory_space<vmem>> -> memref<8x128xf32, #tpu.memory_space<vmem>>
      tpu.enqueue_dma source(%dma_start3A_995 : memref<8x128xf32, #tpu.memory_space<vmem>>) target(%dma_start3A_992 : memref<8x128xf32, #tpu.memory_space<hbm>>) target_semaphore(%arg12 : memref<!tpu.dma_semaphore, #tpu.memory_space<semaphore_mem>>)
      %dma_start3A_996 = arith.constant 3 : i32
      %dma_start3A_997 = arith.constant 24 : i32
      %dma_start3A_998 = arith.constant 0 : i32
      %dma_start3A_999 = tpu.memref_slice %arg8[%dma_start3A_997, %dma_start3A_998] : memref<64x129xf32, #tpu.memory_space<vmem>> -> memref<8x128xf32, #tpu.memory_space<vmem>>
      %dma_start3A_1000 = arith.constant 0 : i32
      %dma_start3A_1001 = arith.constant 0 : i32
      %dma_start3A_1002 = tpu.memref_slice %arg4[%select_n3A_934, %dma_start3A_996, %select_n3A_950, %dma_start3A_1000, %dma_start3A_1001] : memref<200x8x32x8x128xf32, #tpu.memory_space<hbm>> -> memref<1x1x1x8x128xf32, #tpu.memory_space<hbm>>
      %dma_start3A_1003 = tpu.memref_squeeze %dma_start3A_1002 : memref<1x1x1x8x128xf32, #tpu.memory_space<hbm>> -> memref<8x128xf32, #tpu.memory_space<hbm>>
      %dma_start3A_1004 = arith.constant 0 : i32
      %dma_start3A_1005 = arith.constant 0 : i32
      %dma_start3A_1006 = tpu.memref_slice %arg4[%select_n3A_934, %dma_start3A_996, %select_n3A_950, %dma_start3A_1004, %dma_start3A_1005] : memref<200x8x32x8x128xf32, #tpu.memory_space<hbm>> -> memref<1x1x1x8x128xf32, #tpu.memory_space<hbm>>
      %dma_start3A_1007 = tpu.memref_squeeze %dma_start3A_1006 : memref<1x1x1x8x128xf32, #tpu.memory_space<hbm>> -> memref<8x128xf32, #tpu.memory_space<hbm>>
      %dma_start3A_1008 = arith.constant 24 : i32
      %dma_start3A_1009 = arith.constant 0 : i32
      %dma_start3A_1010 = tpu.memref_slice %arg8[%dma_start3A_1008, %dma_start3A_1009] : memref<64x129xf32, #tpu.memory_space<vmem>> -> memref<8x128xf32, #tpu.memory_space<vmem>>
      tpu.enqueue_dma source(%dma_start3A_1010 : memref<8x128xf32, #tpu.memory_space<vmem>>) target(%dma_start3A_1007 : memref<8x128xf32, #tpu.memory_space<hbm>>) target_semaphore(%arg12 : memref<!tpu.dma_semaphore, #tpu.memory_space<semaphore_mem>>)
      %dma_start3A_1011 = arith.constant 4 : i32
      %dma_start3A_1012 = arith.constant 32 : i32
      %dma_start3A_1013 = arith.constant 0 : i32
      %dma_start3A_1014 = tpu.memref_slice %arg8[%dma_start3A_1012, %dma_start3A_1013] : memref<64x129xf32, #tpu.memory_space<vmem>> -> memref<8x128xf32, #tpu.memory_space<vmem>>
      %dma_start3A_1015 = arith.constant 0 : i32
      %dma_start3A_1016 = arith.constant 0 : i32
      %dma_start3A_1017 = tpu.memref_slice %arg4[%select_n3A_934, %dma_start3A_1011, %select_n3A_950, %dma_start3A_1015, %dma_start3A_1016] : memref<200x8x32x8x128xf32, #tpu.memory_space<hbm>> -> memref<1x1x1x8x128xf32, #tpu.memory_space<hbm>>
      %dma_start3A_1018 = tpu.memref_squeeze %dma_start3A_1017 : memref<1x1x1x8x128xf32, #tpu.memory_space<hbm>> -> memref<8x128xf32, #tpu.memory_space<hbm>>
      %dma_start3A_1019 = arith.constant 0 : i32
      %dma_start3A_1020 = arith.constant 0 : i32
      %dma_start3A_1021 = tpu.memref_slice %arg4[%select_n3A_934, %dma_start3A_1011, %select_n3A_950, %dma_start3A_1019, %dma_start3A_1020] : memref<200x8x32x8x128xf32, #tpu.memory_space<hbm>> -> memref<1x1x1x8x128xf32, #tpu.memory_space<hbm>>
      %dma_start3A_1022 = tpu.memref_squeeze %dma_start3A_1021 : memref<1x1x1x8x128xf32, #tpu.memory_space<hbm>> -> memref<8x128xf32, #tpu.memory_space<hbm>>
      %dma_start3A_1023 = arith.constant 32 : i32
      %dma_start3A_1024 = arith.constant 0 : i32
      %dma_start3A_1025 = tpu.memref_slice %arg8[%dma_start3A_1023, %dma_start3A_1024] : memref<64x129xf32, #tpu.memory_space<vmem>> -> memref<8x128xf32, #tpu.memory_space<vmem>>
      tpu.enqueue_dma source(%dma_start3A_1025 : memref<8x128xf32, #tpu.memory_space<vmem>>) target(%dma_start3A_1022 : memref<8x128xf32, #tpu.memory_space<hbm>>) target_semaphore(%arg12 : memref<!tpu.dma_semaphore, #tpu.memory_space<semaphore_mem>>)
      %dma_start3A_1026 = arith.constant 5 : i32
      %dma_start3A_1027 = arith.constant 40 : i32
      %dma_start3A_1028 = arith.constant 0 : i32
      %dma_start3A_1029 = tpu.memref_slice %arg8[%dma_start3A_1027, %dma_start3A_1028] : memref<64x129xf32, #tpu.memory_space<vmem>> -> memref<8x128xf32, #tpu.memory_space<vmem>>
      %dma_start3A_1030 = arith.constant 0 : i32
      %dma_start3A_1031 = arith.constant 0 : i32
      %dma_start3A_1032 = tpu.memref_slice %arg4[%select_n3A_934, %dma_start3A_1026, %select_n3A_950, %dma_start3A_1030, %dma_start3A_1031] : memref<200x8x32x8x128xf32, #tpu.memory_space<hbm>> -> memref<1x1x1x8x128xf32, #tpu.memory_space<hbm>>
      %dma_start3A_1033 = tpu.memref_squeeze %dma_start3A_1032 : memref<1x1x1x8x128xf32, #tpu.memory_space<hbm>> -> memref<8x128xf32, #tpu.memory_space<hbm>>
      %dma_start3A_1034 = arith.constant 0 : i32
      %dma_start3A_1035 = arith.constant 0 : i32
      %dma_start3A_1036 = tpu.memref_slice %arg4[%select_n3A_934, %dma_start3A_1026, %select_n3A_950, %dma_start3A_1034, %dma_start3A_1035] : memref<200x8x32x8x128xf32, #tpu.memory_space<hbm>> -> memref<1x1x1x8x128xf32, #tpu.memory_space<hbm>>
      %dma_start3A_1037 = tpu.memref_squeeze %dma_start3A_1036 : memref<1x1x1x8x128xf32, #tpu.memory_space<hbm>> -> memref<8x128xf32, #tpu.memory_space<hbm>>
      %dma_start3A_1038 = arith.constant 40 : i32
      %dma_start3A_1039 = arith.constant 0 : i32
      %dma_start3A_1040 = tpu.memref_slice %arg8[%dma_start3A_1038, %dma_start3A_1039] : memref<64x129xf32, #tpu.memory_space<vmem>> -> memref<8x128xf32, #tpu.memory_space<vmem>>
      tpu.enqueue_dma source(%dma_start3A_1040 : memref<8x128xf32, #tpu.memory_space<vmem>>) target(%dma_start3A_1037 : memref<8x128xf32, #tpu.memory_space<hbm>>) target_semaphore(%arg12 : memref<!tpu.dma_semaphore, #tpu.memory_space<semaphore_mem>>)
      %dma_start3A_1041 = arith.constant 6 : i32
      %dma_start3A_1042 = arith.constant 48 : i32
      %dma_start3A_1043 = arith.constant 0 : i32
      %dma_start3A_1044 = tpu.memref_slice %arg8[%dma_start3A_1042, %dma_start3A_1043] : memref<64x129xf32, #tpu.memory_space<vmem>> -> memref<8x128xf32, #tpu.memory_space<vmem>>
      %dma_start3A_1045 = arith.constant 0 : i32
      %dma_start3A_1046 = arith.constant 0 : i32
      %dma_start3A_1047 = tpu.memref_slice %arg4[%select_n3A_934, %dma_start3A_1041, %select_n3A_950, %dma_start3A_1045, %dma_start3A_1046] : memref<200x8x32x8x128xf32, #tpu.memory_space<hbm>> -> memref<1x1x1x8x128xf32, #tpu.memory_space<hbm>>
      %dma_start3A_1048 = tpu.memref_squeeze %dma_start3A_1047 : memref<1x1x1x8x128xf32, #tpu.memory_space<hbm>> -> memref<8x128xf32, #tpu.memory_space<hbm>>
      %dma_start3A_1049 = arith.constant 0 : i32
      %dma_start3A_1050 = arith.constant 0 : i32
      %dma_start3A_1051 = tpu.memref_slice %arg4[%select_n3A_934, %dma_start3A_1041, %select_n3A_950, %dma_start3A_1049, %dma_start3A_1050] : memref<200x8x32x8x128xf32, #tpu.memory_space<hbm>> -> memref<1x1x1x8x128xf32, #tpu.memory_space<hbm>>
      %dma_start3A_1052 = tpu.memref_squeeze %dma_start3A_1051 : memref<1x1x1x8x128xf32, #tpu.memory_space<hbm>> -> memref<8x128xf32, #tpu.memory_space<hbm>>
      %dma_start3A_1053 = arith.constant 48 : i32
      %dma_start3A_1054 = arith.constant 0 : i32
      %dma_start3A_1055 = tpu.memref_slice %arg8[%dma_start3A_1053, %dma_start3A_1054] : memref<64x129xf32, #tpu.memory_space<vmem>> -> memref<8x128xf32, #tpu.memory_space<vmem>>
      tpu.enqueue_dma source(%dma_start3A_1055 : memref<8x128xf32, #tpu.memory_space<vmem>>) target(%dma_start3A_1052 : memref<8x128xf32, #tpu.memory_space<hbm>>) target_semaphore(%arg12 : memref<!tpu.dma_semaphore, #tpu.memory_space<semaphore_mem>>)
      %dma_start3A_1056 = arith.constant 7 : i32
      %dma_start3A_1057 = arith.constant 56 : i32
      %dma_start3A_1058 = arith.constant 0 : i32
      %dma_start3A_1059 = tpu.memref_slice %arg8[%dma_start3A_1057, %dma_start3A_1058] : memref<64x129xf32, #tpu.memory_space<vmem>> -> memref<8x128xf32, #tpu.memory_space<vmem>>
      %dma_start3A_1060 = arith.constant 0 : i32
      %dma_start3A_1061 = arith.constant 0 : i32
      %dma_start3A_1062 = tpu.memref_slice %arg4[%select_n3A_934, %dma_start3A_1056, %select_n3A_950, %dma_start3A_1060, %dma_start3A_1061] : memref<200x8x32x8x128xf32, #tpu.memory_space<hbm>> -> memref<1x1x1x8x128xf32, #tpu.memory_space<hbm>>
      %dma_start3A_1063 = tpu.memref_squeeze %dma_start3A_1062 : memref<1x1x1x8x128xf32, #tpu.memory_space<hbm>> -> memref<8x128xf32, #tpu.memory_space<hbm>>
      %dma_start3A_1064 = arith.constant 0 : i32
      %dma_start3A_1065 = arith.constant 0 : i32
      %dma_start3A_1066 = tpu.memref_slice %arg4[%select_n3A_934, %dma_start3A_1056, %select_n3A_950, %dma_start3A_1064, %dma_start3A_1065] : memref<200x8x32x8x128xf32, #tpu.memory_space<hbm>> -> memref<1x1x1x8x128xf32, #tpu.memory_space<hbm>>
      %dma_start3A_1067 = tpu.memref_squeeze %dma_start3A_1066 : memref<1x1x1x8x128xf32, #tpu.memory_space<hbm>> -> memref<8x128xf32, #tpu.memory_space<hbm>>
      %dma_start3A_1068 = arith.constant 56 : i32
      %dma_start3A_1069 = arith.constant 0 : i32
      %dma_start3A_1070 = tpu.memref_slice %arg8[%dma_start3A_1068, %dma_start3A_1069] : memref<64x129xf32, #tpu.memory_space<vmem>> -> memref<8x128xf32, #tpu.memory_space<vmem>>
      tpu.enqueue_dma source(%dma_start3A_1070 : memref<8x128xf32, #tpu.memory_space<vmem>>) target(%dma_start3A_1067 : memref<8x128xf32, #tpu.memory_space<hbm>>) target_semaphore(%arg12 : memref<!tpu.dma_semaphore, #tpu.memory_space<semaphore_mem>>)
      %mul3A_1071 = arith.constant 2 : i32
      %mul3A_1072 = arith.muli %mul3A_1071, %scan3A_738 : i32
      %add3A_1073 = arith.constant 1 : i32
      %add3A_1074 = arith.addi %mul3A_1072, %add3A_1073 : i32
      %add3A_1075 = arith.constant 1 : i32
      %add3A_1076 = arith.addi %add3A_1074, %add3A_1075 : i32
      %lt3A_1077 = arith.constant 200 : i32
      %lt3A_1078 = arith.cmpi slt, %add3A_1076, %lt3A_1077 : i32
      %convert_element_type3A_1079 = arith.extui %lt3A_1078 : i1 to i32
      %cond3A_1080 = arith.constant 0 : i32
      %cond3A_1081 = arith.cmpi ne, %convert_element_type3A_1079, %cond3A_1080 : i32
      scf.if %cond3A_1081 {
        %add3A_1407 = arith.constant 1 : i32
        %add3A_1408 = arith.addi %add3A_1074, %add3A_1407 : i32
        %dma_start3A_1409 = arith.constant 0 : i32
        %dma_start3A_1410 = arith.constant 0 : i32
        %dma_start3A_1411 = arith.constant 0 : i32
        %dma_start3A_1412 = tpu.memref_slice %arg6[%dma_start3A_1410, %dma_start3A_1411] : memref<256x32xf32, #tpu.memory_space<vmem>> -> memref<128x32xf32, #tpu.memory_space<vmem>>
        %dma_start3A_1413 = arith.constant 0 : i32
        %dma_start3A_1414 = tpu.memref_slice %arg5[%add3A_1408, %dma_start3A_1409, %dma_start3A_1413] : memref<200x2x128xi32, #tpu.memory_space<vmem>> -> memref<1x1x128xi32, #tpu.memory_space<vmem>>
        %dma_start3A_1415 = tpu.memref_squeeze %dma_start3A_1414 : memref<1x1x128xi32, #tpu.memory_space<vmem>> -> memref<128xi32, #tpu.memory_space<vmem>>
        %dma_start3A_1416 = arith.constant 0 : i32
        %dma_start3A_1417 = arith.constant 0 : i32
        %dma_start3A_1418 = tpu.memref_slice %arg2[%dma_start3A_1416, %dma_start3A_1417] : memref<2000000x32xf32, #tpu.memory_space<hbm>> -> memref<2000000x32xf32, #tpu.memory_space<hbm>>
        tpu.enqueue_indirect_dma source(%dma_start3A_1418 : memref<2000000x32xf32, #tpu.memory_space<hbm>>) target(%dma_start3A_1412 : memref<128x32xf32, #tpu.memory_space<vmem>>) offsets(%dma_start3A_1415 : memref<128xi32, #tpu.memory_space<vmem>>) semaphore(%arg10 : memref<!tpu.dma_semaphore, #tpu.memory_space<semaphore_mem>>)
        %dma_start3A_1419 = arith.constant 1 : i32
        %dma_start3A_1420 = arith.constant 128 : i32
        %dma_start3A_1421 = arith.constant 0 : i32
        %dma_start3A_1422 = tpu.memref_slice %arg6[%dma_start3A_1420, %dma_start3A_1421] : memref<256x32xf32, #tpu.memory_space<vmem>> -> memref<128x32xf32, #tpu.memory_space<vmem>>
        %dma_start3A_1423 = arith.constant 0 : i32
        %dma_start3A_1424 = tpu.memref_slice %arg5[%add3A_1408, %dma_start3A_1419, %dma_start3A_1423] : memref<200x2x128xi32, #tpu.memory_space<vmem>> -> memref<1x1x128xi32, #tpu.memory_space<vmem>>
        %dma_start3A_1425 = tpu.memref_squeeze %dma_start3A_1424 : memref<1x1x128xi32, #tpu.memory_space<vmem>> -> memref<128xi32, #tpu.memory_space<vmem>>
        %dma_start3A_1426 = arith.constant 0 : i32
        %dma_start3A_1427 = arith.constant 0 : i32
        %dma_start3A_1428 = tpu.memref_slice %arg2[%dma_start3A_1426, %dma_start3A_1427] : memref<2000000x32xf32, #tpu.memory_space<hbm>> -> memref<2000000x32xf32, #tpu.memory_space<hbm>>
        tpu.enqueue_indirect_dma source(%dma_start3A_1428 : memref<2000000x32xf32, #tpu.memory_space<hbm>>) target(%dma_start3A_1422 : memref<128x32xf32, #tpu.memory_space<vmem>>) offsets(%dma_start3A_1425 : memref<128xi32, #tpu.memory_space<vmem>>) semaphore(%arg10 : memref<!tpu.dma_semaphore, #tpu.memory_space<semaphore_mem>>)
      } else {
      }
      %dma_wait3A_1082 = arith.constant 0 : i32
      %dma_wait3A_1083 = arith.constant 0 : i32
      %dma_wait3A_1084 = arith.constant 0 : i32
      %dma_wait3A_1085 = arith.constant 0 : i32
      %dma_wait3A_1086 = tpu.memref_slice %arg7[%dma_wait3A_1084, %dma_wait3A_1085] : memref<256x32xf32, #tpu.memory_space<vmem>> -> memref<128x32xf32, #tpu.memory_space<vmem>>
      %dma_wait3A_1087 = arith.constant 0 : i32
      %dma_wait3A_1088 = tpu.memref_slice %arg5[%dma_wait3A_1082, %dma_wait3A_1083, %dma_wait3A_1087] : memref<200x2x128xi32, #tpu.memory_space<vmem>> -> memref<1x1x128xi32, #tpu.memory_space<vmem>>
      %dma_wait3A_1089 = tpu.memref_squeeze %dma_wait3A_1088 : memref<1x1x128xi32, #tpu.memory_space<vmem>> -> memref<128xi32, #tpu.memory_space<vmem>>
      %dma_wait3A_1090 = arith.constant 0 : i32
      %dma_wait3A_1091 = arith.constant 0 : i32
      %dma_wait3A_1092 = tpu.memref_slice %arg2[%dma_wait3A_1090, %dma_wait3A_1091] : memref<2000000x32xf32, #tpu.memory_space<hbm>> -> memref<2000000x32xf32, #tpu.memory_space<hbm>>
      tpu.wait_indirect_dma semaphore(%arg11 : memref<!tpu.dma_semaphore, #tpu.memory_space<semaphore_mem>>) src(%dma_wait3A_1092 : memref<2000000x32xf32, #tpu.memory_space<hbm>>) dst(%dma_wait3A_1086 : memref<128x32xf32, #tpu.memory_space<vmem>>)
      %dma_wait3A_1093 = arith.constant 0 : i32
      %dma_wait3A_1094 = arith.constant 0 : i32
      %dma_wait3A_1095 = arith.constant 128 : i32
      %dma_wait3A_1096 = arith.constant 0 : i32
      %dma_wait3A_1097 = tpu.memref_slice %arg7[%dma_wait3A_1095, %dma_wait3A_1096] : memref<256x32xf32, #tpu.memory_space<vmem>> -> memref<128x32xf32, #tpu.memory_space<vmem>>
      %dma_wait3A_1098 = arith.constant 0 : i32
      %dma_wait3A_1099 = tpu.memref_slice %arg5[%dma_wait3A_1093, %dma_wait3A_1094, %dma_wait3A_1098] : memref<200x2x128xi32, #tpu.memory_space<vmem>> -> memref<1x1x128xi32, #tpu.memory_space<vmem>>
      %dma_wait3A_1100 = tpu.memref_squeeze %dma_wait3A_1099 : memref<1x1x128xi32, #tpu.memory_space<vmem>> -> memref<128xi32, #tpu.memory_space<vmem>>
      %dma_wait3A_1101 = arith.constant 0 : i32
      %dma_wait3A_1102 = arith.constant 0 : i32
      %dma_wait3A_1103 = tpu.memref_slice %arg2[%dma_wait3A_1101, %dma_wait3A_1102] : memref<2000000x32xf32, #tpu.memory_space<hbm>> -> memref<2000000x32xf32, #tpu.memory_space<hbm>>
      tpu.wait_indirect_dma semaphore(%arg11 : memref<!tpu.dma_semaphore, #tpu.memory_space<semaphore_mem>>) src(%dma_wait3A_1103 : memref<2000000x32xf32, #tpu.memory_space<hbm>>) dst(%dma_wait3A_1097 : memref<128x32xf32, #tpu.memory_space<vmem>>)
      %dma_wait3A_1104 = arith.constant 0 : i32
      %dma_wait3A_1105 = arith.constant 0 : i32
      %dma_wait3A_1106 = arith.constant 0 : i32
      %dma_wait3A_1107 = arith.constant 0 : i32
      %dma_wait3A_1108 = arith.constant 0 : i32
      %dma_wait3A_1109 = tpu.memref_slice %arg9[%dma_wait3A_1107, %dma_wait3A_1108] : memref<64x129xf32, #tpu.memory_space<vmem>> -> memref<8x128xf32, #tpu.memory_space<vmem>>
      %dma_wait3A_1110 = arith.constant 0 : i32
      %dma_wait3A_1111 = arith.constant 0 : i32
      %dma_wait3A_1112 = tpu.memref_slice %arg4[%dma_wait3A_1104, %dma_wait3A_1105, %dma_wait3A_1106, %dma_wait3A_1110, %dma_wait3A_1111] : memref<200x8x32x8x128xf32, #tpu.memory_space<hbm>> -> memref<1x1x1x8x128xf32, #tpu.memory_space<hbm>>
      %dma_wait3A_1113 = tpu.memref_squeeze %dma_wait3A_1112 : memref<1x1x1x8x128xf32, #tpu.memory_space<hbm>> -> memref<8x128xf32, #tpu.memory_space<hbm>>
      %dma_wait3A_1114 = arith.constant 0 : i32
      %dma_wait3A_1115 = arith.constant 0 : i32
      %dma_wait3A_1116 = tpu.memref_slice %arg4[%dma_wait3A_1104, %dma_wait3A_1105, %dma_wait3A_1106, %dma_wait3A_1114, %dma_wait3A_1115] : memref<200x8x32x8x128xf32, #tpu.memory_space<hbm>> -> memref<1x1x1x8x128xf32, #tpu.memory_space<hbm>>
      %dma_wait3A_1117 = tpu.memref_squeeze %dma_wait3A_1116 : memref<1x1x1x8x128xf32, #tpu.memory_space<hbm>> -> memref<8x128xf32, #tpu.memory_space<hbm>>
      %dma_wait3A_1118 = arith.constant 0 : i32
      %dma_wait3A_1119 = arith.constant 0 : i32
      %dma_wait3A_1120 = tpu.memref_slice %arg9[%dma_wait3A_1118, %dma_wait3A_1119] : memref<64x129xf32, #tpu.memory_space<vmem>> -> memref<8x128xf32, #tpu.memory_space<vmem>>
      tpu.wait_dma2 semaphore(%arg13 : memref<!tpu.dma_semaphore, #tpu.memory_space<semaphore_mem>>) src(%dma_wait3A_1120 : memref<8x128xf32, #tpu.memory_space<vmem>>) dst(%dma_wait3A_1117 : memref<8x128xf32, #tpu.memory_space<hbm>>)
      %dma_wait3A_1121 = arith.constant 0 : i32
      %dma_wait3A_1122 = arith.constant 1 : i32
      %dma_wait3A_1123 = arith.constant 0 : i32
      %dma_wait3A_1124 = arith.constant 8 : i32
      %dma_wait3A_1125 = arith.constant 0 : i32
      %dma_wait3A_1126 = tpu.memref_slice %arg9[%dma_wait3A_1124, %dma_wait3A_1125] : memref<64x129xf32, #tpu.memory_space<vmem>> -> memref<8x128xf32, #tpu.memory_space<vmem>>
      %dma_wait3A_1127 = arith.constant 0 : i32
      %dma_wait3A_1128 = arith.constant 0 : i32
      %dma_wait3A_1129 = tpu.memref_slice %arg4[%dma_wait3A_1121, %dma_wait3A_1122, %dma_wait3A_1123, %dma_wait3A_1127, %dma_wait3A_1128] : memref<200x8x32x8x128xf32, #tpu.memory_space<hbm>> -> memref<1x1x1x8x128xf32, #tpu.memory_space<hbm>>
      %dma_wait3A_1130 = tpu.memref_squeeze %dma_wait3A_1129 : memref<1x1x1x8x128xf32, #tpu.memory_space<hbm>> -> memref<8x128xf32, #tpu.memory_space<hbm>>
      %dma_wait3A_1131 = arith.constant 0 : i32
      %dma_wait3A_1132 = arith.constant 0 : i32
      %dma_wait3A_1133 = tpu.memref_slice %arg4[%dma_wait3A_1121, %dma_wait3A_1122, %dma_wait3A_1123, %dma_wait3A_1131, %dma_wait3A_1132] : memref<200x8x32x8x128xf32, #tpu.memory_space<hbm>> -> memref<1x1x1x8x128xf32, #tpu.memory_space<hbm>>
      %dma_wait3A_1134 = tpu.memref_squeeze %dma_wait3A_1133 : memref<1x1x1x8x128xf32, #tpu.memory_space<hbm>> -> memref<8x128xf32, #tpu.memory_space<hbm>>
      %dma_wait3A_1135 = arith.constant 8 : i32
      %dma_wait3A_1136 = arith.constant 0 : i32
      %dma_wait3A_1137 = tpu.memref_slice %arg9[%dma_wait3A_1135, %dma_wait3A_1136] : memref<64x129xf32, #tpu.memory_space<vmem>> -> memref<8x128xf32, #tpu.memory_space<vmem>>
      tpu.wait_dma2 semaphore(%arg13 : memref<!tpu.dma_semaphore, #tpu.memory_space<semaphore_mem>>) src(%dma_wait3A_1137 : memref<8x128xf32, #tpu.memory_space<vmem>>) dst(%dma_wait3A_1134 : memref<8x128xf32, #tpu.memory_space<hbm>>)
      %dma_wait3A_1138 = arith.constant 0 : i32
      %dma_wait3A_1139 = arith.constant 2 : i32
      %dma_wait3A_1140 = arith.constant 0 : i32
      %dma_wait3A_1141 = arith.constant 16 : i32
      %dma_wait3A_1142 = arith.constant 0 : i32
      %dma_wait3A_1143 = tpu.memref_slice %arg9[%dma_wait3A_1141, %dma_wait3A_1142] : memref<64x129xf32, #tpu.memory_space<vmem>> -> memref<8x128xf32, #tpu.memory_space<vmem>>
      %dma_wait3A_1144 = arith.constant 0 : i32
      %dma_wait3A_1145 = arith.constant 0 : i32
      %dma_wait3A_1146 = tpu.memref_slice %arg4[%dma_wait3A_1138, %dma_wait3A_1139, %dma_wait3A_1140, %dma_wait3A_1144, %dma_wait3A_1145] : memref<200x8x32x8x128xf32, #tpu.memory_space<hbm>> -> memref<1x1x1x8x128xf32, #tpu.memory_space<hbm>>
      %dma_wait3A_1147 = tpu.memref_squeeze %dma_wait3A_1146 : memref<1x1x1x8x128xf32, #tpu.memory_space<hbm>> -> memref<8x128xf32, #tpu.memory_space<hbm>>
      %dma_wait3A_1148 = arith.constant 0 : i32
      %dma_wait3A_1149 = arith.constant 0 : i32
      %dma_wait3A_1150 = tpu.memref_slice %arg4[%dma_wait3A_1138, %dma_wait3A_1139, %dma_wait3A_1140, %dma_wait3A_1148, %dma_wait3A_1149] : memref<200x8x32x8x128xf32, #tpu.memory_space<hbm>> -> memref<1x1x1x8x128xf32, #tpu.memory_space<hbm>>
      %dma_wait3A_1151 = tpu.memref_squeeze %dma_wait3A_1150 : memref<1x1x1x8x128xf32, #tpu.memory_space<hbm>> -> memref<8x128xf32, #tpu.memory_space<hbm>>
      %dma_wait3A_1152 = arith.constant 16 : i32
      %dma_wait3A_1153 = arith.constant 0 : i32
      %dma_wait3A_1154 = tpu.memref_slice %arg9[%dma_wait3A_1152, %dma_wait3A_1153] : memref<64x129xf32, #tpu.memory_space<vmem>> -> memref<8x128xf32, #tpu.memory_space<vmem>>
      tpu.wait_dma2 semaphore(%arg13 : memref<!tpu.dma_semaphore, #tpu.memory_space<semaphore_mem>>) src(%dma_wait3A_1154 : memref<8x128xf32, #tpu.memory_space<vmem>>) dst(%dma_wait3A_1151 : memref<8x128xf32, #tpu.memory_space<hbm>>)
      %dma_wait3A_1155 = arith.constant 0 : i32
      %dma_wait3A_1156 = arith.constant 3 : i32
      %dma_wait3A_1157 = arith.constant 0 : i32
      %dma_wait3A_1158 = arith.constant 24 : i32
      %dma_wait3A_1159 = arith.constant 0 : i32
      %dma_wait3A_1160 = tpu.memref_slice %arg9[%dma_wait3A_1158, %dma_wait3A_1159] : memref<64x129xf32, #tpu.memory_space<vmem>> -> memref<8x128xf32, #tpu.memory_space<vmem>>
      %dma_wait3A_1161 = arith.constant 0 : i32
      %dma_wait3A_1162 = arith.constant 0 : i32
      %dma_wait3A_1163 = tpu.memref_slice %arg4[%dma_wait3A_1155, %dma_wait3A_1156, %dma_wait3A_1157, %dma_wait3A_1161, %dma_wait3A_1162] : memref<200x8x32x8x128xf32, #tpu.memory_space<hbm>> -> memref<1x1x1x8x128xf32, #tpu.memory_space<hbm>>
      %dma_wait3A_1164 = tpu.memref_squeeze %dma_wait3A_1163 : memref<1x1x1x8x128xf32, #tpu.memory_space<hbm>> -> memref<8x128xf32, #tpu.memory_space<hbm>>
      %dma_wait3A_1165 = arith.constant 0 : i32
      %dma_wait3A_1166 = arith.constant 0 : i32
      %dma_wait3A_1167 = tpu.memref_slice %arg4[%dma_wait3A_1155, %dma_wait3A_1156, %dma_wait3A_1157, %dma_wait3A_1165, %dma_wait3A_1166] : memref<200x8x32x8x128xf32, #tpu.memory_space<hbm>> -> memref<1x1x1x8x128xf32, #tpu.memory_space<hbm>>
      %dma_wait3A_1168 = tpu.memref_squeeze %dma_wait3A_1167 : memref<1x1x1x8x128xf32, #tpu.memory_space<hbm>> -> memref<8x128xf32, #tpu.memory_space<hbm>>
      %dma_wait3A_1169 = arith.constant 24 : i32
      %dma_wait3A_1170 = arith.constant 0 : i32
      %dma_wait3A_1171 = tpu.memref_slice %arg9[%dma_wait3A_1169, %dma_wait3A_1170] : memref<64x129xf32, #tpu.memory_space<vmem>> -> memref<8x128xf32, #tpu.memory_space<vmem>>
      tpu.wait_dma2 semaphore(%arg13 : memref<!tpu.dma_semaphore, #tpu.memory_space<semaphore_mem>>) src(%dma_wait3A_1171 : memref<8x128xf32, #tpu.memory_space<vmem>>) dst(%dma_wait3A_1168 : memref<8x128xf32, #tpu.memory_space<hbm>>)
      %dma_wait3A_1172 = arith.constant 0 : i32
      %dma_wait3A_1173 = arith.constant 4 : i32
      %dma_wait3A_1174 = arith.constant 0 : i32
      %dma_wait3A_1175 = arith.constant 32 : i32
      %dma_wait3A_1176 = arith.constant 0 : i32
      %dma_wait3A_1177 = tpu.memref_slice %arg9[%dma_wait3A_1175, %dma_wait3A_1176] : memref<64x129xf32, #tpu.memory_space<vmem>> -> memref<8x128xf32, #tpu.memory_space<vmem>>
      %dma_wait3A_1178 = arith.constant 0 : i32
      %dma_wait3A_1179 = arith.constant 0 : i32
      %dma_wait3A_1180 = tpu.memref_slice %arg4[%dma_wait3A_1172, %dma_wait3A_1173, %dma_wait3A_1174, %dma_wait3A_1178, %dma_wait3A_1179] : memref<200x8x32x8x128xf32, #tpu.memory_space<hbm>> -> memref<1x1x1x8x128xf32, #tpu.memory_space<hbm>>
      %dma_wait3A_1181 = tpu.memref_squeeze %dma_wait3A_1180 : memref<1x1x1x8x128xf32, #tpu.memory_space<hbm>> -> memref<8x128xf32, #tpu.memory_space<hbm>>
      %dma_wait3A_1182 = arith.constant 0 : i32
      %dma_wait3A_1183 = arith.constant 0 : i32
      %dma_wait3A_1184 = tpu.memref_slice %arg4[%dma_wait3A_1172, %dma_wait3A_1173, %dma_wait3A_1174, %dma_wait3A_1182, %dma_wait3A_1183] : memref<200x8x32x8x128xf32, #tpu.memory_space<hbm>> -> memref<1x1x1x8x128xf32, #tpu.memory_space<hbm>>
      %dma_wait3A_1185 = tpu.memref_squeeze %dma_wait3A_1184 : memref<1x1x1x8x128xf32, #tpu.memory_space<hbm>> -> memref<8x128xf32, #tpu.memory_space<hbm>>
      %dma_wait3A_1186 = arith.constant 32 : i32
      %dma_wait3A_1187 = arith.constant 0 : i32
      %dma_wait3A_1188 = tpu.memref_slice %arg9[%dma_wait3A_1186, %dma_wait3A_1187] : memref<64x129xf32, #tpu.memory_space<vmem>> -> memref<8x128xf32, #tpu.memory_space<vmem>>
      tpu.wait_dma2 semaphore(%arg13 : memref<!tpu.dma_semaphore, #tpu.memory_space<semaphore_mem>>) src(%dma_wait3A_1188 : memref<8x128xf32, #tpu.memory_space<vmem>>) dst(%dma_wait3A_1185 : memref<8x128xf32, #tpu.memory_space<hbm>>)
      %dma_wait3A_1189 = arith.constant 0 : i32
      %dma_wait3A_1190 = arith.constant 5 : i32
      %dma_wait3A_1191 = arith.constant 0 : i32
      %dma_wait3A_1192 = arith.constant 40 : i32
      %dma_wait3A_1193 = arith.constant 0 : i32
      %dma_wait3A_1194 = tpu.memref_slice %arg9[%dma_wait3A_1192, %dma_wait3A_1193] : memref<64x129xf32, #tpu.memory_space<vmem>> -> memref<8x128xf32, #tpu.memory_space<vmem>>
      %dma_wait3A_1195 = arith.constant 0 : i32
      %dma_wait3A_1196 = arith.constant 0 : i32
      %dma_wait3A_1197 = tpu.memref_slice %arg4[%dma_wait3A_1189, %dma_wait3A_1190, %dma_wait3A_1191, %dma_wait3A_1195, %dma_wait3A_1196] : memref<200x8x32x8x128xf32, #tpu.memory_space<hbm>> -> memref<1x1x1x8x128xf32, #tpu.memory_space<hbm>>
      %dma_wait3A_1198 = tpu.memref_squeeze %dma_wait3A_1197 : memref<1x1x1x8x128xf32, #tpu.memory_space<hbm>> -> memref<8x128xf32, #tpu.memory_space<hbm>>
      %dma_wait3A_1199 = arith.constant 0 : i32
      %dma_wait3A_1200 = arith.constant 0 : i32
      %dma_wait3A_1201 = tpu.memref_slice %arg4[%dma_wait3A_1189, %dma_wait3A_1190, %dma_wait3A_1191, %dma_wait3A_1199, %dma_wait3A_1200] : memref<200x8x32x8x128xf32, #tpu.memory_space<hbm>> -> memref<1x1x1x8x128xf32, #tpu.memory_space<hbm>>
      %dma_wait3A_1202 = tpu.memref_squeeze %dma_wait3A_1201 : memref<1x1x1x8x128xf32, #tpu.memory_space<hbm>> -> memref<8x128xf32, #tpu.memory_space<hbm>>
      %dma_wait3A_1203 = arith.constant 40 : i32
      %dma_wait3A_1204 = arith.constant 0 : i32
      %dma_wait3A_1205 = tpu.memref_slice %arg9[%dma_wait3A_1203, %dma_wait3A_1204] : memref<64x129xf32, #tpu.memory_space<vmem>> -> memref<8x128xf32, #tpu.memory_space<vmem>>
      tpu.wait_dma2 semaphore(%arg13 : memref<!tpu.dma_semaphore, #tpu.memory_space<semaphore_mem>>) src(%dma_wait3A_1205 : memref<8x128xf32, #tpu.memory_space<vmem>>) dst(%dma_wait3A_1202 : memref<8x128xf32, #tpu.memory_space<hbm>>)
      %dma_wait3A_1206 = arith.constant 0 : i32
      %dma_wait3A_1207 = arith.constant 6 : i32
      %dma_wait3A_1208 = arith.constant 0 : i32
      %dma_wait3A_1209 = arith.constant 48 : i32
      %dma_wait3A_1210 = arith.constant 0 : i32
      %dma_wait3A_1211 = tpu.memref_slice %arg9[%dma_wait3A_1209, %dma_wait3A_1210] : memref<64x129xf32, #tpu.memory_space<vmem>> -> memref<8x128xf32, #tpu.memory_space<vmem>>
      %dma_wait3A_1212 = arith.constant 0 : i32
      %dma_wait3A_1213 = arith.constant 0 : i32
      %dma_wait3A_1214 = tpu.memref_slice %arg4[%dma_wait3A_1206, %dma_wait3A_1207, %dma_wait3A_1208, %dma_wait3A_1212, %dma_wait3A_1213] : memref<200x8x32x8x128xf32, #tpu.memory_space<hbm>> -> memref<1x1x1x8x128xf32, #tpu.memory_space<hbm>>
      %dma_wait3A_1215 = tpu.memref_squeeze %dma_wait3A_1214 : memref<1x1x1x8x128xf32, #tpu.memory_space<hbm>> -> memref<8x128xf32, #tpu.memory_space<hbm>>
      %dma_wait3A_1216 = arith.constant 0 : i32
      %dma_wait3A_1217 = arith.constant 0 : i32
      %dma_wait3A_1218 = tpu.memref_slice %arg4[%dma_wait3A_1206, %dma_wait3A_1207, %dma_wait3A_1208, %dma_wait3A_1216, %dma_wait3A_1217] : memref<200x8x32x8x128xf32, #tpu.memory_space<hbm>> -> memref<1x1x1x8x128xf32, #tpu.memory_space<hbm>>
      %dma_wait3A_1219 = tpu.memref_squeeze %dma_wait3A_1218 : memref<1x1x1x8x128xf32, #tpu.memory_space<hbm>> -> memref<8x128xf32, #tpu.memory_space<hbm>>
      %dma_wait3A_1220 = arith.constant 48 : i32
      %dma_wait3A_1221 = arith.constant 0 : i32
      %dma_wait3A_1222 = tpu.memref_slice %arg9[%dma_wait3A_1220, %dma_wait3A_1221] : memref<64x129xf32, #tpu.memory_space<vmem>> -> memref<8x128xf32, #tpu.memory_space<vmem>>
      tpu.wait_dma2 semaphore(%arg13 : memref<!tpu.dma_semaphore, #tpu.memory_space<semaphore_mem>>) src(%dma_wait3A_1222 : memref<8x128xf32, #tpu.memory_space<vmem>>) dst(%dma_wait3A_1219 : memref<8x128xf32, #tpu.memory_space<hbm>>)
      %dma_wait3A_1223 = arith.constant 0 : i32
      %dma_wait3A_1224 = arith.constant 7 : i32
      %dma_wait3A_1225 = arith.constant 0 : i32
      %dma_wait3A_1226 = arith.constant 56 : i32
      %dma_wait3A_1227 = arith.constant 0 : i32
      %dma_wait3A_1228 = tpu.memref_slice %arg9[%dma_wait3A_1226, %dma_wait3A_1227] : memref<64x129xf32, #tpu.memory_space<vmem>> -> memref<8x128xf32, #tpu.memory_space<vmem>>
      %dma_wait3A_1229 = arith.constant 0 : i32
      %dma_wait3A_1230 = arith.constant 0 : i32
      %dma_wait3A_1231 = tpu.memref_slice %arg4[%dma_wait3A_1223, %dma_wait3A_1224, %dma_wait3A_1225, %dma_wait3A_1229, %dma_wait3A_1230] : memref<200x8x32x8x128xf32, #tpu.memory_space<hbm>> -> memref<1x1x1x8x128xf32, #tpu.memory_space<hbm>>
      %dma_wait3A_1232 = tpu.memref_squeeze %dma_wait3A_1231 : memref<1x1x1x8x128xf32, #tpu.memory_space<hbm>> -> memref<8x128xf32, #tpu.memory_space<hbm>>
      %dma_wait3A_1233 = arith.constant 0 : i32
      %dma_wait3A_1234 = arith.constant 0 : i32
      %dma_wait3A_1235 = tpu.memref_slice %arg4[%dma_wait3A_1223, %dma_wait3A_1224, %dma_wait3A_1225, %dma_wait3A_1233, %dma_wait3A_1234] : memref<200x8x32x8x128xf32, #tpu.memory_space<hbm>> -> memref<1x1x1x8x128xf32, #tpu.memory_space<hbm>>
      %dma_wait3A_1236 = tpu.memref_squeeze %dma_wait3A_1235 : memref<1x1x1x8x128xf32, #tpu.memory_space<hbm>> -> memref<8x128xf32, #tpu.memory_space<hbm>>
      %dma_wait3A_1237 = arith.constant 56 : i32
      %dma_wait3A_1238 = arith.constant 0 : i32
      %dma_wait3A_1239 = tpu.memref_slice %arg9[%dma_wait3A_1237, %dma_wait3A_1238] : memref<64x129xf32, #tpu.memory_space<vmem>> -> memref<8x128xf32, #tpu.memory_space<vmem>>
      tpu.wait_dma2 semaphore(%arg13 : memref<!tpu.dma_semaphore, #tpu.memory_space<semaphore_mem>>) src(%dma_wait3A_1239 : memref<8x128xf32, #tpu.memory_space<vmem>>) dst(%dma_wait3A_1236 : memref<8x128xf32, #tpu.memory_space<hbm>>)
      %scan3A_1240 = arith.constant 0 : i32
      %scan3A_1241 = arith.constant 0 : i32
      %scan3A_1242 = arith.constant 128 : i32
      %scan3A_1243 = arith.addi %scan3A_1241, %scan3A_1242 : i32
      %scan3A_1244 = arith.constant 1 : i32
      scf.for %scan3A_1407 = %scan3A_1241 to %scan3A_1243 step %scan3A_1244  : i32 {
        %broadcast_in_dim3A = vector.broadcast %scan3A_1407 : i32 to vector<16xi32>
        %mul3A_1408 = arith.constant 2 : i32
        %mul3A_1409 = arith.muli %mul3A_1408, %scan3A_1407 : i32
        %add3A_1410 = arith.constant 0 : i32
        %add3A_1411 = arith.addi %mul3A_1409, %add3A_1410 : i32
        %get3A = arith.index_cast %add3A_1411 : i32 to index
        %get3A_1412 = arith.constant 0 : index
        %get3A_1413 = tpu.vector_load %arg7[%get3A, %get3A_1412] {strides = array<i32>} : memref<256x32xf32, #tpu.memory_space<vmem>>, vector<16xf32>,
        %get3A_1414 = arith.index_cast %add3A_1411 : i32 to index
        %get3A_1415 = arith.constant 16 : index
        %get3A_1416 = tpu.vector_load %arg7[%get3A_1414, %get3A_1415] {strides = array<i32>} : memref<256x32xf32, #tpu.memory_space<vmem>>, vector<16xf32>,
        tpu.vector_store_idx %arg9[%add3A_8, %broadcast_in_dim3A], %get3A_1413 : memref<64x129xf32, #tpu.memory_space<vmem>>[vector<16xi32>, vector<16xi32>], vector<16xf32>,
        tpu.vector_store_idx %arg9[%add3A_14, %broadcast_in_dim3A], %get3A_1416 : memref<64x129xf32, #tpu.memory_space<vmem>>[vector<16xi32>, vector<16xi32>], vector<16xf32>,
        %mul3A_1417 = arith.constant 2 : i32
        %mul3A_1418 = arith.muli %mul3A_1417, %scan3A_1407 : i32
        %add3A_1419 = arith.constant 1 : i32
        %add3A_1420 = arith.addi %mul3A_1418, %add3A_1419 : i32
        %get3A_1421 = arith.index_cast %add3A_1420 : i32 to index
        %get3A_1422 = arith.constant 0 : index
        %get3A_1423 = tpu.vector_load %arg7[%get3A_1421, %get3A_1422] {strides = array<i32>} : memref<256x32xf32, #tpu.memory_space<vmem>>, vector<16xf32>,
        %get3A_1424 = arith.index_cast %add3A_1420 : i32 to index
        %get3A_1425 = arith.constant 16 : index
        %get3A_1426 = tpu.vector_load %arg7[%get3A_1424, %get3A_1425] {strides = array<i32>} : memref<256x32xf32, #tpu.memory_space<vmem>>, vector<16xf32>,
        tpu.vector_store_idx %arg9[%add3A_20, %broadcast_in_dim3A], %get3A_1423 : memref<64x129xf32, #tpu.memory_space<vmem>>[vector<16xi32>, vector<16xi32>], vector<16xf32>,
        tpu.vector_store_idx %arg9[%add3A_26, %broadcast_in_dim3A], %get3A_1426 : memref<64x129xf32, #tpu.memory_space<vmem>>[vector<16xi32>, vector<16xi32>], vector<16xf32>,
      }
      %scan3A_1245 = arith.constant 128 : i32
      %add3A_1246 = arith.addi %mul3A_2, %add3A_1074 : i32
      %jit3A_1247 = arith.constant 32 : i32
      %div3A_1248 = arith.divsi %add3A_1246, %jit3A_1247 : i32
      %sign3A_1249 = arith.constant 0 : i32
      %sign3A_1250 = arith.cmpi sgt, %add3A_1246, %sign3A_1249 : i32
      %sign3A_1251 = arith.extui %sign3A_1250 : i1 to i32
      %sign3A_1252 = arith.constant 0 : i32
      %sign3A_1253 = arith.cmpi slt, %add3A_1246, %sign3A_1252 : i32
      %sign3A_1254 = arith.extui %sign3A_1253 : i1 to i32
      %sign3A_1255 = arith.subi %sign3A_1251, %sign3A_1254 : i32
      %sign3A_1256 = arith.constant 0 : i32
      %sign3A_1257 = arith.cmpi sgt, %jit3A_1247, %sign3A_1256 : i32
      %sign3A_1258 = arith.extui %sign3A_1257 : i1 to i32
      %sign3A_1259 = arith.constant 0 : i32
      %sign3A_1260 = arith.cmpi slt, %jit3A_1247, %sign3A_1259 : i32
      %sign3A_1261 = arith.extui %sign3A_1260 : i1 to i32
      %sign3A_1262 = arith.subi %sign3A_1258, %sign3A_1261 : i32
      %ne3A_1263 = arith.cmpi ne, %sign3A_1255, %sign3A_1262 : i32
      %rem3A_1264 = arith.remsi %add3A_1246, %jit3A_1247 : i32
      %ne3A_1265 = arith.constant 0 : i32
      %ne3A_1266 = arith.cmpi ne, %rem3A_1264, %ne3A_1265 : i32
      %and3A_1267 = arith.andi %ne3A_1263, %ne3A_1266 : i1
      %sub3A_1268 = arith.constant 1 : i32
      %sub3A_1269 = arith.subi %div3A_1248, %sub3A_1268 : i32
      %select_n3A_1270 = arith.select %and3A_1267, %sub3A_1269, %div3A_1248 : i32
      %jit3A_1271 = arith.constant 32 : i32
      %eq3A_1272 = arith.constant 0 : i32
      %eq3A_1273 = arith.cmpi eq, %jit3A_1271, %eq3A_1272 : i32
      %jit3A_1274 = arith.constant 1 : i32
      %select_n3A_1275 = arith.select %eq3A_1273, %jit3A_1274, %jit3A_1271 : i32
      %rem3A_1276 = arith.remsi %add3A_1246, %select_n3A_1275 : i32
      %ne3A_1277 = arith.constant 0 : i32
      %ne3A_1278 = arith.cmpi ne, %rem3A_1276, %ne3A_1277 : i32
      %lt3A_1279 = arith.constant 0 : i32
      %lt3A_1280 = arith.cmpi slt, %rem3A_1276, %lt3A_1279 : i32
      %lt3A_1281 = arith.constant 0 : i32
      %lt3A_1282 = arith.cmpi slt, %select_n3A_1275, %lt3A_1281 : i32
      %ne3A_1283 = arith.xori %lt3A_1280, %lt3A_1282 : i1
      %and3A_1284 = arith.andi %ne3A_1283, %ne3A_1278 : i1
      %add3A_1285 = arith.addi %rem3A_1276, %select_n3A_1275 : i32
      %select_n3A_1286 = arith.select %and3A_1284, %add3A_1285, %rem3A_1276 : i32
      %dma_start3A_1287 = arith.constant 0 : i32
      %dma_start3A_1288 = arith.constant 0 : i32
      %dma_start3A_1289 = arith.constant 0 : i32
      %dma_start3A_1290 = tpu.memref_slice %arg9[%dma_start3A_1288, %dma_start3A_1289] : memref<64x129xf32, #tpu.memory_space<vmem>> -> memref<8x128xf32, #tpu.memory_space<vmem>>
      %dma_start3A_1291 = arith.constant 0 : i32
      %dma_start3A_1292 = arith.constant 0 : i32
      %dma_start3A_1293 = tpu.memref_slice %arg4[%select_n3A_1270, %dma_start3A_1287, %select_n3A_1286, %dma_start3A_1291, %dma_start3A_1292] : memref<200x8x32x8x128xf32, #tpu.memory_space<hbm>> -> memref<1x1x1x8x128xf32, #tpu.memory_space<hbm>>
      %dma_start3A_1294 = tpu.memref_squeeze %dma_start3A_1293 : memref<1x1x1x8x128xf32, #tpu.memory_space<hbm>> -> memref<8x128xf32, #tpu.memory_space<hbm>>
      %dma_start3A_1295 = arith.constant 0 : i32
      %dma_start3A_1296 = arith.constant 0 : i32
      %dma_start3A_1297 = tpu.memref_slice %arg4[%select_n3A_1270, %dma_start3A_1287, %select_n3A_1286, %dma_start3A_1295, %dma_start3A_1296] : memref<200x8x32x8x128xf32, #tpu.memory_space<hbm>> -> memref<1x1x1x8x128xf32, #tpu.memory_space<hbm>>
      %dma_start3A_1298 = tpu.memref_squeeze %dma_start3A_1297 : memref<1x1x1x8x128xf32, #tpu.memory_space<hbm>> -> memref<8x128xf32, #tpu.memory_space<hbm>>
      %dma_start3A_1299 = arith.constant 0 : i32
      %dma_start3A_1300 = arith.constant 0 : i32
      %dma_start3A_1301 = tpu.memref_slice %arg9[%dma_start3A_1299, %dma_start3A_1300] : memref<64x129xf32, #tpu.memory_space<vmem>> -> memref<8x128xf32, #tpu.memory_space<vmem>>
      tpu.enqueue_dma source(%dma_start3A_1301 : memref<8x128xf32, #tpu.memory_space<vmem>>) target(%dma_start3A_1298 : memref<8x128xf32, #tpu.memory_space<hbm>>) target_semaphore(%arg13 : memref<!tpu.dma_semaphore, #tpu.memory_space<semaphore_mem>>)
      %dma_start3A_1302 = arith.constant 1 : i32
      %dma_start3A_1303 = arith.constant 8 : i32
      %dma_start3A_1304 = arith.constant 0 : i32
      %dma_start3A_1305 = tpu.memref_slice %arg9[%dma_start3A_1303, %dma_start3A_1304] : memref<64x129xf32, #tpu.memory_space<vmem>> -> memref<8x128xf32, #tpu.memory_space<vmem>>
      %dma_start3A_1306 = arith.constant 0 : i32
      %dma_start3A_1307 = arith.constant 0 : i32
      %dma_start3A_1308 = tpu.memref_slice %arg4[%select_n3A_1270, %dma_start3A_1302, %select_n3A_1286, %dma_start3A_1306, %dma_start3A_1307] : memref<200x8x32x8x128xf32, #tpu.memory_space<hbm>> -> memref<1x1x1x8x128xf32, #tpu.memory_space<hbm>>
      %dma_start3A_1309 = tpu.memref_squeeze %dma_start3A_1308 : memref<1x1x1x8x128xf32, #tpu.memory_space<hbm>> -> memref<8x128xf32, #tpu.memory_space<hbm>>
      %dma_start3A_1310 = arith.constant 0 : i32
      %dma_start3A_1311 = arith.constant 0 : i32
      %dma_start3A_1312 = tpu.memref_slice %arg4[%select_n3A_1270, %dma_start3A_1302, %select_n3A_1286, %dma_start3A_1310, %dma_start3A_1311] : memref<200x8x32x8x128xf32, #tpu.memory_space<hbm>> -> memref<1x1x1x8x128xf32, #tpu.memory_space<hbm>>
      %dma_start3A_1313 = tpu.memref_squeeze %dma_start3A_1312 : memref<1x1x1x8x128xf32, #tpu.memory_space<hbm>> -> memref<8x128xf32, #tpu.memory_space<hbm>>
      %dma_start3A_1314 = arith.constant 8 : i32
      %dma_start3A_1315 = arith.constant 0 : i32
      %dma_start3A_1316 = tpu.memref_slice %arg9[%dma_start3A_1314, %dma_start3A_1315] : memref<64x129xf32, #tpu.memory_space<vmem>> -> memref<8x128xf32, #tpu.memory_space<vmem>>
      tpu.enqueue_dma source(%dma_start3A_1316 : memref<8x128xf32, #tpu.memory_space<vmem>>) target(%dma_start3A_1313 : memref<8x128xf32, #tpu.memory_space<hbm>>) target_semaphore(%arg13 : memref<!tpu.dma_semaphore, #tpu.memory_space<semaphore_mem>>)
      %dma_start3A_1317 = arith.constant 2 : i32
      %dma_start3A_1318 = arith.constant 16 : i32
      %dma_start3A_1319 = arith.constant 0 : i32
      %dma_start3A_1320 = tpu.memref_slice %arg9[%dma_start3A_1318, %dma_start3A_1319] : memref<64x129xf32, #tpu.memory_space<vmem>> -> memref<8x128xf32, #tpu.memory_space<vmem>>
      %dma_start3A_1321 = arith.constant 0 : i32
      %dma_start3A_1322 = arith.constant 0 : i32
      %dma_start3A_1323 = tpu.memref_slice %arg4[%select_n3A_1270, %dma_start3A_1317, %select_n3A_1286, %dma_start3A_1321, %dma_start3A_1322] : memref<200x8x32x8x128xf32, #tpu.memory_space<hbm>> -> memref<1x1x1x8x128xf32, #tpu.memory_space<hbm>>
      %dma_start3A_1324 = tpu.memref_squeeze %dma_start3A_1323 : memref<1x1x1x8x128xf32, #tpu.memory_space<hbm>> -> memref<8x128xf32, #tpu.memory_space<hbm>>
      %dma_start3A_1325 = arith.constant 0 : i32
      %dma_start3A_1326 = arith.constant 0 : i32
      %dma_start3A_1327 = tpu.memref_slice %arg4[%select_n3A_1270, %dma_start3A_1317, %select_n3A_1286, %dma_start3A_1325, %dma_start3A_1326] : memref<200x8x32x8x128xf32, #tpu.memory_space<hbm>> -> memref<1x1x1x8x128xf32, #tpu.memory_space<hbm>>
      %dma_start3A_1328 = tpu.memref_squeeze %dma_start3A_1327 : memref<1x1x1x8x128xf32, #tpu.memory_space<hbm>> -> memref<8x128xf32, #tpu.memory_space<hbm>>
      %dma_start3A_1329 = arith.constant 16 : i32
      %dma_start3A_1330 = arith.constant 0 : i32
      %dma_start3A_1331 = tpu.memref_slice %arg9[%dma_start3A_1329, %dma_start3A_1330] : memref<64x129xf32, #tpu.memory_space<vmem>> -> memref<8x128xf32, #tpu.memory_space<vmem>>
      tpu.enqueue_dma source(%dma_start3A_1331 : memref<8x128xf32, #tpu.memory_space<vmem>>) target(%dma_start3A_1328 : memref<8x128xf32, #tpu.memory_space<hbm>>) target_semaphore(%arg13 : memref<!tpu.dma_semaphore, #tpu.memory_space<semaphore_mem>>)
      %dma_start3A_1332 = arith.constant 3 : i32
      %dma_start3A_1333 = arith.constant 24 : i32
      %dma_start3A_1334 = arith.constant 0 : i32
      %dma_start3A_1335 = tpu.memref_slice %arg9[%dma_start3A_1333, %dma_start3A_1334] : memref<64x129xf32, #tpu.memory_space<vmem>> -> memref<8x128xf32, #tpu.memory_space<vmem>>
      %dma_start3A_1336 = arith.constant 0 : i32
      %dma_start3A_1337 = arith.constant 0 : i32
      %dma_start3A_1338 = tpu.memref_slice %arg4[%select_n3A_1270, %dma_start3A_1332, %select_n3A_1286, %dma_start3A_1336, %dma_start3A_1337] : memref<200x8x32x8x128xf32, #tpu.memory_space<hbm>> -> memref<1x1x1x8x128xf32, #tpu.memory_space<hbm>>
      %dma_start3A_1339 = tpu.memref_squeeze %dma_start3A_1338 : memref<1x1x1x8x128xf32, #tpu.memory_space<hbm>> -> memref<8x128xf32, #tpu.memory_space<hbm>>
      %dma_start3A_1340 = arith.constant 0 : i32
      %dma_start3A_1341 = arith.constant 0 : i32
      %dma_start3A_1342 = tpu.memref_slice %arg4[%select_n3A_1270, %dma_start3A_1332, %select_n3A_1286, %dma_start3A_1340, %dma_start3A_1341] : memref<200x8x32x8x128xf32, #tpu.memory_space<hbm>> -> memref<1x1x1x8x128xf32, #tpu.memory_space<hbm>>
      %dma_start3A_1343 = tpu.memref_squeeze %dma_start3A_1342 : memref<1x1x1x8x128xf32, #tpu.memory_space<hbm>> -> memref<8x128xf32, #tpu.memory_space<hbm>>
      %dma_start3A_1344 = arith.constant 24 : i32
      %dma_start3A_1345 = arith.constant 0 : i32
      %dma_start3A_1346 = tpu.memref_slice %arg9[%dma_start3A_1344, %dma_start3A_1345] : memref<64x129xf32, #tpu.memory_space<vmem>> -> memref<8x128xf32, #tpu.memory_space<vmem>>
      tpu.enqueue_dma source(%dma_start3A_1346 : memref<8x128xf32, #tpu.memory_space<vmem>>) target(%dma_start3A_1343 : memref<8x128xf32, #tpu.memory_space<hbm>>) target_semaphore(%arg13 : memref<!tpu.dma_semaphore, #tpu.memory_space<semaphore_mem>>)
      %dma_start3A_1347 = arith.constant 4 : i32
      %dma_start3A_1348 = arith.constant 32 : i32
      %dma_start3A_1349 = arith.constant 0 : i32
      %dma_start3A_1350 = tpu.memref_slice %arg9[%dma_start3A_1348, %dma_start3A_1349] : memref<64x129xf32, #tpu.memory_space<vmem>> -> memref<8x128xf32, #tpu.memory_space<vmem>>
      %dma_start3A_1351 = arith.constant 0 : i32
      %dma_start3A_1352 = arith.constant 0 : i32
      %dma_start3A_1353 = tpu.memref_slice %arg4[%select_n3A_1270, %dma_start3A_1347, %select_n3A_1286, %dma_start3A_1351, %dma_start3A_1352] : memref<200x8x32x8x128xf32, #tpu.memory_space<hbm>> -> memref<1x1x1x8x128xf32, #tpu.memory_space<hbm>>
      %dma_start3A_1354 = tpu.memref_squeeze %dma_start3A_1353 : memref<1x1x1x8x128xf32, #tpu.memory_space<hbm>> -> memref<8x128xf32, #tpu.memory_space<hbm>>
      %dma_start3A_1355 = arith.constant 0 : i32
      %dma_start3A_1356 = arith.constant 0 : i32
      %dma_start3A_1357 = tpu.memref_slice %arg4[%select_n3A_1270, %dma_start3A_1347, %select_n3A_1286, %dma_start3A_1355, %dma_start3A_1356] : memref<200x8x32x8x128xf32, #tpu.memory_space<hbm>> -> memref<1x1x1x8x128xf32, #tpu.memory_space<hbm>>
      %dma_start3A_1358 = tpu.memref_squeeze %dma_start3A_1357 : memref<1x1x1x8x128xf32, #tpu.memory_space<hbm>> -> memref<8x128xf32, #tpu.memory_space<hbm>>
      %dma_start3A_1359 = arith.constant 32 : i32
      %dma_start3A_1360 = arith.constant 0 : i32
      %dma_start3A_1361 = tpu.memref_slice %arg9[%dma_start3A_1359, %dma_start3A_1360] : memref<64x129xf32, #tpu.memory_space<vmem>> -> memref<8x128xf32, #tpu.memory_space<vmem>>
      tpu.enqueue_dma source(%dma_start3A_1361 : memref<8x128xf32, #tpu.memory_space<vmem>>) target(%dma_start3A_1358 : memref<8x128xf32, #tpu.memory_space<hbm>>) target_semaphore(%arg13 : memref<!tpu.dma_semaphore, #tpu.memory_space<semaphore_mem>>)
      %dma_start3A_1362 = arith.constant 5 : i32
      %dma_start3A_1363 = arith.constant 40 : i32
      %dma_start3A_1364 = arith.constant 0 : i32
      %dma_start3A_1365 = tpu.memref_slice %arg9[%dma_start3A_1363, %dma_start3A_1364] : memref<64x129xf32, #tpu.memory_space<vmem>> -> memref<8x128xf32, #tpu.memory_space<vmem>>
      %dma_start3A_1366 = arith.constant 0 : i32
      %dma_start3A_1367 = arith.constant 0 : i32
      %dma_start3A_1368 = tpu.memref_slice %arg4[%select_n3A_1270, %dma_start3A_1362, %select_n3A_1286, %dma_start3A_1366, %dma_start3A_1367] : memref<200x8x32x8x128xf32, #tpu.memory_space<hbm>> -> memref<1x1x1x8x128xf32, #tpu.memory_space<hbm>>
      %dma_start3A_1369 = tpu.memref_squeeze %dma_start3A_1368 : memref<1x1x1x8x128xf32, #tpu.memory_space<hbm>> -> memref<8x128xf32, #tpu.memory_space<hbm>>
      %dma_start3A_1370 = arith.constant 0 : i32
      %dma_start3A_1371 = arith.constant 0 : i32
      %dma_start3A_1372 = tpu.memref_slice %arg4[%select_n3A_1270, %dma_start3A_1362, %select_n3A_1286, %dma_start3A_1370, %dma_start3A_1371] : memref<200x8x32x8x128xf32, #tpu.memory_space<hbm>> -> memref<1x1x1x8x128xf32, #tpu.memory_space<hbm>>
      %dma_start3A_1373 = tpu.memref_squeeze %dma_start3A_1372 : memref<1x1x1x8x128xf32, #tpu.memory_space<hbm>> -> memref<8x128xf32, #tpu.memory_space<hbm>>
      %dma_start3A_1374 = arith.constant 40 : i32
      %dma_start3A_1375 = arith.constant 0 : i32
      %dma_start3A_1376 = tpu.memref_slice %arg9[%dma_start3A_1374, %dma_start3A_1375] : memref<64x129xf32, #tpu.memory_space<vmem>> -> memref<8x128xf32, #tpu.memory_space<vmem>>
      tpu.enqueue_dma source(%dma_start3A_1376 : memref<8x128xf32, #tpu.memory_space<vmem>>) target(%dma_start3A_1373 : memref<8x128xf32, #tpu.memory_space<hbm>>) target_semaphore(%arg13 : memref<!tpu.dma_semaphore, #tpu.memory_space<semaphore_mem>>)
      %dma_start3A_1377 = arith.constant 6 : i32
      %dma_start3A_1378 = arith.constant 48 : i32
      %dma_start3A_1379 = arith.constant 0 : i32
      %dma_start3A_1380 = tpu.memref_slice %arg9[%dma_start3A_1378, %dma_start3A_1379] : memref<64x129xf32, #tpu.memory_space<vmem>> -> memref<8x128xf32, #tpu.memory_space<vmem>>
      %dma_start3A_1381 = arith.constant 0 : i32
      %dma_start3A_1382 = arith.constant 0 : i32
      %dma_start3A_1383 = tpu.memref_slice %arg4[%select_n3A_1270, %dma_start3A_1377, %select_n3A_1286, %dma_start3A_1381, %dma_start3A_1382] : memref<200x8x32x8x128xf32, #tpu.memory_space<hbm>> -> memref<1x1x1x8x128xf32, #tpu.memory_space<hbm>>
      %dma_start3A_1384 = tpu.memref_squeeze %dma_start3A_1383 : memref<1x1x1x8x128xf32, #tpu.memory_space<hbm>> -> memref<8x128xf32, #tpu.memory_space<hbm>>
      %dma_start3A_1385 = arith.constant 0 : i32
      %dma_start3A_1386 = arith.constant 0 : i32
      %dma_start3A_1387 = tpu.memref_slice %arg4[%select_n3A_1270, %dma_start3A_1377, %select_n3A_1286, %dma_start3A_1385, %dma_start3A_1386] : memref<200x8x32x8x128xf32, #tpu.memory_space<hbm>> -> memref<1x1x1x8x128xf32, #tpu.memory_space<hbm>>
      %dma_start3A_1388 = tpu.memref_squeeze %dma_start3A_1387 : memref<1x1x1x8x128xf32, #tpu.memory_space<hbm>> -> memref<8x128xf32, #tpu.memory_space<hbm>>
      %dma_start3A_1389 = arith.constant 48 : i32
      %dma_start3A_1390 = arith.constant 0 : i32
      %dma_start3A_1391 = tpu.memref_slice %arg9[%dma_start3A_1389, %dma_start3A_1390] : memref<64x129xf32, #tpu.memory_space<vmem>> -> memref<8x128xf32, #tpu.memory_space<vmem>>
      tpu.enqueue_dma source(%dma_start3A_1391 : memref<8x128xf32, #tpu.memory_space<vmem>>) target(%dma_start3A_1388 : memref<8x128xf32, #tpu.memory_space<hbm>>) target_semaphore(%arg13 : memref<!tpu.dma_semaphore, #tpu.memory_space<semaphore_mem>>)
      %dma_start3A_1392 = arith.constant 7 : i32
      %dma_start3A_1393 = arith.constant 56 : i32
      %dma_start3A_1394 = arith.constant 0 : i32
      %dma_start3A_1395 = tpu.memref_slice %arg9[%dma_start3A_1393, %dma_start3A_1394] : memref<64x129xf32, #tpu.memory_space<vmem>> -> memref<8x128xf32, #tpu.memory_space<vmem>>
      %dma_start3A_1396 = arith.constant 0 : i32
      %dma_start3A_1397 = arith.constant 0 : i32
      %dma_start3A_1398 = tpu.memref_slice %arg4[%select_n3A_1270, %dma_start3A_1392, %select_n3A_1286, %dma_start3A_1396, %dma_start3A_1397] : memref<200x8x32x8x128xf32, #tpu.memory_space<hbm>> -> memref<1x1x1x8x128xf32, #tpu.memory_space<hbm>>
      %dma_start3A_1399 = tpu.memref_squeeze %dma_start3A_1398 : memref<1x1x1x8x128xf32, #tpu.memory_space<hbm>> -> memref<8x128xf32, #tpu.memory_space<hbm>>
      %dma_start3A_1400 = arith.constant 0 : i32
      %dma_start3A_1401 = arith.constant 0 : i32
      %dma_start3A_1402 = tpu.memref_slice %arg4[%select_n3A_1270, %dma_start3A_1392, %select_n3A_1286, %dma_start3A_1400, %dma_start3A_1401] : memref<200x8x32x8x128xf32, #tpu.memory_space<hbm>> -> memref<1x1x1x8x128xf32, #tpu.memory_space<hbm>>
      %dma_start3A_1403 = tpu.memref_squeeze %dma_start3A_1402 : memref<1x1x1x8x128xf32, #tpu.memory_space<hbm>> -> memref<8x128xf32, #tpu.memory_space<hbm>>
      %dma_start3A_1404 = arith.constant 56 : i32
      %dma_start3A_1405 = arith.constant 0 : i32
      %dma_start3A_1406 = tpu.memref_slice %arg9[%dma_start3A_1404, %dma_start3A_1405] : memref<64x129xf32, #tpu.memory_space<vmem>> -> memref<8x128xf32, #tpu.memory_space<vmem>>
      tpu.enqueue_dma source(%dma_start3A_1406 : memref<8x128xf32, #tpu.memory_space<vmem>>) target(%dma_start3A_1403 : memref<8x128xf32, #tpu.memory_space<hbm>>) target_semaphore(%arg13 : memref<!tpu.dma_semaphore, #tpu.memory_space<semaphore_mem>>)
    }
    %scan3A_465 = arith.constant 99 : i32
    %dma_wait3A_466 = arith.constant 0 : i32
    %dma_wait3A_467 = arith.constant 0 : i32
    %dma_wait3A_468 = arith.constant 0 : i32
    %dma_wait3A_469 = arith.constant 0 : i32
    %dma_wait3A_470 = arith.constant 0 : i32
    %dma_wait3A_471 = tpu.memref_slice %arg8[%dma_wait3A_469, %dma_wait3A_470] : memref<64x129xf32, #tpu.memory_space<vmem>> -> memref<8x128xf32, #tpu.memory_space<vmem>>
    %dma_wait3A_472 = arith.constant 0 : i32
    %dma_wait3A_473 = arith.constant 0 : i32
    %dma_wait3A_474 = tpu.memref_slice %arg4[%dma_wait3A_466, %dma_wait3A_467, %dma_wait3A_468, %dma_wait3A_472, %dma_wait3A_473] : memref<200x8x32x8x128xf32, #tpu.memory_space<hbm>> -> memref<1x1x1x8x128xf32, #tpu.memory_space<hbm>>
    %dma_wait3A_475 = tpu.memref_squeeze %dma_wait3A_474 : memref<1x1x1x8x128xf32, #tpu.memory_space<hbm>> -> memref<8x128xf32, #tpu.memory_space<hbm>>
    %dma_wait3A_476 = arith.constant 0 : i32
    %dma_wait3A_477 = arith.constant 0 : i32
    %dma_wait3A_478 = tpu.memref_slice %arg4[%dma_wait3A_466, %dma_wait3A_467, %dma_wait3A_468, %dma_wait3A_476, %dma_wait3A_477] : memref<200x8x32x8x128xf32, #tpu.memory_space<hbm>> -> memref<1x1x1x8x128xf32, #tpu.memory_space<hbm>>
    %dma_wait3A_479 = tpu.memref_squeeze %dma_wait3A_478 : memref<1x1x1x8x128xf32, #tpu.memory_space<hbm>> -> memref<8x128xf32, #tpu.memory_space<hbm>>
    %dma_wait3A_480 = arith.constant 0 : i32
    %dma_wait3A_481 = arith.constant 0 : i32
    %dma_wait3A_482 = tpu.memref_slice %arg8[%dma_wait3A_480, %dma_wait3A_481] : memref<64x129xf32, #tpu.memory_space<vmem>> -> memref<8x128xf32, #tpu.memory_space<vmem>>
    tpu.wait_dma2 semaphore(%arg12 : memref<!tpu.dma_semaphore, #tpu.memory_space<semaphore_mem>>) src(%dma_wait3A_482 : memref<8x128xf32, #tpu.memory_space<vmem>>) dst(%dma_wait3A_479 : memref<8x128xf32, #tpu.memory_space<hbm>>)
    %dma_wait3A_483 = arith.constant 0 : i32
    %dma_wait3A_484 = arith.constant 1 : i32
    %dma_wait3A_485 = arith.constant 0 : i32
    %dma_wait3A_486 = arith.constant 8 : i32
    %dma_wait3A_487 = arith.constant 0 : i32
    %dma_wait3A_488 = tpu.memref_slice %arg8[%dma_wait3A_486, %dma_wait3A_487] : memref<64x129xf32, #tpu.memory_space<vmem>> -> memref<8x128xf32, #tpu.memory_space<vmem>>
    %dma_wait3A_489 = arith.constant 0 : i32
    %dma_wait3A_490 = arith.constant 0 : i32
    %dma_wait3A_491 = tpu.memref_slice %arg4[%dma_wait3A_483, %dma_wait3A_484, %dma_wait3A_485, %dma_wait3A_489, %dma_wait3A_490] : memref<200x8x32x8x128xf32, #tpu.memory_space<hbm>> -> memref<1x1x1x8x128xf32, #tpu.memory_space<hbm>>
    %dma_wait3A_492 = tpu.memref_squeeze %dma_wait3A_491 : memref<1x1x1x8x128xf32, #tpu.memory_space<hbm>> -> memref<8x128xf32, #tpu.memory_space<hbm>>
    %dma_wait3A_493 = arith.constant 0 : i32
    %dma_wait3A_494 = arith.constant 0 : i32
    %dma_wait3A_495 = tpu.memref_slice %arg4[%dma_wait3A_483, %dma_wait3A_484, %dma_wait3A_485, %dma_wait3A_493, %dma_wait3A_494] : memref<200x8x32x8x128xf32, #tpu.memory_space<hbm>> -> memref<1x1x1x8x128xf32, #tpu.memory_space<hbm>>
    %dma_wait3A_496 = tpu.memref_squeeze %dma_wait3A_495 : memref<1x1x1x8x128xf32, #tpu.memory_space<hbm>> -> memref<8x128xf32, #tpu.memory_space<hbm>>
    %dma_wait3A_497 = arith.constant 8 : i32
    %dma_wait3A_498 = arith.constant 0 : i32
    %dma_wait3A_499 = tpu.memref_slice %arg8[%dma_wait3A_497, %dma_wait3A_498] : memref<64x129xf32, #tpu.memory_space<vmem>> -> memref<8x128xf32, #tpu.memory_space<vmem>>
    tpu.wait_dma2 semaphore(%arg12 : memref<!tpu.dma_semaphore, #tpu.memory_space<semaphore_mem>>) src(%dma_wait3A_499 : memref<8x128xf32, #tpu.memory_space<vmem>>) dst(%dma_wait3A_496 : memref<8x128xf32, #tpu.memory_space<hbm>>)
    %dma_wait3A_500 = arith.constant 0 : i32
    %dma_wait3A_501 = arith.constant 2 : i32
    %dma_wait3A_502 = arith.constant 0 : i32
    %dma_wait3A_503 = arith.constant 16 : i32
    %dma_wait3A_504 = arith.constant 0 : i32
    %dma_wait3A_505 = tpu.memref_slice %arg8[%dma_wait3A_503, %dma_wait3A_504] : memref<64x129xf32, #tpu.memory_space<vmem>> -> memref<8x128xf32, #tpu.memory_space<vmem>>
    %dma_wait3A_506 = arith.constant 0 : i32
    %dma_wait3A_507 = arith.constant 0 : i32
    %dma_wait3A_508 = tpu.memref_slice %arg4[%dma_wait3A_500, %dma_wait3A_501, %dma_wait3A_502, %dma_wait3A_506, %dma_wait3A_507] : memref<200x8x32x8x128xf32, #tpu.memory_space<hbm>> -> memref<1x1x1x8x128xf32, #tpu.memory_space<hbm>>
    %dma_wait3A_509 = tpu.memref_squeeze %dma_wait3A_508 : memref<1x1x1x8x128xf32, #tpu.memory_space<hbm>> -> memref<8x128xf32, #tpu.memory_space<hbm>>
    %dma_wait3A_510 = arith.constant 0 : i32
    %dma_wait3A_511 = arith.constant 0 : i32
    %dma_wait3A_512 = tpu.memref_slice %arg4[%dma_wait3A_500, %dma_wait3A_501, %dma_wait3A_502, %dma_wait3A_510, %dma_wait3A_511] : memref<200x8x32x8x128xf32, #tpu.memory_space<hbm>> -> memref<1x1x1x8x128xf32, #tpu.memory_space<hbm>>
    %dma_wait3A_513 = tpu.memref_squeeze %dma_wait3A_512 : memref<1x1x1x8x128xf32, #tpu.memory_space<hbm>> -> memref<8x128xf32, #tpu.memory_space<hbm>>
    %dma_wait3A_514 = arith.constant 16 : i32
    %dma_wait3A_515 = arith.constant 0 : i32
    %dma_wait3A_516 = tpu.memref_slice %arg8[%dma_wait3A_514, %dma_wait3A_515] : memref<64x129xf32, #tpu.memory_space<vmem>> -> memref<8x128xf32, #tpu.memory_space<vmem>>
    tpu.wait_dma2 semaphore(%arg12 : memref<!tpu.dma_semaphore, #tpu.memory_space<semaphore_mem>>) src(%dma_wait3A_516 : memref<8x128xf32, #tpu.memory_space<vmem>>) dst(%dma_wait3A_513 : memref<8x128xf32, #tpu.memory_space<hbm>>)
    %dma_wait3A_517 = arith.constant 0 : i32
    %dma_wait3A_518 = arith.constant 3 : i32
    %dma_wait3A_519 = arith.constant 0 : i32
    %dma_wait3A_520 = arith.constant 24 : i32
    %dma_wait3A_521 = arith.constant 0 : i32
    %dma_wait3A_522 = tpu.memref_slice %arg8[%dma_wait3A_520, %dma_wait3A_521] : memref<64x129xf32, #tpu.memory_space<vmem>> -> memref<8x128xf32, #tpu.memory_space<vmem>>
    %dma_wait3A_523 = arith.constant 0 : i32
    %dma_wait3A_524 = arith.constant 0 : i32
    %dma_wait3A_525 = tpu.memref_slice %arg4[%dma_wait3A_517, %dma_wait3A_518, %dma_wait3A_519, %dma_wait3A_523, %dma_wait3A_524] : memref<200x8x32x8x128xf32, #tpu.memory_space<hbm>> -> memref<1x1x1x8x128xf32, #tpu.memory_space<hbm>>
    %dma_wait3A_526 = tpu.memref_squeeze %dma_wait3A_525 : memref<1x1x1x8x128xf32, #tpu.memory_space<hbm>> -> memref<8x128xf32, #tpu.memory_space<hbm>>
    %dma_wait3A_527 = arith.constant 0 : i32
    %dma_wait3A_528 = arith.constant 0 : i32
    %dma_wait3A_529 = tpu.memref_slice %arg4[%dma_wait3A_517, %dma_wait3A_518, %dma_wait3A_519, %dma_wait3A_527, %dma_wait3A_528] : memref<200x8x32x8x128xf32, #tpu.memory_space<hbm>> -> memref<1x1x1x8x128xf32, #tpu.memory_space<hbm>>
    %dma_wait3A_530 = tpu.memref_squeeze %dma_wait3A_529 : memref<1x1x1x8x128xf32, #tpu.memory_space<hbm>> -> memref<8x128xf32, #tpu.memory_space<hbm>>
    %dma_wait3A_531 = arith.constant 24 : i32
    %dma_wait3A_532 = arith.constant 0 : i32
    %dma_wait3A_533 = tpu.memref_slice %arg8[%dma_wait3A_531, %dma_wait3A_532] : memref<64x129xf32, #tpu.memory_space<vmem>> -> memref<8x128xf32, #tpu.memory_space<vmem>>
    tpu.wait_dma2 semaphore(%arg12 : memref<!tpu.dma_semaphore, #tpu.memory_space<semaphore_mem>>) src(%dma_wait3A_533 : memref<8x128xf32, #tpu.memory_space<vmem>>) dst(%dma_wait3A_530 : memref<8x128xf32, #tpu.memory_space<hbm>>)
    %dma_wait3A_534 = arith.constant 0 : i32
    %dma_wait3A_535 = arith.constant 4 : i32
    %dma_wait3A_536 = arith.constant 0 : i32
    %dma_wait3A_537 = arith.constant 32 : i32
    %dma_wait3A_538 = arith.constant 0 : i32
    %dma_wait3A_539 = tpu.memref_slice %arg8[%dma_wait3A_537, %dma_wait3A_538] : memref<64x129xf32, #tpu.memory_space<vmem>> -> memref<8x128xf32, #tpu.memory_space<vmem>>
    %dma_wait3A_540 = arith.constant 0 : i32
    %dma_wait3A_541 = arith.constant 0 : i32
    %dma_wait3A_542 = tpu.memref_slice %arg4[%dma_wait3A_534, %dma_wait3A_535, %dma_wait3A_536, %dma_wait3A_540, %dma_wait3A_541] : memref<200x8x32x8x128xf32, #tpu.memory_space<hbm>> -> memref<1x1x1x8x128xf32, #tpu.memory_space<hbm>>
    %dma_wait3A_543 = tpu.memref_squeeze %dma_wait3A_542 : memref<1x1x1x8x128xf32, #tpu.memory_space<hbm>> -> memref<8x128xf32, #tpu.memory_space<hbm>>
    %dma_wait3A_544 = arith.constant 0 : i32
    %dma_wait3A_545 = arith.constant 0 : i32
    %dma_wait3A_546 = tpu.memref_slice %arg4[%dma_wait3A_534, %dma_wait3A_535, %dma_wait3A_536, %dma_wait3A_544, %dma_wait3A_545] : memref<200x8x32x8x128xf32, #tpu.memory_space<hbm>> -> memref<1x1x1x8x128xf32, #tpu.memory_space<hbm>>
    %dma_wait3A_547 = tpu.memref_squeeze %dma_wait3A_546 : memref<1x1x1x8x128xf32, #tpu.memory_space<hbm>> -> memref<8x128xf32, #tpu.memory_space<hbm>>
    %dma_wait3A_548 = arith.constant 32 : i32
    %dma_wait3A_549 = arith.constant 0 : i32
    %dma_wait3A_550 = tpu.memref_slice %arg8[%dma_wait3A_548, %dma_wait3A_549] : memref<64x129xf32, #tpu.memory_space<vmem>> -> memref<8x128xf32, #tpu.memory_space<vmem>>
    tpu.wait_dma2 semaphore(%arg12 : memref<!tpu.dma_semaphore, #tpu.memory_space<semaphore_mem>>) src(%dma_wait3A_550 : memref<8x128xf32, #tpu.memory_space<vmem>>) dst(%dma_wait3A_547 : memref<8x128xf32, #tpu.memory_space<hbm>>)
    %dma_wait3A_551 = arith.constant 0 : i32
    %dma_wait3A_552 = arith.constant 5 : i32
    %dma_wait3A_553 = arith.constant 0 : i32
    %dma_wait3A_554 = arith.constant 40 : i32
    %dma_wait3A_555 = arith.constant 0 : i32
    %dma_wait3A_556 = tpu.memref_slice %arg8[%dma_wait3A_554, %dma_wait3A_555] : memref<64x129xf32, #tpu.memory_space<vmem>> -> memref<8x128xf32, #tpu.memory_space<vmem>>
    %dma_wait3A_557 = arith.constant 0 : i32
    %dma_wait3A_558 = arith.constant 0 : i32
    %dma_wait3A_559 = tpu.memref_slice %arg4[%dma_wait3A_551, %dma_wait3A_552, %dma_wait3A_553, %dma_wait3A_557, %dma_wait3A_558] : memref<200x8x32x8x128xf32, #tpu.memory_space<hbm>> -> memref<1x1x1x8x128xf32, #tpu.memory_space<hbm>>
    %dma_wait3A_560 = tpu.memref_squeeze %dma_wait3A_559 : memref<1x1x1x8x128xf32, #tpu.memory_space<hbm>> -> memref<8x128xf32, #tpu.memory_space<hbm>>
    %dma_wait3A_561 = arith.constant 0 : i32
    %dma_wait3A_562 = arith.constant 0 : i32
    %dma_wait3A_563 = tpu.memref_slice %arg4[%dma_wait3A_551, %dma_wait3A_552, %dma_wait3A_553, %dma_wait3A_561, %dma_wait3A_562] : memref<200x8x32x8x128xf32, #tpu.memory_space<hbm>> -> memref<1x1x1x8x128xf32, #tpu.memory_space<hbm>>
    %dma_wait3A_564 = tpu.memref_squeeze %dma_wait3A_563 : memref<1x1x1x8x128xf32, #tpu.memory_space<hbm>> -> memref<8x128xf32, #tpu.memory_space<hbm>>
    %dma_wait3A_565 = arith.constant 40 : i32
    %dma_wait3A_566 = arith.constant 0 : i32
    %dma_wait3A_567 = tpu.memref_slice %arg8[%dma_wait3A_565, %dma_wait3A_566] : memref<64x129xf32, #tpu.memory_space<vmem>> -> memref<8x128xf32, #tpu.memory_space<vmem>>
    tpu.wait_dma2 semaphore(%arg12 : memref<!tpu.dma_semaphore, #tpu.memory_space<semaphore_mem>>) src(%dma_wait3A_567 : memref<8x128xf32, #tpu.memory_space<vmem>>) dst(%dma_wait3A_564 : memref<8x128xf32, #tpu.memory_space<hbm>>)
    %dma_wait3A_568 = arith.constant 0 : i32
    %dma_wait3A_569 = arith.constant 6 : i32
    %dma_wait3A_570 = arith.constant 0 : i32
    %dma_wait3A_571 = arith.constant 48 : i32
    %dma_wait3A_572 = arith.constant 0 : i32
    %dma_wait3A_573 = tpu.memref_slice %arg8[%dma_wait3A_571, %dma_wait3A_572] : memref<64x129xf32, #tpu.memory_space<vmem>> -> memref<8x128xf32, #tpu.memory_space<vmem>>
    %dma_wait3A_574 = arith.constant 0 : i32
    %dma_wait3A_575 = arith.constant 0 : i32
    %dma_wait3A_576 = tpu.memref_slice %arg4[%dma_wait3A_568, %dma_wait3A_569, %dma_wait3A_570, %dma_wait3A_574, %dma_wait3A_575] : memref<200x8x32x8x128xf32, #tpu.memory_space<hbm>> -> memref<1x1x1x8x128xf32, #tpu.memory_space<hbm>>
    %dma_wait3A_577 = tpu.memref_squeeze %dma_wait3A_576 : memref<1x1x1x8x128xf32, #tpu.memory_space<hbm>> -> memref<8x128xf32, #tpu.memory_space<hbm>>
    %dma_wait3A_578 = arith.constant 0 : i32
    %dma_wait3A_579 = arith.constant 0 : i32
    %dma_wait3A_580 = tpu.memref_slice %arg4[%dma_wait3A_568, %dma_wait3A_569, %dma_wait3A_570, %dma_wait3A_578, %dma_wait3A_579] : memref<200x8x32x8x128xf32, #tpu.memory_space<hbm>> -> memref<1x1x1x8x128xf32, #tpu.memory_space<hbm>>
    %dma_wait3A_581 = tpu.memref_squeeze %dma_wait3A_580 : memref<1x1x1x8x128xf32, #tpu.memory_space<hbm>> -> memref<8x128xf32, #tpu.memory_space<hbm>>
    %dma_wait3A_582 = arith.constant 48 : i32
    %dma_wait3A_583 = arith.constant 0 : i32
    %dma_wait3A_584 = tpu.memref_slice %arg8[%dma_wait3A_582, %dma_wait3A_583] : memref<64x129xf32, #tpu.memory_space<vmem>> -> memref<8x128xf32, #tpu.memory_space<vmem>>
    tpu.wait_dma2 semaphore(%arg12 : memref<!tpu.dma_semaphore, #tpu.memory_space<semaphore_mem>>) src(%dma_wait3A_584 : memref<8x128xf32, #tpu.memory_space<vmem>>) dst(%dma_wait3A_581 : memref<8x128xf32, #tpu.memory_space<hbm>>)
    %dma_wait3A_585 = arith.constant 0 : i32
    %dma_wait3A_586 = arith.constant 7 : i32
    %dma_wait3A_587 = arith.constant 0 : i32
    %dma_wait3A_588 = arith.constant 56 : i32
    %dma_wait3A_589 = arith.constant 0 : i32
    %dma_wait3A_590 = tpu.memref_slice %arg8[%dma_wait3A_588, %dma_wait3A_589] : memref<64x129xf32, #tpu.memory_space<vmem>> -> memref<8x128xf32, #tpu.memory_space<vmem>>
    %dma_wait3A_591 = arith.constant 0 : i32
    %dma_wait3A_592 = arith.constant 0 : i32
    %dma_wait3A_593 = tpu.memref_slice %arg4[%dma_wait3A_585, %dma_wait3A_586, %dma_wait3A_587, %dma_wait3A_591, %dma_wait3A_592] : memref<200x8x32x8x128xf32, #tpu.memory_space<hbm>> -> memref<1x1x1x8x128xf32, #tpu.memory_space<hbm>>
    %dma_wait3A_594 = tpu.memref_squeeze %dma_wait3A_593 : memref<1x1x1x8x128xf32, #tpu.memory_space<hbm>> -> memref<8x128xf32, #tpu.memory_space<hbm>>
    %dma_wait3A_595 = arith.constant 0 : i32
    %dma_wait3A_596 = arith.constant 0 : i32
    %dma_wait3A_597 = tpu.memref_slice %arg4[%dma_wait3A_585, %dma_wait3A_586, %dma_wait3A_587, %dma_wait3A_595, %dma_wait3A_596] : memref<200x8x32x8x128xf32, #tpu.memory_space<hbm>> -> memref<1x1x1x8x128xf32, #tpu.memory_space<hbm>>
    %dma_wait3A_598 = tpu.memref_squeeze %dma_wait3A_597 : memref<1x1x1x8x128xf32, #tpu.memory_space<hbm>> -> memref<8x128xf32, #tpu.memory_space<hbm>>
    %dma_wait3A_599 = arith.constant 56 : i32
    %dma_wait3A_600 = arith.constant 0 : i32
    %dma_wait3A_601 = tpu.memref_slice %arg8[%dma_wait3A_599, %dma_wait3A_600] : memref<64x129xf32, #tpu.memory_space<vmem>> -> memref<8x128xf32, #tpu.memory_space<vmem>>
    tpu.wait_dma2 semaphore(%arg12 : memref<!tpu.dma_semaphore, #tpu.memory_space<semaphore_mem>>) src(%dma_wait3A_601 : memref<8x128xf32, #tpu.memory_space<vmem>>) dst(%dma_wait3A_598 : memref<8x128xf32, #tpu.memory_space<hbm>>)
    %dma_wait3A_602 = arith.constant 0 : i32
    %dma_wait3A_603 = arith.constant 0 : i32
    %dma_wait3A_604 = arith.constant 0 : i32
    %dma_wait3A_605 = arith.constant 0 : i32
    %dma_wait3A_606 = arith.constant 0 : i32
    %dma_wait3A_607 = tpu.memref_slice %arg9[%dma_wait3A_605, %dma_wait3A_606] : memref<64x129xf32, #tpu.memory_space<vmem>> -> memref<8x128xf32, #tpu.memory_space<vmem>>
    %dma_wait3A_608 = arith.constant 0 : i32
    %dma_wait3A_609 = arith.constant 0 : i32
    %dma_wait3A_610 = tpu.memref_slice %arg4[%dma_wait3A_602, %dma_wait3A_603, %dma_wait3A_604, %dma_wait3A_608, %dma_wait3A_609] : memref<200x8x32x8x128xf32, #tpu.memory_space<hbm>> -> memref<1x1x1x8x128xf32, #tpu.memory_space<hbm>>
    %dma_wait3A_611 = tpu.memref_squeeze %dma_wait3A_610 : memref<1x1x1x8x128xf32, #tpu.memory_space<hbm>> -> memref<8x128xf32, #tpu.memory_space<hbm>>
    %dma_wait3A_612 = arith.constant 0 : i32
    %dma_wait3A_613 = arith.constant 0 : i32
    %dma_wait3A_614 = tpu.memref_slice %arg4[%dma_wait3A_602, %dma_wait3A_603, %dma_wait3A_604, %dma_wait3A_612, %dma_wait3A_613] : memref<200x8x32x8x128xf32, #tpu.memory_space<hbm>> -> memref<1x1x1x8x128xf32, #tpu.memory_space<hbm>>
    %dma_wait3A_615 = tpu.memref_squeeze %dma_wait3A_614 : memref<1x1x1x8x128xf32, #tpu.memory_space<hbm>> -> memref<8x128xf32, #tpu.memory_space<hbm>>
    %dma_wait3A_616 = arith.constant 0 : i32
    %dma_wait3A_617 = arith.constant 0 : i32
    %dma_wait3A_618 = tpu.memref_slice %arg9[%dma_wait3A_616, %dma_wait3A_617] : memref<64x129xf32, #tpu.memory_space<vmem>> -> memref<8x128xf32, #tpu.memory_space<vmem>>
    tpu.wait_dma2 semaphore(%arg13 : memref<!tpu.dma_semaphore, #tpu.memory_space<semaphore_mem>>) src(%dma_wait3A_618 : memref<8x128xf32, #tpu.memory_space<vmem>>) dst(%dma_wait3A_615 : memref<8x128xf32, #tpu.memory_space<hbm>>)
    %dma_wait3A_619 = arith.constant 0 : i32
    %dma_wait3A_620 = arith.constant 1 : i32
    %dma_wait3A_621 = arith.constant 0 : i32
    %dma_wait3A_622 = arith.constant 8 : i32
    %dma_wait3A_623 = arith.constant 0 : i32
    %dma_wait3A_624 = tpu.memref_slice %arg9[%dma_wait3A_622, %dma_wait3A_623] : memref<64x129xf32, #tpu.memory_space<vmem>> -> memref<8x128xf32, #tpu.memory_space<vmem>>
    %dma_wait3A_625 = arith.constant 0 : i32
    %dma_wait3A_626 = arith.constant 0 : i32
    %dma_wait3A_627 = tpu.memref_slice %arg4[%dma_wait3A_619, %dma_wait3A_620, %dma_wait3A_621, %dma_wait3A_625, %dma_wait3A_626] : memref<200x8x32x8x128xf32, #tpu.memory_space<hbm>> -> memref<1x1x1x8x128xf32, #tpu.memory_space<hbm>>
    %dma_wait3A_628 = tpu.memref_squeeze %dma_wait3A_627 : memref<1x1x1x8x128xf32, #tpu.memory_space<hbm>> -> memref<8x128xf32, #tpu.memory_space<hbm>>
    %dma_wait3A_629 = arith.constant 0 : i32
    %dma_wait3A_630 = arith.constant 0 : i32
    %dma_wait3A_631 = tpu.memref_slice %arg4[%dma_wait3A_619, %dma_wait3A_620, %dma_wait3A_621, %dma_wait3A_629, %dma_wait3A_630] : memref<200x8x32x8x128xf32, #tpu.memory_space<hbm>> -> memref<1x1x1x8x128xf32, #tpu.memory_space<hbm>>
    %dma_wait3A_632 = tpu.memref_squeeze %dma_wait3A_631 : memref<1x1x1x8x128xf32, #tpu.memory_space<hbm>> -> memref<8x128xf32, #tpu.memory_space<hbm>>
    %dma_wait3A_633 = arith.constant 8 : i32
    %dma_wait3A_634 = arith.constant 0 : i32
    %dma_wait3A_635 = tpu.memref_slice %arg9[%dma_wait3A_633, %dma_wait3A_634] : memref<64x129xf32, #tpu.memory_space<vmem>> -> memref<8x128xf32, #tpu.memory_space<vmem>>
    tpu.wait_dma2 semaphore(%arg13 : memref<!tpu.dma_semaphore, #tpu.memory_space<semaphore_mem>>) src(%dma_wait3A_635 : memref<8x128xf32, #tpu.memory_space<vmem>>) dst(%dma_wait3A_632 : memref<8x128xf32, #tpu.memory_space<hbm>>)
    %dma_wait3A_636 = arith.constant 0 : i32
    %dma_wait3A_637 = arith.constant 2 : i32
    %dma_wait3A_638 = arith.constant 0 : i32
    %dma_wait3A_639 = arith.constant 16 : i32
    %dma_wait3A_640 = arith.constant 0 : i32
    %dma_wait3A_641 = tpu.memref_slice %arg9[%dma_wait3A_639, %dma_wait3A_640] : memref<64x129xf32, #tpu.memory_space<vmem>> -> memref<8x128xf32, #tpu.memory_space<vmem>>
    %dma_wait3A_642 = arith.constant 0 : i32
    %dma_wait3A_643 = arith.constant 0 : i32
    %dma_wait3A_644 = tpu.memref_slice %arg4[%dma_wait3A_636, %dma_wait3A_637, %dma_wait3A_638, %dma_wait3A_642, %dma_wait3A_643] : memref<200x8x32x8x128xf32, #tpu.memory_space<hbm>> -> memref<1x1x1x8x128xf32, #tpu.memory_space<hbm>>
    %dma_wait3A_645 = tpu.memref_squeeze %dma_wait3A_644 : memref<1x1x1x8x128xf32, #tpu.memory_space<hbm>> -> memref<8x128xf32, #tpu.memory_space<hbm>>
    %dma_wait3A_646 = arith.constant 0 : i32
    %dma_wait3A_647 = arith.constant 0 : i32
    %dma_wait3A_648 = tpu.memref_slice %arg4[%dma_wait3A_636, %dma_wait3A_637, %dma_wait3A_638, %dma_wait3A_646, %dma_wait3A_647] : memref<200x8x32x8x128xf32, #tpu.memory_space<hbm>> -> memref<1x1x1x8x128xf32, #tpu.memory_space<hbm>>
    %dma_wait3A_649 = tpu.memref_squeeze %dma_wait3A_648 : memref<1x1x1x8x128xf32, #tpu.memory_space<hbm>> -> memref<8x128xf32, #tpu.memory_space<hbm>>
    %dma_wait3A_650 = arith.constant 16 : i32
    %dma_wait3A_651 = arith.constant 0 : i32
    %dma_wait3A_652 = tpu.memref_slice %arg9[%dma_wait3A_650, %dma_wait3A_651] : memref<64x129xf32, #tpu.memory_space<vmem>> -> memref<8x128xf32, #tpu.memory_space<vmem>>
    tpu.wait_dma2 semaphore(%arg13 : memref<!tpu.dma_semaphore, #tpu.memory_space<semaphore_mem>>) src(%dma_wait3A_652 : memref<8x128xf32, #tpu.memory_space<vmem>>) dst(%dma_wait3A_649 : memref<8x128xf32, #tpu.memory_space<hbm>>)
    %dma_wait3A_653 = arith.constant 0 : i32
    %dma_wait3A_654 = arith.constant 3 : i32
    %dma_wait3A_655 = arith.constant 0 : i32
    %dma_wait3A_656 = arith.constant 24 : i32
    %dma_wait3A_657 = arith.constant 0 : i32
    %dma_wait3A_658 = tpu.memref_slice %arg9[%dma_wait3A_656, %dma_wait3A_657] : memref<64x129xf32, #tpu.memory_space<vmem>> -> memref<8x128xf32, #tpu.memory_space<vmem>>
    %dma_wait3A_659 = arith.constant 0 : i32
    %dma_wait3A_660 = arith.constant 0 : i32
    %dma_wait3A_661 = tpu.memref_slice %arg4[%dma_wait3A_653, %dma_wait3A_654, %dma_wait3A_655, %dma_wait3A_659, %dma_wait3A_660] : memref<200x8x32x8x128xf32, #tpu.memory_space<hbm>> -> memref<1x1x1x8x128xf32, #tpu.memory_space<hbm>>
    %dma_wait3A_662 = tpu.memref_squeeze %dma_wait3A_661 : memref<1x1x1x8x128xf32, #tpu.memory_space<hbm>> -> memref<8x128xf32, #tpu.memory_space<hbm>>
    %dma_wait3A_663 = arith.constant 0 : i32
    %dma_wait3A_664 = arith.constant 0 : i32
    %dma_wait3A_665 = tpu.memref_slice %arg4[%dma_wait3A_653, %dma_wait3A_654, %dma_wait3A_655, %dma_wait3A_663, %dma_wait3A_664] : memref<200x8x32x8x128xf32, #tpu.memory_space<hbm>> -> memref<1x1x1x8x128xf32, #tpu.memory_space<hbm>>
    %dma_wait3A_666 = tpu.memref_squeeze %dma_wait3A_665 : memref<1x1x1x8x128xf32, #tpu.memory_space<hbm>> -> memref<8x128xf32, #tpu.memory_space<hbm>>
    %dma_wait3A_667 = arith.constant 24 : i32
    %dma_wait3A_668 = arith.constant 0 : i32
    %dma_wait3A_669 = tpu.memref_slice %arg9[%dma_wait3A_667, %dma_wait3A_668] : memref<64x129xf32, #tpu.memory_space<vmem>> -> memref<8x128xf32, #tpu.memory_space<vmem>>
    tpu.wait_dma2 semaphore(%arg13 : memref<!tpu.dma_semaphore, #tpu.memory_space<semaphore_mem>>) src(%dma_wait3A_669 : memref<8x128xf32, #tpu.memory_space<vmem>>) dst(%dma_wait3A_666 : memref<8x128xf32, #tpu.memory_space<hbm>>)
    %dma_wait3A_670 = arith.constant 0 : i32
    %dma_wait3A_671 = arith.constant 4 : i32
    %dma_wait3A_672 = arith.constant 0 : i32
    %dma_wait3A_673 = arith.constant 32 : i32
    %dma_wait3A_674 = arith.constant 0 : i32
    %dma_wait3A_675 = tpu.memref_slice %arg9[%dma_wait3A_673, %dma_wait3A_674] : memref<64x129xf32, #tpu.memory_space<vmem>> -> memref<8x128xf32, #tpu.memory_space<vmem>>
    %dma_wait3A_676 = arith.constant 0 : i32
    %dma_wait3A_677 = arith.constant 0 : i32
    %dma_wait3A_678 = tpu.memref_slice %arg4[%dma_wait3A_670, %dma_wait3A_671, %dma_wait3A_672, %dma_wait3A_676, %dma_wait3A_677] : memref<200x8x32x8x128xf32, #tpu.memory_space<hbm>> -> memref<1x1x1x8x128xf32, #tpu.memory_space<hbm>>
    %dma_wait3A_679 = tpu.memref_squeeze %dma_wait3A_678 : memref<1x1x1x8x128xf32, #tpu.memory_space<hbm>> -> memref<8x128xf32, #tpu.memory_space<hbm>>
    %dma_wait3A_680 = arith.constant 0 : i32
    %dma_wait3A_681 = arith.constant 0 : i32
    %dma_wait3A_682 = tpu.memref_slice %arg4[%dma_wait3A_670, %dma_wait3A_671, %dma_wait3A_672, %dma_wait3A_680, %dma_wait3A_681] : memref<200x8x32x8x128xf32, #tpu.memory_space<hbm>> -> memref<1x1x1x8x128xf32, #tpu.memory_space<hbm>>
    %dma_wait3A_683 = tpu.memref_squeeze %dma_wait3A_682 : memref<1x1x1x8x128xf32, #tpu.memory_space<hbm>> -> memref<8x128xf32, #tpu.memory_space<hbm>>
    %dma_wait3A_684 = arith.constant 32 : i32
    %dma_wait3A_685 = arith.constant 0 : i32
    %dma_wait3A_686 = tpu.memref_slice %arg9[%dma_wait3A_684, %dma_wait3A_685] : memref<64x129xf32, #tpu.memory_space<vmem>> -> memref<8x128xf32, #tpu.memory_space<vmem>>
    tpu.wait_dma2 semaphore(%arg13 : memref<!tpu.dma_semaphore, #tpu.memory_space<semaphore_mem>>) src(%dma_wait3A_686 : memref<8x128xf32, #tpu.memory_space<vmem>>) dst(%dma_wait3A_683 : memref<8x128xf32, #tpu.memory_space<hbm>>)
    %dma_wait3A_687 = arith.constant 0 : i32
    %dma_wait3A_688 = arith.constant 5 : i32
    %dma_wait3A_689 = arith.constant 0 : i32
    %dma_wait3A_690 = arith.constant 40 : i32
    %dma_wait3A_691 = arith.constant 0 : i32
    %dma_wait3A_692 = tpu.memref_slice %arg9[%dma_wait3A_690, %dma_wait3A_691] : memref<64x129xf32, #tpu.memory_space<vmem>> -> memref<8x128xf32, #tpu.memory_space<vmem>>
    %dma_wait3A_693 = arith.constant 0 : i32
    %dma_wait3A_694 = arith.constant 0 : i32
    %dma_wait3A_695 = tpu.memref_slice %arg4[%dma_wait3A_687, %dma_wait3A_688, %dma_wait3A_689, %dma_wait3A_693, %dma_wait3A_694] : memref<200x8x32x8x128xf32, #tpu.memory_space<hbm>> -> memref<1x1x1x8x128xf32, #tpu.memory_space<hbm>>
    %dma_wait3A_696 = tpu.memref_squeeze %dma_wait3A_695 : memref<1x1x1x8x128xf32, #tpu.memory_space<hbm>> -> memref<8x128xf32, #tpu.memory_space<hbm>>
    %dma_wait3A_697 = arith.constant 0 : i32
    %dma_wait3A_698 = arith.constant 0 : i32
    %dma_wait3A_699 = tpu.memref_slice %arg4[%dma_wait3A_687, %dma_wait3A_688, %dma_wait3A_689, %dma_wait3A_697, %dma_wait3A_698] : memref<200x8x32x8x128xf32, #tpu.memory_space<hbm>> -> memref<1x1x1x8x128xf32, #tpu.memory_space<hbm>>
    %dma_wait3A_700 = tpu.memref_squeeze %dma_wait3A_699 : memref<1x1x1x8x128xf32, #tpu.memory_space<hbm>> -> memref<8x128xf32, #tpu.memory_space<hbm>>
    %dma_wait3A_701 = arith.constant 40 : i32
    %dma_wait3A_702 = arith.constant 0 : i32
    %dma_wait3A_703 = tpu.memref_slice %arg9[%dma_wait3A_701, %dma_wait3A_702] : memref<64x129xf32, #tpu.memory_space<vmem>> -> memref<8x128xf32, #tpu.memory_space<vmem>>
    tpu.wait_dma2 semaphore(%arg13 : memref<!tpu.dma_semaphore, #tpu.memory_space<semaphore_mem>>) src(%dma_wait3A_703 : memref<8x128xf32, #tpu.memory_space<vmem>>) dst(%dma_wait3A_700 : memref<8x128xf32, #tpu.memory_space<hbm>>)
    %dma_wait3A_704 = arith.constant 0 : i32
    %dma_wait3A_705 = arith.constant 6 : i32
    %dma_wait3A_706 = arith.constant 0 : i32
    %dma_wait3A_707 = arith.constant 48 : i32
    %dma_wait3A_708 = arith.constant 0 : i32
    %dma_wait3A_709 = tpu.memref_slice %arg9[%dma_wait3A_707, %dma_wait3A_708] : memref<64x129xf32, #tpu.memory_space<vmem>> -> memref<8x128xf32, #tpu.memory_space<vmem>>
    %dma_wait3A_710 = arith.constant 0 : i32
    %dma_wait3A_711 = arith.constant 0 : i32
    %dma_wait3A_712 = tpu.memref_slice %arg4[%dma_wait3A_704, %dma_wait3A_705, %dma_wait3A_706, %dma_wait3A_710, %dma_wait3A_711] : memref<200x8x32x8x128xf32, #tpu.memory_space<hbm>> -> memref<1x1x1x8x128xf32, #tpu.memory_space<hbm>>
    %dma_wait3A_713 = tpu.memref_squeeze %dma_wait3A_712 : memref<1x1x1x8x128xf32, #tpu.memory_space<hbm>> -> memref<8x128xf32, #tpu.memory_space<hbm>>
    %dma_wait3A_714 = arith.constant 0 : i32
    %dma_wait3A_715 = arith.constant 0 : i32
    %dma_wait3A_716 = tpu.memref_slice %arg4[%dma_wait3A_704, %dma_wait3A_705, %dma_wait3A_706, %dma_wait3A_714, %dma_wait3A_715] : memref<200x8x32x8x128xf32, #tpu.memory_space<hbm>> -> memref<1x1x1x8x128xf32, #tpu.memory_space<hbm>>
    %dma_wait3A_717 = tpu.memref_squeeze %dma_wait3A_716 : memref<1x1x1x8x128xf32, #tpu.memory_space<hbm>> -> memref<8x128xf32, #tpu.memory_space<hbm>>
    %dma_wait3A_718 = arith.constant 48 : i32
    %dma_wait3A_719 = arith.constant 0 : i32
    %dma_wait3A_720 = tpu.memref_slice %arg9[%dma_wait3A_718, %dma_wait3A_719] : memref<64x129xf32, #tpu.memory_space<vmem>> -> memref<8x128xf32, #tpu.memory_space<vmem>>
    tpu.wait_dma2 semaphore(%arg13 : memref<!tpu.dma_semaphore, #tpu.memory_space<semaphore_mem>>) src(%dma_wait3A_720 : memref<8x128xf32, #tpu.memory_space<vmem>>) dst(%dma_wait3A_717 : memref<8x128xf32, #tpu.memory_space<hbm>>)
    %dma_wait3A_721 = arith.constant 0 : i32
    %dma_wait3A_722 = arith.constant 7 : i32
    %dma_wait3A_723 = arith.constant 0 : i32
    %dma_wait3A_724 = arith.constant 56 : i32
    %dma_wait3A_725 = arith.constant 0 : i32
    %dma_wait3A_726 = tpu.memref_slice %arg9[%dma_wait3A_724, %dma_wait3A_725] : memref<64x129xf32, #tpu.memory_space<vmem>> -> memref<8x128xf32, #tpu.memory_space<vmem>>
    %dma_wait3A_727 = arith.constant 0 : i32
    %dma_wait3A_728 = arith.constant 0 : i32
    %dma_wait3A_729 = tpu.memref_slice %arg4[%dma_wait3A_721, %dma_wait3A_722, %dma_wait3A_723, %dma_wait3A_727, %dma_wait3A_728] : memref<200x8x32x8x128xf32, #tpu.memory_space<hbm>> -> memref<1x1x1x8x128xf32, #tpu.memory_space<hbm>>
    %dma_wait3A_730 = tpu.memref_squeeze %dma_wait3A_729 : memref<1x1x1x8x128xf32, #tpu.memory_space<hbm>> -> memref<8x128xf32, #tpu.memory_space<hbm>>
    %dma_wait3A_731 = arith.constant 0 : i32
    %dma_wait3A_732 = arith.constant 0 : i32
    %dma_wait3A_733 = tpu.memref_slice %arg4[%dma_wait3A_721, %dma_wait3A_722, %dma_wait3A_723, %dma_wait3A_731, %dma_wait3A_732] : memref<200x8x32x8x128xf32, #tpu.memory_space<hbm>> -> memref<1x1x1x8x128xf32, #tpu.memory_space<hbm>>
    %dma_wait3A_734 = tpu.memref_squeeze %dma_wait3A_733 : memref<1x1x1x8x128xf32, #tpu.memory_space<hbm>> -> memref<8x128xf32, #tpu.memory_space<hbm>>
    %dma_wait3A_735 = arith.constant 56 : i32
    %dma_wait3A_736 = arith.constant 0 : i32
    %dma_wait3A_737 = tpu.memref_slice %arg9[%dma_wait3A_735, %dma_wait3A_736] : memref<64x129xf32, #tpu.memory_space<vmem>> -> memref<8x128xf32, #tpu.memory_space<vmem>>
    tpu.wait_dma2 semaphore(%arg13 : memref<!tpu.dma_semaphore, #tpu.memory_space<semaphore_mem>>) src(%dma_wait3A_737 : memref<8x128xf32, #tpu.memory_space<vmem>>) dst(%dma_wait3A_734 : memref<8x128xf32, #tpu.memory_space<hbm>>)
    return
  }
}

</mosaic_0001>

<sc_bundles>
// kernel: kernel.3.cloned.1.call-start
scs
__scs_entry_jumppad:
0x0: {  	(pc) =	sbr.rel $0x88, $3  }
0x1: {  	(tag) =	ssettag $0x0;
	lr =	simm.s32 $0x1  }
0x2: {  	[smem:$0x3F9F] =	sst lr;
	_ =	strace $0xD0000000  }
0x3: {  	_ = 	snop  }
0x4: {  	_ = 	snop  }
0x5: {  	_ = 	snop  }
0x6: {  	_ = 	snop  }
0x7: {  	_ = 	snop  }
__scs_overlays_trampoline_lowered:
0x8: {  	[smem:$0x3FAE] =	sst s0  }
0x9: {  	[smem:$0x3FAF] =	sst s1  }
0xa: {  	[smem:$0x3FB0] =	sst s2  }
0xb: {  	[smem:$0x3FB1] =	sst s3  }
0xc: {  	[smem:$0x3FB2] =	sst s4  }
0xd: {  	[smem:$0x3FB3] =	sst s5  }
0xe: {  	[smem:$0x3FB4] =	sst s6  }
0xf: {  	[smem:$0x3FB5] =	sst s7  }
0x10: {  	[smem:$0x3FB6] =	sst s8  }
0x11: {  	[smem:$0x3FB7] =	sst s9;
	s0 =	simm.s32 @!p0 $0x0  }
0x12: {  	s1 =	sld [smem:$0x3F9D];
	s0 =	simm.s32 @p0 $0x1  }
0x13: {  	[smem:$0x3FB8] =	sst s0;
	s0 =	simm.s32 @!p1 $0x0  }
0x14: {  	s2 =	sld [smem:$0x3F9C];
	s0 =	simm.s32 @p1 $0x1  }
0x15: {  	[smem:$0x3FB9] =	sst s0;
	s0 =	simm.s32 @!p2 $0x0  }
0x16: {  	s3 =	sld [smem:$0x3FDB];
	s0 =	simm.s32 @p2 $0x1  }
0x17: {  	s4 =	simm.s32 $0x1BF5;
	[smem:$0x3FBB] =	sst s0  }
0x18: {  	s0 =	sld [smem:$0x3F9E];
	_ =	swait.ge [sflag:s4], $0x0  }
0x19: {  	s7 =	sld [smem:$0x3F9F]  }
0x1a: {  	s8 =	sadd.s32 $0xFFFFE003, lr  }
0x1b: {  	s9 =	sadd.s32 $0xFFFFFEF7, lr;
	s5 =	simm.s32 $0xFFFFFFFF;
	p2 =	slt.u32 s8, $0xFFFFF086  }
0x1c: {  	p1 =	slt.u32 s9, $0xF7A;
	s5 =	simm.s32 @!p2 $0x0  }
0x1d: {  	s5 =	simm.s32 @p1 $0x1;
	p0 =	seq.s32 s7, s2  }
0x1e: {  	s7 =	smul.u32 @!p0 $0xF7A, s2;
	p2 =	seq.s32 @!p0 s5, $0x0  }
0x1f: {  	s9 =	smul.u32 $0xF7A, s1;
	s8 =	simm.s32 @!p0 $0x1BF5;
	p2 =	por !p2, p0  }
0x20: {  	[sflag:s8] =	ssyncset.s32 @!p0 $0xFFFFF086;
	s6 =	sadd.s32 @!p0 s3, s7;
	s7 =	simm.s32 @!p0 $0x108  }
0x21: {  	s3 =	sadd.s32 s3, s9;
	s6 =	sadd.s32 @!p0 $0x88, s6;
	s7 =	simm.s32 @p2 $0x1082  }
0x22: {  	[simem:s7], [sflag:s8] =	dma.local @!p0 [hbm:s6], $0xF7A  }
0x23: {  	s9 =	sor.u32 $0xD0000000, s2;
	s6 =	simm.s32 $0x108;
	_ =	swait.ge @!p0 [sflag:s8], $0x0  }
0x24: {  	s3 =	sadd.s32 $0x88, s3;
	s6 =	simm.s32 @!p1 $0x1082;
	[sflag:s4] =	ssyncset.s32 $0xFFFFF086  }
0x25: {  	[simem:s6], [sflag:s4] =	dma.local [hbm:s3], $0xF7A  }
0x26: {  	[smem:$0x3F9F] =	sst s1;
	(tag) =	ssettag s2;
	_ =	strace s9  }
0x27: {  	s1 =	sld [smem:$0x3FAF]  }
0x28: {  	s2 =	sld [smem:$0x3FB0]  }
0x29: {  	s4 =	sld [smem:$0x3FB2]  }
0x2a: {  	p0 =	seq.s32 s5, $0x0;
	s5 =	sld [smem:$0x3FB3]  }
0x2b: {  	s6 =	sld [smem:$0x3FB4]  }
0x2c: {  	s7 =	sld [smem:$0x3FB5]  }
0x2d: {  	s3 =	simm.s32 $0x108;
	s8 =	sld [smem:$0x3FB6]  }
0x2e: {  	s3 =	simm.s32 @!p0 $0x1082;
	s9 =	sld [smem:$0x3FB7]  }
0x2f: {  	lr =	sadd.s32 s0, s3;
	s0 =	sld [smem:$0x3FAE]  }
0x30: {  	s3 =	sld [smem:$0x3FB1]  }
0x31: {  	[smem:$0x3FBA] =	sst s10  }
0x32: {  	s10 =	sld [smem:$0x3FB8];
	_ =	sdelay $0x3  }
0x33: {  	p0 =	seq.s32 s10, $0x1;
	s10 =	sld [smem:$0x3FBA];
	_ =	sdelay $0x3  }
0x34: {  	[smem:$0x3FBA] =	sst s10  }
0x35: {  	s10 =	sld [smem:$0x3FB9];
	_ =	sdelay $0x3  }
0x36: {  	p1 =	seq.s32 s10, $0x1;
	s10 =	sld [smem:$0x3FBA];
	_ =	sdelay $0x3  }
0x37: {  	[smem:$0x3FBA] =	sst s10  }
0x38: {  	s10 =	sld [smem:$0x3FBB]  }
0x39: {  	_ = 	snop;
	(pc) =	sbr.ind lr, $3  }
0x3a: {  	_ = 	snop  }
0x3b: {  	_ = 	snop  }
0x3c: {  	p2 =	seq.s32 s10, $0x1;
	s10 =	sld [smem:$0x3FBA]  }
0x3d: {  	_ =	shalt  }
0x3e: {  	_ =	shalt  }
0x3f: {  	_ =	shalt  }
0x40: {  	_ =	shalt  }
0x41: {  	_ =	shalt  }
0x42: {  	_ =	shalt  }
0x43: {  	_ =	shalt  }
0x44: {  	_ =	shalt  }
0x45: {  	_ =	shalt  }
0x46: {  	_ =	shalt  }
0x47: {  	_ =	shalt  }
0x48: {  	_ =	shalt  }
0x49: {  	_ =	shalt  }
0x4a: {  	_ =	shalt  }
0x4b: {  	_ =	shalt  }
0x4c: {  	_ =	shalt  }
0x4d: {  	_ =	shalt  }
0x4e: {  	_ =	shalt  }
0x4f: {  	_ =	shalt  }
0x50: {  	_ =	shalt  }
0x51: {  	_ =	shalt  }
0x52: {  	_ =	shalt  }
0x53: {  	_ =	shalt  }
0x54: {  	_ =	shalt  }
0x55: {  	_ =	shalt  }
0x56: {  	_ =	shalt  }
0x57: {  	_ =	shalt  }
0x58: {  	_ =	shalt  }
0x59: {  	_ =	shalt  }
0x5a: {  	_ =	shalt  }
0x5b: {  	_ =	shalt  }
0x5c: {  	_ =	shalt  }
0x5d: {  	_ =	shalt  }
0x5e: {  	_ =	shalt  }
0x5f: {  	_ =	shalt  }
0x60: {  	_ =	shalt  }
0x61: {  	_ =	shalt  }
0x62: {  	_ =	shalt  }
0x63: {  	_ =	shalt  }
0x64: {  	_ =	shalt  }
0x65: {  	_ =	shalt  }
0x66: {  	_ =	shalt  }
0x67: {  	_ =	shalt  }
0x68: {  	_ =	shalt  }
0x69: {  	_ =	shalt  }
0x6a: {  	_ =	shalt  }
0x6b: {  	_ =	shalt  }
0x6c: {  	_ =	shalt  }
0x6d: {  	_ =	shalt  }
0x6e: {  	_ =	shalt  }
0x6f: {  	_ =	shalt  }
0x70: {  	_ =	shalt  }
0x71: {  	_ =	shalt  }
0x72: {  	_ =	shalt  }
0x73: {  	_ =	shalt  }
0x74: {  	_ =	shalt  }
0x75: {  	_ =	shalt  }
0x76: {  	_ =	shalt  }
0x77: {  	_ =	shalt  }
0x78: {  	_ =	shalt  }
0x79: {  	_ =	shalt  }
0x7a: {  	_ =	shalt  }
0x7b: {  	_ =	shalt  }
0x7c: {  	_ =	shalt  }
0x7d: {  	_ =	shalt  }
0x7e: {  	_ =	shalt  }
0x7f: {  	_ =	shalt  }
0x80: {  	_ =	shalt  }
0x81: {  	_ =	shalt  }
0x82: {  	_ =	shalt  }
0x83: {  	_ =	shalt  }
0x84: {  	_ =	shalt  }
0x85: {  	_ =	shalt  }
0x86: {  	_ =	shalt  }
0x87: {  	_ =	shalt  }
.Lfunc_end0:
.L_simem_size_0:
called_computation_lowered:
.L_overlay_start_0:
0x88: {  	s2 =	sld [smem:$0x3FD9]  }
0x89: {  	s3 =	sld [smem:$0x3FFE];
	_ =	sdelay $0x1  }
0x8a: {  	s1 =	srdreg.scid  }
0x8b: {  	s0 =	sand.u32 $0x1, s1  }
0x8c: {  	s17 =	sshll.u32 s0, $0xA;
	s2 =	sadd.s32 s3, s2  }
0x8d: {  	s2 =	sadd.s32 s2, s17  }
0x8e: {  	[smem:$0x3FC6] =	sst s2  }
0x8f: {  	_ = 	snop  }
0x90: {  	s2 =	sld [smem:$0x3FD0];
	(tm) =	ssettm $0x1  }
0x91: {  	s18 =	sld [smem:$0x3FFB];
	_ =	sdelay $0x3  }
0x92: {  	_ =	strace s18  }
0x93: {  	s3 =	sld [smem:$0x3FFC];
	_ =	sdelay $0x3  }
0x94: {  	_ =	strace s3  }
0x95: {  	s3 =	sld [smem:$0x3FFD];
	_ =	sdelay $0x3  }
0x96: {  	_ =	strace s3  }
0x97: {  	_ =	strace $0x8FFFFFFF  }
0x98: {  	s19 =	sld [smem:$0x3FDB];
	_ =	sdelay $0x1  }
0x99: {  	s4 =	simm.s32 $_scs_section_size  }
0x9a: {  	s5 =	simm.s32 $_size__tile_overlayer_lowered;
	s6 =	simm.s32 $_tile_overlayer_lowered  }
0x9b: {  	s22 =	simm.s32 $0x1BFF;
	s21 =	sshll.u32 s6, $0x1;
	s3 =	sadd.s32 s4, s19  }
0x9c: {  	s7 =	simm.s32 $0x0;
	s20 =	sshll.u32 s5, $0x1;
	s5 =	sadd.s32 s21, s3  }
0x9d: {  	[timem:s7], [sflag:s22] =	dma.local [hbm:s5], s20  }
0x9e: {  	_ =	swait.ge [sflag:s22], s20  }
0x9f: {  	s4 =	ssub.s32 $0x0, s20;
	[sflag:s22] =	ssyncset.done $0x0  }
0xa0: {  	[sflag:s22] =	ssyncadd.s32 s4;
	_ =	sdelay $0x1  }
0xa1: {  	s23 =	simm.s32 $0x1B8B  }
0xa2: {  	_ =	swait.ge [sflag:s23], $0x1  }
0xa3: {  	[sflag:s23] =	ssyncset.done $0x0  }
0xa4: {  	s25 =	simm.s32 $0x1B8E;
	s24 =	sld [smem:$0x3FFE];
	[sflag:s23] =	ssyncadd.s32 $0xFFFFFFFF  }
0xa5: {  	s26 =	simm.s32 $execute0_lowered;
	[smem:$0x3FD2] =	sst s25  }
0xa6: {  	s5 =	sshll.u32 s26, $0x1;
	_ =	strace $0x80000046;
	[dreg:$0x1] =	wrdreg $0xFFFFFFFF  }
0xa7: {  	s28 =	simm.s32 $_size_execute0_lowered;
	s3 =	sadd.s32 s3, s5;
	[dreg:$0x0] =	wrdreg $0x0  }
0xa8: {  	s5 =	sshll.u32 s28, $0x1;
	[dreg:$0x2] =	wrdreg s3  }
0xa9: {  	[dreg:$0x3] =	wrdreg s5  }
0xaa: {  	[dreg:$0x4] =	wrdreg $0xC0  }
0xab: {  	_ =	task [dreg:s7], $0x5FFFF  }
0xac: {  	[dreg:$0x1] =	wrdreg $0xFFFFFFFF  }
0xad: {  	[dreg:$0x0] =	wrdreg $0x60  }
0xae: {  	[dreg:$0x2] =	wrdreg s24  }
0xaf: {  	[dreg:$0x3] =	wrdreg s2  }
0xb0: {  	[dreg:$0x4] =	wrdreg $0x9  }
0xb1: {  	_ =	task.clear_ibuf [dreg:s7], $0x5FFFF;
	_ =	strace $0x90000046  }
0xb2: {  	s29 =	simm.s32 $0x9;
	_ =	strace $0x80000048  }
0xb3: {  	_ =	swait.ge [sflag:s29], $0x1  }
0xb4: {  	[sflag:s29] =	ssyncadd.s32 $0xFFFFFFFF  }
0xb5: {  	_ =	strace $0x90000048  }
0xb6: {  	_ =	sfence  }
0xb7: {  	s30 =	sld [smem:$0x0];
	_ =	sdelay $0x2  }
0xb8: {  	s31 =	sshll.u32 s1, $0xD;
	s1 =	sshrl.u32 s1, $0x2  }
0xb9: {  	s3 =	sand.u32 $0x4000, s31;
	s1 =	sadd.s32 s1, s30  }
0xba: {  	s0 =	sor.u32 s3, s0;
	s1 =	sshll.u32 s1, $0x11  }
0xbb: {  	s0 =	sor.u32 s1, s0  }
0xbc: {  	s0 =	sadd.s32 $0x8F2B, s0  }
0xbd: {  	[sflag:s0] =	ssyncadd.remote.s32 $0x1  }
0xbe: {  	_ =	sfence.sel $0xFFFF  }
0xbf: {  	[dreg:$0x0] =	wrdreg $0xFFFFFFFF;
	(pc) =	sbr.abs _section_cstart, $3  }
0xc0: {  	[dreg:$0x1] =	wrdreg $0xFFFFFFFF  }
0xc1: {  	_ =	task.clear_ibuf [dreg:s7], $0x2FFFF;
	_ =	strace $0x9FFFFFFF  }
0xc2: {  	(tm) =	ssettm $0x7FFFFFFF  }
0xc3: {  	_ =	shalt  }
tec
execute0_lowered:
.L_overlay_start_1:
0x0: {  	(tag) =	ssettag $0x1  }
0x1: {  	s1 =	srdreg.scid;
	s4 =	stileid.u32  }
0x2: {  	s0 =	rddreg [dreg:$0x0];
	s1 =	sand.u32 $0x1, s1;
	s4 =	sshll.u32 s4, $0x1  }
0x3: {  	s2 =	rddreg [dreg:$0x1];
	s3 =	simm.s32 $0x0;
	s5 =	sor.u32 s1, s4  }
0x4: {  	s28 =	simm.s32 $0x2;
	[smem:$0x7FF] =	sst s3;
	s6 =	smul.u32 $0x190000, s5  }
0x5: {  	_ =	strace $0x80000047;
	s7 =	smul.u32 $0x1900, s5;
	s8 =	sshll.u32 s5, $0xD  }
0x6: {  	s1 =	ssub.s32 $0x2, s1;
	s4 =	sadd.s32 $0xF42A00, s0;
	s6 =	sor.u32 s8, s6  }
0x7: {  	s9 =	sshrl.u32 s1, $0x1;
	s0 =	sadd.s32 s7, s0;
	s6 =	sand.u32 $0x3FC6000, s6  }
0x8: {  	s1 =	ssub.s32 s1, s9;
	s0 =	sadd.s32 $0x600, s0;
	s23 =	sshrl.u32 s6, $0x3  }
0x9: {  	s8 =	sadd.s32 $0x1000, s2;
	[dreg:$0x3] =	wrdreg s0;
	s6 =	sadd.s32 s2, s23  }
0xa: {  	s9 =	sadd.s32 $0x2000, s2;
	s24 =	sadd.s32 s23, s8;
	[dreg:$0x4] =	wrdreg s6  }
0xb: {  	s12 =	sadd.s32 $0x3000, s2;
	s25 =	sadd.s32 s23, s9;
	[dreg:$0x5] =	wrdreg s24  }
0xc: {  	s14 =	sadd.s32 $0x4000, s2;
	s26 =	sadd.s32 s23, s12;
	[dreg:$0x6] =	wrdreg s25  }
0xd: {  	s15 =	sadd.s32 $0x5000, s2;
	s7 =	sadd.s32 s23, s14;
	[dreg:$0x7] =	wrdreg s26  }
0xe: {  	s18 =	sadd.s32 $0x6000, s2;
	s10 =	sadd.s32 s23, s15;
	[dreg:$0x8] =	wrdreg s7  }
0xf: {  	s20 =	sadd.s32 $0x7000, s2;
	s11 =	sadd.s32 s23, s18;
	[dreg:$0x9] =	wrdreg s10  }
0x10: {  	s13 =	sor.u32 $0x80, s23;
	s0 =	sadd.s32 s23, s20;
	[dreg:$0xa] =	wrdreg s11  }
0x11: {  	s29 =	simm.s32 $0x12A00;
	[dreg:$0xb] =	wrdreg s0;
	s16 =	sadd.s32 s2, s13  }
0x12: {  	s30 =	simm.s32 $0x14A68;
	s17 =	sadd.s32 s13, s8;
	[dreg:$0xc] =	wrdreg s16  }
0x13: {  	s31 =	simm.s32 $0x14B78;
	s19 =	sadd.s32 s13, s9;
	[dreg:$0xd] =	wrdreg s17  }
0x14: {  	s5 =	smul.u32 $0xC8, s5;
	s21 =	sadd.s32 s13, s12;
	[dreg:$0xe] =	wrdreg s19  }
0x15: {  	s22 =	sadd.s32 s13, s14;
	s23 =	sadd.s32 s13, s15;
	[dreg:$0xf] =	wrdreg s21  }
0x16: {  	s24 =	sadd.s32 s13, s18;
	s25 =	sadd.s32 s13, s20;
	[dreg:$0x10] =	wrdreg s22  }
0x17: {  	s26 =	smax.u32 s1, $0x1;
	s1 =	simm.s32 $0x80;
	[dreg:$0x11] =	wrdreg s23  }
0x18: {  	s0 =	simm.s32 $0x1;
	s7 =	simm.s32 $0x10800;
	[dreg:$0x12] =	wrdreg s24  }
0x19: {  	v0 =	vlaneseq.u32;
	s6 =	simm.s32 $0x14AF0;
	s10 =	simm.s32 $0x3;
	[dreg:$0x13] =	wrdreg s25  }
0x1a: {  	v0 =	vmul.u32 $0x88, v0;
	s11 =	simm.s32 $0x4;
	[dreg:$0x14] =	wrdreg s26;
	s19 =	simm.s32 $0xC800  }
0x1b: {  	s21 =	simm.s32 $0xD800;
	s23 =	simm.s32 $0x14848;
	s24 =	simm.s32 $0x148D0  }
0x1c: {  	v1 =	vadd.s32 $0x880, v0;
	v2 =	vadd.s32 $0x1100, v0;
	v3 =	vadd.s32 $0x1980, v0;
	s25 =	simm.s32 $0x14958;
	s26 =	simm.s32 $0x149E0;
	s16 =	simm.s32 $0x0  }
.LBB2_1:
0x1d: {  	[dreg:$0x15] =	wrdreg s16  }
0x1e: {  	s13 =	rddreg [dreg:$0x3];
	s16 =	simm.s32 $0x5  }
0x1f: {  	[tilespmem:s3], [sflag:$0x5] =	stream.linear.gather [hbm4b:s13+s3], $0xC800, $0x38;
	[tilespmem:$0x14C00] =	vst v63  }
0x20: {  	_ =	swait.ge [sflag:s16], $0xC800  }
0x21: {  	[sflag:s16] =	ssyncset.done $0x0  }
0x22: {  	[sflag:s16] =	ssyncadd.s32 $0xFFFF3800  }
0x23: {  	[tilespmem:s19], [sflag:$0x1] =	stream.indirect.gather [hbm4b:s4+s1], $0x20, s3, s1, $0xb8;
	[tilespmem:$0x14C00] =	vst v63  }
0x24: {  	_ = 	snop  }
0x25: {  	[tilespmem:s21], [sflag:$0x1] =	stream.indirect.gather [hbm4b:s4+s1], $0x20, s1, s1, $0xb8;
	[tilespmem:$0x14C00] =	vst v63  }
0x26: {  	s17 =	simm.s32 $0x100;
	s22 =	simm.s32 $0xE800  }
0x27: {  	[tilespmem:s22], [sflag:$0x2] =	stream.indirect.gather [hbm4b:s4+s1], $0x20, s17, s1, $0xb8;
	[tilespmem:$0x14C00] =	vst v63  }
0x28: {  	s17 =	simm.s32 $0x180;
	s22 =	simm.s32 $0xF800  }
0x29: {  	[tilespmem:s22], [sflag:$0x2] =	stream.indirect.gather [hbm4b:s4+s1], $0x20, s17, s1, $0xb8;
	[tilespmem:$0x14C00] =	vst v63  }
0x2a: {  	_ =	swait.ge [sflag:s0], $0x1000  }
0x2b: {  	[sflag:s0] =	ssyncset.done $0x0  }
0x2c: {  	[sflag:s0] =	ssyncadd.s32 $0xFFFFF000  }
0x2d: {  	_ =	swait.ge [sflag:s0], $0x1000  }
0x2e: {  	v4 =	vmov s3;
	[sflag:s0] =	ssyncset.done $0x0  }
0x2f: {  	s13 =	simm.s32 $0xC820;
	v5 =	vand.u32 $0x7F, v4;
	[sflag:s0] =	ssyncadd.s32 $0xFFFFF000  }
0x30: {  	v6 =	vadd.s32 v0, v5;
	v4 =	vld [tilespmem:s13+$0xFFFFFFE0]  }
0x31: {  	v8 =	vadd.s32 v1, v5;
	v7 =	vld [tilespmem:s13+$0xFFFFFFF0];
	_ =	sdelay $0x3  }
0x32: {  	[tilespmem:v6+s7+$0x0] =	vst.idx.msk $0xffff, v4  }
0x33: {  	[tilespmem:v8+s7+$0x0] =	vst.idx.msk $0xffff, v7  }
0x34: {  	v8 =	vadd.s32 v2, v5;
	v7 =	vld [tilespmem:s13+$0x0];
	_ =	sdelay $0x1  }
0x35: {  	v5 =	vadd.s32 v3, v5;
	v4 =	vld [tilespmem:s13+$0x10];
	_ =	sdelay $0x1  }
0x36: {  	s17 =	simm.s32 $0x1  }
0x37: {  	s16 =	simm.s32 $0x2;
	v6 =	vmov s17;
	[tilespmem:v8+s7+$0x0] =	vst.idx.msk $0xffff, v7  }
.LBB2_2:
0x38: {  	p0 =	sne.s32 s16, $0x7F  }
0x39: {  	v6 =	vand.u32 $0x7F, v6;
	[tilespmem:v5+s7+$0x0] =	vst.idx.msk $0xffff, v4;
	s13 =	sadd.s32 $0x40, s13;
	s17 =	smov.u32 s16;
	s16 =	sadd.s32 $0x1, s16  }
0x3a: {  	v4 =	vld [tilespmem:s13+$0xFFFFFFE0];
	v5 =	vadd.s32 v0, v6  }
0x3b: {  	v8 =	vadd.s32 v1, v6;
	v7 =	vld [tilespmem:s13+$0xFFFFFFF0];
	_ =	sdelay $0x3  }
0x3c: {  	[tilespmem:v5+s7+$0x0] =	vst.idx.msk $0xffff, v4  }
0x3d: {  	[tilespmem:v8+s7+$0x0] =	vst.idx.msk $0xffff, v7  }
0x3e: {  	v8 =	vadd.s32 v2, v6;
	v7 =	vld [tilespmem:s13+$0x0]  }
.Ltmp0:
0x3f: {  	v5 =	vadd.s32 v3, v6;
	v4 =	vld [tilespmem:s13+$0x10];
	(pc) =	sbr.rel @p0 .LBB2_2-.Ltmp0, $2  }
0x40: {  	_ =	sdelay $0x2  }
0x41: {  	v6 =	vmov s17;
	[tilespmem:v8+s7+$0x0] =	vst.idx.msk $0xffff, v7  }
0x42: {  	_ =	sdelay $0x3  }
0x43: {  	v6 =	vand.u32 $0x7F, v6;
	[tilespmem:v5+s7+$0x0] =	vst.idx.msk $0xffff, v4;
	s13 =	sadd.s32 $0x40, s13  }
0x44: {  	v4 =	vld [tilespmem:s13+$0xFFFFFFE0];
	v5 =	vadd.s32 v0, v6  }
0x45: {  	v7 =	vld [tilespmem:s13+$0xFFFFFFF0];
	v8 =	vadd.s32 v1, v6;
	_ =	sdelay $0x3  }
0x46: {  	[tilespmem:v5+s7+$0x0] =	vst.idx.msk $0xffff, v4  }
0x47: {  	[tilespmem:v8+s7+$0x0] =	vst.idx.msk $0xffff, v7  }
0x48: {  	v5 =	vadd.s32 v2, v6;
	v4 =	vld [tilespmem:s13+$0x0]  }
0x49: {  	v6 =	vadd.s32 v3, v6;
	v7 =	vld [tilespmem:s13+$0x10];
	_ =	sdelay $0x3  }
0x4a: {  	[tilespmem:v5+s7+$0x0] =	vst.idx.msk $0xffff, v4  }
0x4b: {  	s17 =	rddreg [dreg:$0x4];
	s13 =	simm.s32 $0x0;
	[tilespmem:v6+s7+$0x0] =	vst.idx.msk $0xffff, v7  }
0x4c: {  	[hbm4b:s17+s13] =	stream.linear.scatter [tilespmem:s7], [sflag:$0x3], $0x80, $0x38;
	[tilespmem:$0x14C00] =	vst v63  }
0x4d: {  	s22 =	simm.s32 $0x10888;
	s16 =	sadd.s32 $0x10, s17  }
0x4e: {  	[hbm4b:s16+s13] =	stream.linear.scatter [tilespmem:s22], [sflag:$0x3], $0x80, $0x38;
	[tilespmem:$0x14C00] =	vst v63  }
0x4f: {  	s16 =	sadd.s32 $0x20, s17;
	s22 =	simm.s32 $0x10910  }
0x50: {  	[hbm4b:s16+s13] =	stream.linear.scatter [tilespmem:s22], [sflag:$0x3], $0x80, $0x38;
	[tilespmem:$0x14C00] =	vst v63  }
0x51: {  	s16 =	sadd.s32 $0x30, s17;
	s22 =	simm.s32 $0x10998  }
0x52: {  	[hbm4b:s16+s13] =	stream.linear.scatter [tilespmem:s22], [sflag:$0x3], $0x80, $0x38;
	[tilespmem:$0x14C00] =	vst v63  }
0x53: {  	s16 =	sadd.s32 $0x40, s17;
	s22 =	simm.s32 $0x10A20  }
0x54: {  	[hbm4b:s16+s13] =	stream.linear.scatter [tilespmem:s22], [sflag:$0x3], $0x80, $0x38;
	[tilespmem:$0x14C00] =	vst v63  }
0x55: {  	s16 =	sadd.s32 $0x50, s17;
	s22 =	simm.s32 $0x10AA8  }
0x56: {  	[hbm4b:s16+s13] =	stream.linear.scatter [tilespmem:s22], [sflag:$0x3], $0x80, $0x38;
	[tilespmem:$0x14C00] =	vst v63  }
0x57: {  	s16 =	sadd.s32 $0x60, s17;
	s22 =	simm.s32 $0x10B30  }
0x58: {  	[hbm4b:s16+s13] =	stream.linear.scatter [tilespmem:s22], [sflag:$0x3], $0x80, $0x38;
	[tilespmem:$0x14C00] =	vst v63  }
0x59: {  	s17 =	sadd.s32 $0x70, s17;
	s22 =	simm.s32 $0x10BB8  }
0x5a: {  	[hbm4b:s17+s13] =	stream.linear.scatter [tilespmem:s22], [sflag:$0x3], $0x80, $0x38;
	[tilespmem:$0x14C00] =	vst v63  }
0x5b: {  	s17 =	rddreg [dreg:$0x5];
	s22 =	simm.s32 $0x10C40  }
0x5c: {  	[hbm4b:s17+s13] =	stream.linear.scatter [tilespmem:s22], [sflag:$0x3], $0x80, $0x38;
	[tilespmem:$0x14C00] =	vst v63  }
0x5d: {  	s16 =	sadd.s32 $0x10, s17;
	s22 =	simm.s32 $0x10CC8  }
0x5e: {  	[hbm4b:s16+s13] =	stream.linear.scatter [tilespmem:s22], [sflag:$0x3], $0x80, $0x38;
	[tilespmem:$0x14C00] =	vst v63  }
0x5f: {  	s16 =	sadd.s32 $0x20, s17;
	s22 =	simm.s32 $0x10D50  }
0x60: {  	[hbm4b:s16+s13] =	stream.linear.scatter [tilespmem:s22], [sflag:$0x3], $0x80, $0x38;
	[tilespmem:$0x14C00] =	vst v63  }
0x61: {  	s16 =	sadd.s32 $0x30, s17;
	s22 =	simm.s32 $0x10DD8  }
0x62: {  	[hbm4b:s16+s13] =	stream.linear.scatter [tilespmem:s22], [sflag:$0x3], $0x80, $0x38;
	[tilespmem:$0x14C00] =	vst v63  }
0x63: {  	s16 =	sadd.s32 $0x40, s17;
	s22 =	simm.s32 $0x10E60  }
0x64: {  	[hbm4b:s16+s13] =	stream.linear.scatter [tilespmem:s22], [sflag:$0x3], $0x80, $0x38;
	[tilespmem:$0x14C00] =	vst v63  }
0x65: {  	s16 =	sadd.s32 $0x50, s17;
	s22 =	simm.s32 $0x10EE8  }
0x66: {  	[hbm4b:s16+s13] =	stream.linear.scatter [tilespmem:s22], [sflag:$0x3], $0x80, $0x38;
	[tilespmem:$0x14C00] =	vst v63  }
0x67: {  	s16 =	sadd.s32 $0x60, s17;
	s22 =	simm.s32 $0x10F70  }
0x68: {  	[hbm4b:s16+s13] =	stream.linear.scatter [tilespmem:s22], [sflag:$0x3], $0x80, $0x38;
	[tilespmem:$0x14C00] =	vst v63  }
0x69: {  	s17 =	sadd.s32 $0x70, s17;
	s22 =	simm.s32 $0x10FF8  }
0x6a: {  	[hbm4b:s17+s13] =	stream.linear.scatter [tilespmem:s22], [sflag:$0x3], $0x80, $0x38;
	[tilespmem:$0x14C00] =	vst v63  }
0x6b: {  	s17 =	rddreg [dreg:$0x6];
	s22 =	simm.s32 $0x11080  }
0x6c: {  	[hbm4b:s17+s13] =	stream.linear.scatter [tilespmem:s22], [sflag:$0x3], $0x80, $0x38;
	[tilespmem:$0x14C00] =	vst v63  }
0x6d: {  	s16 =	sadd.s32 $0x10, s17;
	s22 =	simm.s32 $0x11108  }
0x6e: {  	[hbm4b:s16+s13] =	stream.linear.scatter [tilespmem:s22], [sflag:$0x3], $0x80, $0x38;
	[tilespmem:$0x14C00] =	vst v63  }
0x6f: {  	s16 =	sadd.s32 $0x20, s17;
	s22 =	simm.s32 $0x11190  }
0x70: {  	[hbm4b:s16+s13] =	stream.linear.scatter [tilespmem:s22], [sflag:$0x3], $0x80, $0x38;
	[tilespmem:$0x14C00] =	vst v63  }
0x71: {  	s16 =	sadd.s32 $0x30, s17;
	s22 =	simm.s32 $0x11218  }
0x72: {  	[hbm4b:s16+s13] =	stream.linear.scatter [tilespmem:s22], [sflag:$0x3], $0x80, $0x38;
	[tilespmem:$0x14C00] =	vst v63  }
0x73: {  	s16 =	sadd.s32 $0x40, s17;
	s22 =	simm.s32 $0x112A0  }
0x74: {  	[hbm4b:s16+s13] =	stream.linear.scatter [tilespmem:s22], [sflag:$0x3], $0x80, $0x38;
	[tilespmem:$0x14C00] =	vst v63  }
0x75: {  	s16 =	sadd.s32 $0x50, s17;
	s22 =	simm.s32 $0x11328  }
0x76: {  	[hbm4b:s16+s13] =	stream.linear.scatter [tilespmem:s22], [sflag:$0x3], $0x80, $0x38;
	[tilespmem:$0x14C00] =	vst v63  }
0x77: {  	s16 =	sadd.s32 $0x60, s17;
	s22 =	simm.s32 $0x113B0  }
0x78: {  	[hbm4b:s16+s13] =	stream.linear.scatter [tilespmem:s22], [sflag:$0x3], $0x80, $0x38;
	[tilespmem:$0x14C00] =	vst v63  }
0x79: {  	s17 =	sadd.s32 $0x70, s17;
	s22 =	simm.s32 $0x11438  }
0x7a: {  	[hbm4b:s17+s13] =	stream.linear.scatter [tilespmem:s22], [sflag:$0x3], $0x80, $0x38;
	[tilespmem:$0x14C00] =	vst v63  }
0x7b: {  	s17 =	rddreg [dreg:$0x7];
	s22 =	simm.s32 $0x114C0  }
0x7c: {  	[hbm4b:s17+s13] =	stream.linear.scatter [tilespmem:s22], [sflag:$0x3], $0x80, $0x38;
	[tilespmem:$0x14C00] =	vst v63  }
0x7d: {  	s16 =	sadd.s32 $0x10, s17;
	s22 =	simm.s32 $0x11548  }
0x7e: {  	[hbm4b:s16+s13] =	stream.linear.scatter [tilespmem:s22], [sflag:$0x3], $0x80, $0x38;
	[tilespmem:$0x14C00] =	vst v63  }
0x7f: {  	s16 =	sadd.s32 $0x20, s17;
	s22 =	simm.s32 $0x115D0  }
0x80: {  	[hbm4b:s16+s13] =	stream.linear.scatter [tilespmem:s22], [sflag:$0x3], $0x80, $0x38;
	[tilespmem:$0x14C00] =	vst v63  }
0x81: {  	s16 =	sadd.s32 $0x30, s17;
	s22 =	simm.s32 $0x11658  }
0x82: {  	[hbm4b:s16+s13] =	stream.linear.scatter [tilespmem:s22], [sflag:$0x3], $0x80, $0x38;
	[tilespmem:$0x14C00] =	vst v63  }
0x83: {  	s16 =	sadd.s32 $0x40, s17;
	s22 =	simm.s32 $0x116E0  }
0x84: {  	[hbm4b:s16+s13] =	stream.linear.scatter [tilespmem:s22], [sflag:$0x3], $0x80, $0x38;
	[tilespmem:$0x14C00] =	vst v63  }
0x85: {  	s16 =	sadd.s32 $0x50, s17;
	s22 =	simm.s32 $0x11768  }
0x86: {  	[hbm4b:s16+s13] =	stream.linear.scatter [tilespmem:s22], [sflag:$0x3], $0x80, $0x38;
	[tilespmem:$0x14C00] =	vst v63  }
0x87: {  	s16 =	sadd.s32 $0x60, s17;
	s22 =	simm.s32 $0x117F0  }
0x88: {  	[hbm4b:s16+s13] =	stream.linear.scatter [tilespmem:s22], [sflag:$0x3], $0x80, $0x38;
	[tilespmem:$0x14C00] =	vst v63  }
0x89: {  	s17 =	sadd.s32 $0x70, s17;
	s22 =	simm.s32 $0x11878  }
0x8a: {  	[hbm4b:s17+s13] =	stream.linear.scatter [tilespmem:s22], [sflag:$0x3], $0x80, $0x38;
	[tilespmem:$0x14C00] =	vst v63  }
0x8b: {  	s17 =	rddreg [dreg:$0x8];
	s22 =	simm.s32 $0x11900  }
0x8c: {  	[hbm4b:s17+s13] =	stream.linear.scatter [tilespmem:s22], [sflag:$0x3], $0x80, $0x38;
	[tilespmem:$0x14C00] =	vst v63  }
0x8d: {  	s16 =	sadd.s32 $0x10, s17;
	s22 =	simm.s32 $0x11988  }
0x8e: {  	[hbm4b:s16+s13] =	stream.linear.scatter [tilespmem:s22], [sflag:$0x3], $0x80, $0x38;
	[tilespmem:$0x14C00] =	vst v63  }
0x8f: {  	s16 =	sadd.s32 $0x20, s17;
	s22 =	simm.s32 $0x11A10  }
0x90: {  	[hbm4b:s16+s13] =	stream.linear.scatter [tilespmem:s22], [sflag:$0x3], $0x80, $0x38;
	[tilespmem:$0x14C00] =	vst v63  }
0x91: {  	s16 =	sadd.s32 $0x30, s17;
	s22 =	simm.s32 $0x11A98  }
0x92: {  	[hbm4b:s16+s13] =	stream.linear.scatter [tilespmem:s22], [sflag:$0x3], $0x80, $0x38;
	[tilespmem:$0x14C00] =	vst v63  }
0x93: {  	s16 =	sadd.s32 $0x40, s17;
	s22 =	simm.s32 $0x11B20  }
0x94: {  	[hbm4b:s16+s13] =	stream.linear.scatter [tilespmem:s22], [sflag:$0x3], $0x80, $0x38;
	[tilespmem:$0x14C00] =	vst v63  }
0x95: {  	s16 =	sadd.s32 $0x50, s17;
	s22 =	simm.s32 $0x11BA8  }
0x96: {  	[hbm4b:s16+s13] =	stream.linear.scatter [tilespmem:s22], [sflag:$0x3], $0x80, $0x38;
	[tilespmem:$0x14C00] =	vst v63  }
0x97: {  	s16 =	sadd.s32 $0x60, s17;
	s22 =	simm.s32 $0x11C30  }
0x98: {  	[hbm4b:s16+s13] =	stream.linear.scatter [tilespmem:s22], [sflag:$0x3], $0x80, $0x38;
	[tilespmem:$0x14C00] =	vst v63  }
0x99: {  	s17 =	sadd.s32 $0x70, s17;
	s22 =	simm.s32 $0x11CB8  }
0x9a: {  	[hbm4b:s17+s13] =	stream.linear.scatter [tilespmem:s22], [sflag:$0x3], $0x80, $0x38;
	[tilespmem:$0x14C00] =	vst v63  }
0x9b: {  	s17 =	rddreg [dreg:$0x9];
	s22 =	simm.s32 $0x11D40  }
0x9c: {  	[hbm4b:s17+s13] =	stream.linear.scatter [tilespmem:s22], [sflag:$0x3], $0x80, $0x38;
	[tilespmem:$0x14C00] =	vst v63  }
0x9d: {  	s16 =	sadd.s32 $0x10, s17;
	s22 =	simm.s32 $0x11DC8  }
0x9e: {  	[hbm4b:s16+s13] =	stream.linear.scatter [tilespmem:s22], [sflag:$0x3], $0x80, $0x38;
	[tilespmem:$0x14C00] =	vst v63  }
0x9f: {  	s16 =	sadd.s32 $0x20, s17;
	s22 =	simm.s32 $0x11E50  }
0xa0: {  	[hbm4b:s16+s13] =	stream.linear.scatter [tilespmem:s22], [sflag:$0x3], $0x80, $0x38;
	[tilespmem:$0x14C00] =	vst v63  }
0xa1: {  	s16 =	sadd.s32 $0x30, s17;
	s22 =	simm.s32 $0x11ED8  }
0xa2: {  	[hbm4b:s16+s13] =	stream.linear.scatter [tilespmem:s22], [sflag:$0x3], $0x80, $0x38;
	[tilespmem:$0x14C00] =	vst v63  }
0xa3: {  	s16 =	sadd.s32 $0x40, s17;
	s22 =	simm.s32 $0x11F60  }
0xa4: {  	[hbm4b:s16+s13] =	stream.linear.scatter [tilespmem:s22], [sflag:$0x3], $0x80, $0x38;
	[tilespmem:$0x14C00] =	vst v63  }
0xa5: {  	s16 =	sadd.s32 $0x50, s17;
	s22 =	simm.s32 $0x11FE8  }
0xa6: {  	[hbm4b:s16+s13] =	stream.linear.scatter [tilespmem:s22], [sflag:$0x3], $0x80, $0x38;
	[tilespmem:$0x14C00] =	vst v63  }
0xa7: {  	s16 =	sadd.s32 $0x60, s17;
	s22 =	simm.s32 $0x12070  }
0xa8: {  	[hbm4b:s16+s13] =	stream.linear.scatter [tilespmem:s22], [sflag:$0x3], $0x80, $0x38;
	[tilespmem:$0x14C00] =	vst v63  }
0xa9: {  	s17 =	sadd.s32 $0x70, s17;
	s22 =	simm.s32 $0x120F8  }
0xaa: {  	[hbm4b:s17+s13] =	stream.linear.scatter [tilespmem:s22], [sflag:$0x3], $0x80, $0x38;
	[tilespmem:$0x14C00] =	vst v63  }
0xab: {  	s17 =	rddreg [dreg:$0xa];
	s22 =	simm.s32 $0x12180  }
0xac: {  	[hbm4b:s17+s13] =	stream.linear.scatter [tilespmem:s22], [sflag:$0x3], $0x80, $0x38;
	[tilespmem:$0x14C00] =	vst v63  }
0xad: {  	s16 =	sadd.s32 $0x10, s17;
	s22 =	simm.s32 $0x12208  }
0xae: {  	[hbm4b:s16+s13] =	stream.linear.scatter [tilespmem:s22], [sflag:$0x3], $0x80, $0x38;
	[tilespmem:$0x14C00] =	vst v63  }
0xaf: {  	s16 =	sadd.s32 $0x20, s17;
	s22 =	simm.s32 $0x12290  }
0xb0: {  	[hbm4b:s16+s13] =	stream.linear.scatter [tilespmem:s22], [sflag:$0x3], $0x80, $0x38;
	[tilespmem:$0x14C00] =	vst v63  }
0xb1: {  	s16 =	sadd.s32 $0x30, s17;
	s22 =	simm.s32 $0x12318  }
0xb2: {  	[hbm4b:s16+s13] =	stream.linear.scatter [tilespmem:s22], [sflag:$0x3], $0x80, $0x38;
	[tilespmem:$0x14C00] =	vst v63  }
0xb3: {  	s16 =	sadd.s32 $0x40, s17;
	s22 =	simm.s32 $0x123A0  }
0xb4: {  	[hbm4b:s16+s13] =	stream.linear.scatter [tilespmem:s22], [sflag:$0x3], $0x80, $0x38;
	[tilespmem:$0x14C00] =	vst v63  }
0xb5: {  	s16 =	sadd.s32 $0x50, s17;
	s22 =	simm.s32 $0x12428  }
0xb6: {  	[hbm4b:s16+s13] =	stream.linear.scatter [tilespmem:s22], [sflag:$0x3], $0x80, $0x38;
	[tilespmem:$0x14C00] =	vst v63  }
0xb7: {  	s16 =	sadd.s32 $0x60, s17;
	s22 =	simm.s32 $0x124B0  }
0xb8: {  	[hbm4b:s16+s13] =	stream.linear.scatter [tilespmem:s22], [sflag:$0x3], $0x80, $0x38;
	[tilespmem:$0x14C00] =	vst v63  }
0xb9: {  	s17 =	sadd.s32 $0x70, s17;
	s22 =	simm.s32 $0x12538  }
0xba: {  	[hbm4b:s17+s13] =	stream.linear.scatter [tilespmem:s22], [sflag:$0x3], $0x80, $0x38;
	[tilespmem:$0x14C00] =	vst v63  }
0xbb: {  	s17 =	rddreg [dreg:$0xb];
	s22 =	simm.s32 $0x125C0  }
0xbc: {  	[hbm4b:s17+s13] =	stream.linear.scatter [tilespmem:s22], [sflag:$0x3], $0x80, $0x38;
	[tilespmem:$0x14C00] =	vst v63  }
0xbd: {  	s16 =	sadd.s32 $0x10, s17;
	s22 =	simm.s32 $0x12648  }
0xbe: {  	[hbm4b:s16+s13] =	stream.linear.scatter [tilespmem:s22], [sflag:$0x3], $0x80, $0x38;
	[tilespmem:$0x14C00] =	vst v63  }
0xbf: {  	s16 =	sadd.s32 $0x20, s17;
	s22 =	simm.s32 $0x126D0  }
0xc0: {  	[hbm4b:s16+s13] =	stream.linear.scatter [tilespmem:s22], [sflag:$0x3], $0x80, $0x38;
	[tilespmem:$0x14C00] =	vst v63  }
0xc1: {  	s16 =	sadd.s32 $0x30, s17;
	s22 =	simm.s32 $0x12758  }
0xc2: {  	[hbm4b:s16+s13] =	stream.linear.scatter [tilespmem:s22], [sflag:$0x3], $0x80, $0x38;
	[tilespmem:$0x14C00] =	vst v63  }
0xc3: {  	s16 =	sadd.s32 $0x40, s17;
	s22 =	simm.s32 $0x127E0  }
0xc4: {  	[hbm4b:s16+s13] =	stream.linear.scatter [tilespmem:s22], [sflag:$0x3], $0x80, $0x38;
	[tilespmem:$0x14C00] =	vst v63  }
0xc5: {  	s16 =	sadd.s32 $0x50, s17;
	s22 =	simm.s32 $0x12868  }
0xc6: {  	[hbm4b:s16+s13] =	stream.linear.scatter [tilespmem:s22], [sflag:$0x3], $0x80, $0x38;
	[tilespmem:$0x14C00] =	vst v63  }
0xc7: {  	s16 =	sadd.s32 $0x60, s17;
	s22 =	simm.s32 $0x128F0  }
0xc8: {  	[hbm4b:s16+s13] =	stream.linear.scatter [tilespmem:s22], [sflag:$0x3], $0x80, $0x38;
	[tilespmem:$0x14C00] =	vst v63  }
0xc9: {  	s17 =	sadd.s32 $0x70, s17;
	s22 =	simm.s32 $0x12978  }
0xca: {  	[hbm4b:s17+s13] =	stream.linear.scatter [tilespmem:s22], [sflag:$0x3], $0x80, $0x38;
	[tilespmem:$0x14C00] =	vst v63  }
0xcb: {  	s17 =	simm.s32 $0x200  }
0xcc: {  	[tilespmem:s19], [sflag:$0x1] =	stream.indirect.gather [hbm4b:s4+s1], $0x20, s17, s1, $0xb8;
	[tilespmem:$0x14C00] =	vst v63  }
0xcd: {  	s19 =	simm.s32 $0x280  }
0xce: {  	[tilespmem:s21], [sflag:$0x1] =	stream.indirect.gather [hbm4b:s4+s1], $0x20, s19, s1, $0xb8;
	[tilespmem:$0x14C00] =	vst v63  }
0xcf: {  	_ =	swait.ge [sflag:s28], $0x1000  }
0xd0: {  	[sflag:s28] =	ssyncset.done $0x0  }
0xd1: {  	[sflag:s28] =	ssyncadd.s32 $0xFFFFF000  }
0xd2: {  	_ =	swait.ge [sflag:s28], $0x1000  }
0xd3: {  	v4 =	vmov s13;
	[sflag:s28] =	ssyncset.done $0x0  }
0xd4: {  	v5 =	vand.u32 $0x7F, v4;
	s13 =	simm.s32 $0xE820;
	[sflag:s28] =	ssyncadd.s32 $0xFFFFF000  }
0xd5: {  	v6 =	vadd.s32 v0, v5;
	v4 =	vld [tilespmem:s13+$0xFFFFFFE0]  }
0xd6: {  	v8 =	vadd.s32 v1, v5;
	v7 =	vld [tilespmem:s13+$0xFFFFFFF0];
	_ =	sdelay $0x3  }
0xd7: {  	[tilespmem:v6+s29+$0x0] =	vst.idx.msk $0xffff, v4  }
0xd8: {  	[tilespmem:v8+s29+$0x0] =	vst.idx.msk $0xffff, v7  }
0xd9: {  	v8 =	vadd.s32 v2, v5;
	v7 =	vld [tilespmem:s13+$0x0];
	_ =	sdelay $0x1  }
0xda: {  	v5 =	vadd.s32 v3, v5;
	v4 =	vld [tilespmem:s13+$0x10];
	_ =	sdelay $0x1  }
0xdb: {  	s22 =	simm.s32 $0x1  }
0xdc: {  	s16 =	simm.s32 $0x2;
	v6 =	vmov s22;
	[tilespmem:v8+s29+$0x0] =	vst.idx.msk $0xffff, v7  }
.LBB2_4:
0xdd: {  	p0 =	sne.s32 s16, $0x7F  }
0xde: {  	v6 =	vand.u32 $0x7F, v6;
	[tilespmem:v5+s29+$0x0] =	vst.idx.msk $0xffff, v4;
	s13 =	sadd.s32 $0x40, s13;
	s17 =	smov.u32 s16;
	s16 =	sadd.s32 $0x1, s16  }
0xdf: {  	v4 =	vld [tilespmem:s13+$0xFFFFFFE0];
	v5 =	vadd.s32 v0, v6  }
0xe0: {  	v8 =	vadd.s32 v1, v6;
	v7 =	vld [tilespmem:s13+$0xFFFFFFF0];
	_ =	sdelay $0x3  }
0xe1: {  	[tilespmem:v5+s29+$0x0] =	vst.idx.msk $0xffff, v4  }
0xe2: {  	[tilespmem:v8+s29+$0x0] =	vst.idx.msk $0xffff, v7  }
0xe3: {  	v8 =	vadd.s32 v2, v6;
	v7 =	vld [tilespmem:s13+$0x0]  }
.Ltmp1:
0xe4: {  	v5 =	vadd.s32 v3, v6;
	v4 =	vld [tilespmem:s13+$0x10];
	(pc) =	sbr.rel @p0 .LBB2_4-.Ltmp1, $2  }
0xe5: {  	_ =	sdelay $0x2  }
0xe6: {  	v6 =	vmov s17;
	[tilespmem:v8+s29+$0x0] =	vst.idx.msk $0xffff, v7  }
0xe7: {  	_ =	sdelay $0x3  }
0xe8: {  	v6 =	vand.u32 $0x7F, v6;
	[tilespmem:v5+s29+$0x0] =	vst.idx.msk $0xffff, v4;
	s13 =	sadd.s32 $0x40, s13  }
0xe9: {  	v4 =	vld [tilespmem:s13+$0xFFFFFFE0];
	v5 =	vadd.s32 v0, v6  }
0xea: {  	v7 =	vld [tilespmem:s13+$0xFFFFFFF0];
	v8 =	vadd.s32 v1, v6;
	_ =	sdelay $0x3  }
0xeb: {  	[tilespmem:v5+s29+$0x0] =	vst.idx.msk $0xffff, v4  }
0xec: {  	[tilespmem:v8+s29+$0x0] =	vst.idx.msk $0xffff, v7  }
0xed: {  	v5 =	vadd.s32 v2, v6;
	v4 =	vld [tilespmem:s13+$0x0]  }
0xee: {  	v6 =	vadd.s32 v3, v6;
	v7 =	vld [tilespmem:s13+$0x10];
	_ =	sdelay $0x3  }
0xef: {  	[tilespmem:v5+s29+$0x0] =	vst.idx.msk $0xffff, v4  }
0xf0: {  	s16 =	rddreg [dreg:$0xc];
	[tilespmem:v6+s29+$0x0] =	vst.idx.msk $0xffff, v7  }
0xf1: {  	[hbm4b:s16+s3] =	stream.linear.scatter [tilespmem:s29], [sflag:$0x4], $0x80, $0x38;
	[tilespmem:$0x14C00] =	vst v63  }
0xf2: {  	s17 =	simm.s32 $0x12A88;
	s19 =	sadd.s32 $0x10, s16  }
0xf3: {  	[hbm4b:s19+s3] =	stream.linear.scatter [tilespmem:s17], [sflag:$0x4], $0x80, $0x38;
	[tilespmem:$0x14C00] =	vst v63  }
0xf4: {  	s22 =	simm.s32 $0x12B10;
	s21 =	sadd.s32 $0x20, s16  }
0xf5: {  	[hbm4b:s21+s3] =	stream.linear.scatter [tilespmem:s22], [sflag:$0x4], $0x80, $0x38;
	[tilespmem:$0x14C00] =	vst v63  }
0xf6: {  	s17 =	sadd.s32 $0x30, s16;
	s19 =	simm.s32 $0x12B98  }
0xf7: {  	[hbm4b:s17+s3] =	stream.linear.scatter [tilespmem:s19], [sflag:$0x4], $0x80, $0x38;
	[tilespmem:$0x14C00] =	vst v63  }
0xf8: {  	s21 =	sadd.s32 $0x40, s16;
	s22 =	simm.s32 $0x12C20  }
0xf9: {  	[hbm4b:s21+s3] =	stream.linear.scatter [tilespmem:s22], [sflag:$0x4], $0x80, $0x38;
	[tilespmem:$0x14C00] =	vst v63  }
0xfa: {  	s17 =	sadd.s32 $0x50, s16;
	s19 =	simm.s32 $0x12CA8  }
0xfb: {  	[hbm4b:s17+s3] =	stream.linear.scatter [tilespmem:s19], [sflag:$0x4], $0x80, $0x38;
	[tilespmem:$0x14C00] =	vst v63  }
0xfc: {  	s21 =	sadd.s32 $0x60, s16;
	s22 =	simm.s32 $0x12D30  }
0xfd: {  	[hbm4b:s21+s3] =	stream.linear.scatter [tilespmem:s22], [sflag:$0x4], $0x80, $0x38;
	[tilespmem:$0x14C00] =	vst v63  }
0xfe: {  	s19 =	sadd.s32 $0x70, s16;
	s21 =	simm.s32 $0x12DB8  }
0xff: {  	[hbm4b:s19+s3] =	stream.linear.scatter [tilespmem:s21], [sflag:$0x4], $0x80, $0x38;
	[tilespmem:$0x14C00] =	vst v63  }
0x100: {  	s16 =	rddreg [dreg:$0xd];
	s22 =	simm.s32 $0x12E40  }
0x101: {  	[hbm4b:s16+s3] =	stream.linear.scatter [tilespmem:s22], [sflag:$0x4], $0x80, $0x38;
	[tilespmem:$0x14C00] =	vst v63  }
0x102: {  	s17 =	sadd.s32 $0x10, s16;
	s19 =	simm.s32 $0x12EC8  }
0x103: {  	[hbm4b:s17+s3] =	stream.linear.scatter [tilespmem:s19], [sflag:$0x4], $0x80, $0x38;
	[tilespmem:$0x14C00] =	vst v63  }
0x104: {  	s21 =	sadd.s32 $0x20, s16;
	s22 =	simm.s32 $0x12F50  }
0x105: {  	[hbm4b:s21+s3] =	stream.linear.scatter [tilespmem:s22], [sflag:$0x4], $0x80, $0x38;
	[tilespmem:$0x14C00] =	vst v63  }
0x106: {  	s17 =	sadd.s32 $0x30, s16;
	s19 =	simm.s32 $0x12FD8  }
0x107: {  	[hbm4b:s17+s3] =	stream.linear.scatter [tilespmem:s19], [sflag:$0x4], $0x80, $0x38;
	[tilespmem:$0x14C00] =	vst v63  }
0x108: {  	s21 =	sadd.s32 $0x40, s16;
	s22 =	simm.s32 $0x13060  }
0x109: {  	[hbm4b:s21+s3] =	stream.linear.scatter [tilespmem:s22], [sflag:$0x4], $0x80, $0x38;
	[tilespmem:$0x14C00] =	vst v63  }
0x10a: {  	s17 =	sadd.s32 $0x50, s16;
	s19 =	simm.s32 $0x130E8  }
0x10b: {  	[hbm4b:s17+s3] =	stream.linear.scatter [tilespmem:s19], [sflag:$0x4], $0x80, $0x38;
	[tilespmem:$0x14C00] =	vst v63  }
0x10c: {  	s21 =	sadd.s32 $0x60, s16;
	s22 =	simm.s32 $0x13170  }
0x10d: {  	[hbm4b:s21+s3] =	stream.linear.scatter [tilespmem:s22], [sflag:$0x4], $0x80, $0x38;
	[tilespmem:$0x14C00] =	vst v63  }
0x10e: {  	s19 =	sadd.s32 $0x70, s16;
	s21 =	simm.s32 $0x131F8  }
0x10f: {  	[hbm4b:s19+s3] =	stream.linear.scatter [tilespmem:s21], [sflag:$0x4], $0x80, $0x38;
	[tilespmem:$0x14C00] =	vst v63  }
0x110: {  	s16 =	rddreg [dreg:$0xe];
	s22 =	simm.s32 $0x13280  }
0x111: {  	[hbm4b:s16+s3] =	stream.linear.scatter [tilespmem:s22], [sflag:$0x4], $0x80, $0x38;
	[tilespmem:$0x14C00] =	vst v63  }
0x112: {  	s17 =	sadd.s32 $0x10, s16;
	s19 =	simm.s32 $0x13308  }
0x113: {  	[hbm4b:s17+s3] =	stream.linear.scatter [tilespmem:s19], [sflag:$0x4], $0x80, $0x38;
	[tilespmem:$0x14C00] =	vst v63  }
0x114: {  	s21 =	sadd.s32 $0x20, s16;
	s22 =	simm.s32 $0x13390  }
0x115: {  	[hbm4b:s21+s3] =	stream.linear.scatter [tilespmem:s22], [sflag:$0x4], $0x80, $0x38;
	[tilespmem:$0x14C00] =	vst v63  }
0x116: {  	s17 =	sadd.s32 $0x30, s16;
	s19 =	simm.s32 $0x13418  }
0x117: {  	[hbm4b:s17+s3] =	stream.linear.scatter [tilespmem:s19], [sflag:$0x4], $0x80, $0x38;
	[tilespmem:$0x14C00] =	vst v63  }
0x118: {  	s21 =	sadd.s32 $0x40, s16;
	s22 =	simm.s32 $0x134A0  }
0x119: {  	[hbm4b:s21+s3] =	stream.linear.scatter [tilespmem:s22], [sflag:$0x4], $0x80, $0x38;
	[tilespmem:$0x14C00] =	vst v63  }
0x11a: {  	s17 =	sadd.s32 $0x50, s16;
	s19 =	simm.s32 $0x13528  }
0x11b: {  	[hbm4b:s17+s3] =	stream.linear.scatter [tilespmem:s19], [sflag:$0x4], $0x80, $0x38;
	[tilespmem:$0x14C00] =	vst v63  }
0x11c: {  	s21 =	sadd.s32 $0x60, s16;
	s22 =	simm.s32 $0x135B0  }
0x11d: {  	[hbm4b:s21+s3] =	stream.linear.scatter [tilespmem:s22], [sflag:$0x4], $0x80, $0x38;
	[tilespmem:$0x14C00] =	vst v63  }
0x11e: {  	s19 =	sadd.s32 $0x70, s16;
	s21 =	simm.s32 $0x13638  }
0x11f: {  	[hbm4b:s19+s3] =	stream.linear.scatter [tilespmem:s21], [sflag:$0x4], $0x80, $0x38;
	[tilespmem:$0x14C00] =	vst v63  }
0x120: {  	s16 =	rddreg [dreg:$0xf];
	s22 =	simm.s32 $0x136C0  }
0x121: {  	[hbm4b:s16+s3] =	stream.linear.scatter [tilespmem:s22], [sflag:$0x4], $0x80, $0x38;
	[tilespmem:$0x14C00] =	vst v63  }
0x122: {  	s17 =	sadd.s32 $0x10, s16;
	s19 =	simm.s32 $0x13748  }
0x123: {  	[hbm4b:s17+s3] =	stream.linear.scatter [tilespmem:s19], [sflag:$0x4], $0x80, $0x38;
	[tilespmem:$0x14C00] =	vst v63  }
0x124: {  	s21 =	sadd.s32 $0x20, s16;
	s22 =	simm.s32 $0x137D0  }
0x125: {  	[hbm4b:s21+s3] =	stream.linear.scatter [tilespmem:s22], [sflag:$0x4], $0x80, $0x38;
	[tilespmem:$0x14C00] =	vst v63  }
0x126: {  	s17 =	sadd.s32 $0x30, s16;
	s19 =	simm.s32 $0x13858  }
0x127: {  	[hbm4b:s17+s3] =	stream.linear.scatter [tilespmem:s19], [sflag:$0x4], $0x80, $0x38;
	[tilespmem:$0x14C00] =	vst v63  }
0x128: {  	s21 =	sadd.s32 $0x40, s16;
	s22 =	simm.s32 $0x138E0  }
0x129: {  	[hbm4b:s21+s3] =	stream.linear.scatter [tilespmem:s22], [sflag:$0x4], $0x80, $0x38;
	[tilespmem:$0x14C00] =	vst v63  }
0x12a: {  	s17 =	sadd.s32 $0x50, s16;
	s19 =	simm.s32 $0x13968  }
0x12b: {  	[hbm4b:s17+s3] =	stream.linear.scatter [tilespmem:s19], [sflag:$0x4], $0x80, $0x38;
	[tilespmem:$0x14C00] =	vst v63  }
0x12c: {  	s21 =	sadd.s32 $0x60, s16;
	s22 =	simm.s32 $0x139F0  }
0x12d: {  	[hbm4b:s21+s3] =	stream.linear.scatter [tilespmem:s22], [sflag:$0x4], $0x80, $0x38;
	[tilespmem:$0x14C00] =	vst v63  }
0x12e: {  	s19 =	sadd.s32 $0x70, s16;
	s21 =	simm.s32 $0x13A78  }
0x12f: {  	[hbm4b:s19+s3] =	stream.linear.scatter [tilespmem:s21], [sflag:$0x4], $0x80, $0x38;
	[tilespmem:$0x14C00] =	vst v63  }
0x130: {  	s16 =	rddreg [dreg:$0x10];
	s22 =	simm.s32 $0x13B00  }
0x131: {  	[hbm4b:s16+s3] =	stream.linear.scatter [tilespmem:s22], [sflag:$0x4], $0x80, $0x38;
	[tilespmem:$0x14C00] =	vst v63  }
0x132: {  	s17 =	sadd.s32 $0x10, s16;
	s19 =	simm.s32 $0x13B88  }
0x133: {  	[hbm4b:s17+s3] =	stream.linear.scatter [tilespmem:s19], [sflag:$0x4], $0x80, $0x38;
	[tilespmem:$0x14C00] =	vst v63  }
0x134: {  	s21 =	sadd.s32 $0x20, s16;
	s22 =	simm.s32 $0x13C10  }
0x135: {  	[hbm4b:s21+s3] =	stream.linear.scatter [tilespmem:s22], [sflag:$0x4], $0x80, $0x38;
	[tilespmem:$0x14C00] =	vst v63  }
0x136: {  	s17 =	sadd.s32 $0x30, s16;
	s19 =	simm.s32 $0x13C98  }
0x137: {  	[hbm4b:s17+s3] =	stream.linear.scatter [tilespmem:s19], [sflag:$0x4], $0x80, $0x38;
	[tilespmem:$0x14C00] =	vst v63  }
0x138: {  	s21 =	sadd.s32 $0x40, s16;
	s22 =	simm.s32 $0x13D20  }
0x139: {  	[hbm4b:s21+s3] =	stream.linear.scatter [tilespmem:s22], [sflag:$0x4], $0x80, $0x38;
	[tilespmem:$0x14C00] =	vst v63  }
0x13a: {  	s17 =	sadd.s32 $0x50, s16;
	s19 =	simm.s32 $0x13DA8  }
0x13b: {  	[hbm4b:s17+s3] =	stream.linear.scatter [tilespmem:s19], [sflag:$0x4], $0x80, $0x38;
	[tilespmem:$0x14C00] =	vst v63  }
0x13c: {  	s21 =	sadd.s32 $0x60, s16;
	s22 =	simm.s32 $0x13E30  }
0x13d: {  	[hbm4b:s21+s3] =	stream.linear.scatter [tilespmem:s22], [sflag:$0x4], $0x80, $0x38;
	[tilespmem:$0x14C00] =	vst v63  }
0x13e: {  	s19 =	sadd.s32 $0x70, s16;
	s21 =	simm.s32 $0x13EB8  }
0x13f: {  	[hbm4b:s19+s3] =	stream.linear.scatter [tilespmem:s21], [sflag:$0x4], $0x80, $0x38;
	[tilespmem:$0x14C00] =	vst v63  }
0x140: {  	s16 =	rddreg [dreg:$0x11];
	s22 =	simm.s32 $0x13F40  }
0x141: {  	[hbm4b:s16+s3] =	stream.linear.scatter [tilespmem:s22], [sflag:$0x4], $0x80, $0x38;
	[tilespmem:$0x14C00] =	vst v63  }
0x142: {  	s17 =	sadd.s32 $0x10, s16;
	s19 =	simm.s32 $0x13FC8  }
0x143: {  	[hbm4b:s17+s3] =	stream.linear.scatter [tilespmem:s19], [sflag:$0x4], $0x80, $0x38;
	[tilespmem:$0x14C00] =	vst v63  }
0x144: {  	s21 =	sadd.s32 $0x20, s16;
	s22 =	simm.s32 $0x14050  }
0x145: {  	[hbm4b:s21+s3] =	stream.linear.scatter [tilespmem:s22], [sflag:$0x4], $0x80, $0x38;
	[tilespmem:$0x14C00] =	vst v63  }
0x146: {  	s17 =	sadd.s32 $0x30, s16;
	s19 =	simm.s32 $0x140D8  }
0x147: {  	[hbm4b:s17+s3] =	stream.linear.scatter [tilespmem:s19], [sflag:$0x4], $0x80, $0x38;
	[tilespmem:$0x14C00] =	vst v63  }
0x148: {  	s21 =	sadd.s32 $0x40, s16;
	s22 =	simm.s32 $0x14160  }
0x149: {  	[hbm4b:s21+s3] =	stream.linear.scatter [tilespmem:s22], [sflag:$0x4], $0x80, $0x38;
	[tilespmem:$0x14C00] =	vst v63  }
0x14a: {  	s17 =	sadd.s32 $0x50, s16;
	s19 =	simm.s32 $0x141E8  }
0x14b: {  	[hbm4b:s17+s3] =	stream.linear.scatter [tilespmem:s19], [sflag:$0x4], $0x80, $0x38;
	[tilespmem:$0x14C00] =	vst v63  }
0x14c: {  	s21 =	sadd.s32 $0x60, s16;
	s22 =	simm.s32 $0x14270  }
0x14d: {  	[hbm4b:s21+s3] =	stream.linear.scatter [tilespmem:s22], [sflag:$0x4], $0x80, $0x38;
	[tilespmem:$0x14C00] =	vst v63  }
0x14e: {  	s16 =	sadd.s32 $0x70, s16;
	s17 =	simm.s32 $0x142F8  }
0x14f: {  	[hbm4b:s16+s3] =	stream.linear.scatter [tilespmem:s17], [sflag:$0x4], $0x80, $0x38;
	[tilespmem:$0x14C00] =	vst v63  }
0x150: {  	s19 =	simm.s32 $0x14380;
	s16 =	rddreg [dreg:$0x12]  }
0x151: {  	[hbm4b:s16+s3] =	stream.linear.scatter [tilespmem:s19], [sflag:$0x4], $0x80, $0x38;
	[tilespmem:$0x14C00] =	vst v63  }
0x152: {  	s22 =	simm.s32 $0x14408;
	s21 =	sadd.s32 $0x10, s16  }
0x153: {  	[hbm4b:s21+s3] =	stream.linear.scatter [tilespmem:s22], [sflag:$0x4], $0x80, $0x38;
	[tilespmem:$0x14C00] =	vst v63  }
0x154: {  	s17 =	sadd.s32 $0x20, s16;
	s19 =	simm.s32 $0x14490  }
0x155: {  	[hbm4b:s17+s3] =	stream.linear.scatter [tilespmem:s19], [sflag:$0x4], $0x80, $0x38;
	[tilespmem:$0x14C00] =	vst v63  }
0x156: {  	s21 =	sadd.s32 $0x30, s16;
	s22 =	simm.s32 $0x14518  }
0x157: {  	[hbm4b:s21+s3] =	stream.linear.scatter [tilespmem:s22], [sflag:$0x4], $0x80, $0x38;
	[tilespmem:$0x14C00] =	vst v63  }
0x158: {  	s17 =	sadd.s32 $0x40, s16;
	s19 =	simm.s32 $0x145A0  }
0x159: {  	[hbm4b:s17+s3] =	stream.linear.scatter [tilespmem:s19], [sflag:$0x4], $0x80, $0x38;
	[tilespmem:$0x14C00] =	vst v63  }
0x15a: {  	s21 =	sadd.s32 $0x50, s16;
	s22 =	simm.s32 $0x14628  }
0x15b: {  	[hbm4b:s21+s3] =	stream.linear.scatter [tilespmem:s22], [sflag:$0x4], $0x80, $0x38;
	[tilespmem:$0x14C00] =	vst v63  }
0x15c: {  	s17 =	sadd.s32 $0x60, s16;
	s19 =	simm.s32 $0x146B0  }
0x15d: {  	[hbm4b:s17+s3] =	stream.linear.scatter [tilespmem:s19], [sflag:$0x4], $0x80, $0x38;
	[tilespmem:$0x14C00] =	vst v63  }
0x15e: {  	s21 =	sadd.s32 $0x70, s16;
	s22 =	simm.s32 $0x14738  }
0x15f: {  	[hbm4b:s21+s3] =	stream.linear.scatter [tilespmem:s22], [sflag:$0x4], $0x80, $0x38;
	[tilespmem:$0x14C00] =	vst v63  }
0x160: {  	s16 =	rddreg [dreg:$0x13];
	s17 =	simm.s32 $0x147C0  }
0x161: {  	[hbm4b:s16+s3] =	stream.linear.scatter [tilespmem:s17], [sflag:$0x4], $0x80, $0x38;
	[tilespmem:$0x14C00] =	vst v63  }
0x162: {  	s19 =	sadd.s32 $0x10, s16  }
0x163: {  	[hbm4b:s19+s3] =	stream.linear.scatter [tilespmem:s23], [sflag:$0x4], $0x80, $0x38;
	[tilespmem:$0x14C00] =	vst v63  }
0x164: {  	s21 =	sadd.s32 $0x20, s16  }
0x165: {  	[hbm4b:s21+s3] =	stream.linear.scatter [tilespmem:s24], [sflag:$0x4], $0x80, $0x38;
	[tilespmem:$0x14C00] =	vst v63  }
0x166: {  	s22 =	sadd.s32 $0x30, s16  }
0x167: {  	[hbm4b:s22+s3] =	stream.linear.scatter [tilespmem:s25], [sflag:$0x4], $0x80, $0x38;
	[tilespmem:$0x14C00] =	vst v63  }
0x168: {  	s17 =	sadd.s32 $0x40, s16  }
0x169: {  	[hbm4b:s17+s3] =	stream.linear.scatter [tilespmem:s26], [sflag:$0x4], $0x80, $0x38;
	[tilespmem:$0x14C00] =	vst v63  }
0x16a: {  	s19 =	sadd.s32 $0x50, s16  }
0x16b: {  	[hbm4b:s19+s3] =	stream.linear.scatter [tilespmem:s30], [sflag:$0x4], $0x80, $0x38;
	[tilespmem:$0x14C00] =	vst v63  }
0x16c: {  	s21 =	sadd.s32 $0x60, s16  }
0x16d: {  	[hbm4b:s21+s3] =	stream.linear.scatter [tilespmem:s6], [sflag:$0x4], $0x80, $0x38;
	[tilespmem:$0x14C00] =	vst v63  }
0x16e: {  	s13 =	simm.s32 $0x1;
	s22 =	sadd.s32 $0x70, s16  }
0x16f: {  	[hbm4b:s22+s3] =	stream.linear.scatter [tilespmem:s31], [sflag:$0x4], $0x80, $0x38;
	[tilespmem:$0x14C00] =	vst v63  }
.LBB2_6:
0x170: {  	s16 =	sshllo.u32 s13, $0x1  }
0x171: {  	s17 =	sshll.u32 s16, $0x8  }
0x172: {  	s19 =	simm.s32 $0xE800;
	s17 =	sand.u32 $0x3FFFFF00, s17  }
0x173: {  	[tilespmem:s19], [sflag:$0x2] =	stream.indirect.gather [hbm4b:s4+s1], $0x20, s17, s1, $0xb8;
	[tilespmem:$0x14C00] =	vst v63  }
0x174: {  	s21 =	simm.s32 $0xF800;
	s17 =	sor.u32 $0x80, s17  }
0x175: {  	[tilespmem:s21], [sflag:$0x2] =	stream.indirect.gather [hbm4b:s4+s1], $0x20, s17, s1, $0xb8;
	[tilespmem:$0x14C00] =	vst v63  }
0x176: {  	_ =	swait.ge [sflag:s0], $0x1000  }
0x177: {  	[sflag:s0] =	ssyncset.done $0x0  }
0x178: {  	[sflag:s0] =	ssyncadd.s32 $0xFFFFF000  }
0x179: {  	_ =	swait.ge [sflag:s0], $0x1000  }
0x17a: {  	[sflag:s0] =	ssyncset.done $0x0  }
0x17b: {  	[sflag:s0] =	ssyncadd.s32 $0xFFFFF000  }
0x17c: {  	_ =	swait.ge [sflag:s10], $0x400  }
0x17d: {  	[sflag:s10] =	ssyncset.done $0x0  }
0x17e: {  	[sflag:s10] =	ssyncadd.s32 $0xFFFFFC00  }
0x17f: {  	_ =	swait.ge [sflag:s10], $0x400  }
0x180: {  	[sflag:s10] =	ssyncset.done $0x0  }
0x181: {  	[sflag:s10] =	ssyncadd.s32 $0xFFFFFC00  }
0x182: {  	_ =	swait.ge [sflag:s10], $0x400  }
0x183: {  	[sflag:s10] =	ssyncset.done $0x0  }
0x184: {  	[sflag:s10] =	ssyncadd.s32 $0xFFFFFC00  }
0x185: {  	_ =	swait.ge [sflag:s10], $0x400  }
0x186: {  	[sflag:s10] =	ssyncset.done $0x0  }
0x187: {  	[sflag:s10] =	ssyncadd.s32 $0xFFFFFC00  }
0x188: {  	_ =	swait.ge [sflag:s10], $0x400  }
0x189: {  	[sflag:s10] =	ssyncset.done $0x0  }
0x18a: {  	[sflag:s10] =	ssyncadd.s32 $0xFFFFFC00  }
0x18b: {  	_ =	swait.ge [sflag:s10], $0x400  }
0x18c: {  	[sflag:s10] =	ssyncset.done $0x0  }
0x18d: {  	[sflag:s10] =	ssyncadd.s32 $0xFFFFFC00  }
0x18e: {  	_ =	swait.ge [sflag:s10], $0x400  }
0x18f: {  	[sflag:s10] =	ssyncset.done $0x0  }
0x190: {  	[sflag:s10] =	ssyncadd.s32 $0xFFFFFC00  }
0x191: {  	s22 =	simm.s32 $0x0;
	_ =	swait.ge [sflag:s10], $0x400  }
0x192: {  	v4 =	vmov s22;
	[sflag:s10] =	ssyncset.done $0x0  }
0x193: {  	v5 =	vand.u32 $0x7F, v4;
	s17 =	simm.s32 $0xC820;
	[sflag:s10] =	ssyncadd.s32 $0xFFFFFC00  }
0x194: {  	v6 =	vadd.s32 v0, v5;
	v4 =	vld [tilespmem:s17+$0xFFFFFFE0]  }
0x195: {  	v8 =	vadd.s32 v1, v5;
	v7 =	vld [tilespmem:s17+$0xFFFFFFF0];
	_ =	sdelay $0x3  }
0x196: {  	[tilespmem:v6+s7+$0x0] =	vst.idx.msk $0xffff, v4  }
0x197: {  	[tilespmem:v8+s7+$0x0] =	vst.idx.msk $0xffff, v7  }
0x198: {  	v8 =	vadd.s32 v2, v5;
	v7 =	vld [tilespmem:s17+$0x0];
	_ =	sdelay $0x1  }
0x199: {  	v5 =	vadd.s32 v3, v5;
	v4 =	vld [tilespmem:s17+$0x10];
	_ =	sdelay $0x1  }
0x19a: {  	s22 =	simm.s32 $0x1  }
0x19b: {  	s19 =	sshll.u32 s13, $0x1;
	s21 =	simm.s32 $0x2;
	v6 =	vmov s22;
	[tilespmem:v8+s7+$0x0] =	vst.idx.msk $0xffff, v7  }
.LBB2_7:
0x19c: {  	p0 =	sne.s32 s21, $0x7F  }
0x19d: {  	v6 =	vand.u32 $0x7F, v6;
	[tilespmem:v5+s7+$0x0] =	vst.idx.msk $0xffff, v4;
	s17 =	sadd.s32 $0x40, s17;
	s22 =	smov.u32 s21;
	s21 =	sadd.s32 $0x1, s21  }
0x19e: {  	v4 =	vld [tilespmem:s17+$0xFFFFFFE0];
	v5 =	vadd.s32 v0, v6  }
0x19f: {  	v8 =	vadd.s32 v1, v6;
	v7 =	vld [tilespmem:s17+$0xFFFFFFF0];
	_ =	sdelay $0x3  }
0x1a0: {  	[tilespmem:v5+s7+$0x0] =	vst.idx.msk $0xffff, v4  }
0x1a1: {  	[tilespmem:v8+s7+$0x0] =	vst.idx.msk $0xffff, v7  }
0x1a2: {  	v8 =	vadd.s32 v2, v6;
	v7 =	vld [tilespmem:s17+$0x0]  }
.Ltmp2:
0x1a3: {  	v5 =	vadd.s32 v3, v6;
	v4 =	vld [tilespmem:s17+$0x10];
	(pc) =	sbr.rel @p0 .LBB2_7-.Ltmp2, $2  }
0x1a4: {  	_ =	sdelay $0x2  }
0x1a5: {  	v6 =	vmov s22;
	[tilespmem:v8+s7+$0x0] =	vst.idx.msk $0xffff, v7  }
0x1a6: {  	_ =	sdelay $0x3  }
0x1a7: {  	v6 =	vand.u32 $0x7F, v6;
	[tilespmem:v5+s7+$0x0] =	vst.idx.msk $0xffff, v4;
	s17 =	sadd.s32 $0x40, s17  }
0x1a8: {  	v4 =	vld [tilespmem:s17+$0xFFFFFFE0];
	v5 =	vadd.s32 v0, v6  }
0x1a9: {  	v7 =	vld [tilespmem:s17+$0xFFFFFFF0];
	v8 =	vadd.s32 v1, v6;
	_ =	sdelay $0x3  }
0x1aa: {  	[tilespmem:v5+s7+$0x0] =	vst.idx.msk $0xffff, v4  }
0x1ab: {  	[tilespmem:v8+s7+$0x0] =	vst.idx.msk $0xffff, v7  }
0x1ac: {  	v5 =	vadd.s32 v2, v6;
	v4 =	vld [tilespmem:s17+$0x0]  }
0x1ad: {  	v6 =	vadd.s32 v3, v6;
	v7 =	vld [tilespmem:s17+$0x10]  }
0x1ae: {  	s21 =	sadd.s32 s5, s19  }
0x1af: {  	s19 =	sshll.u32 s21, $0xA;
	s17 =	sshll.u32 s21, $0x7  }
0x1b0: {  	s19 =	sand.u32 $0xFFF8000, s19;
	s17 =	sand.u32 $0xF00, s17  }
0x1b1: {  	s17 =	sor.u32 s17, s19;
	[tilespmem:v5+s7+$0x0] =	vst.idx.msk $0xffff, v4  }
0x1b2: {  	s19 =	sadd.s32 s2, s17;
	[tilespmem:v6+s7+$0x0] =	vst.idx.msk $0xffff, v7  }
0x1b3: {  	[hbm4b:s19+s3] =	stream.linear.scatter [tilespmem:s7], [sflag:$0x3], $0x80, $0x38;
	[tilespmem:$0x14C00] =	vst v63  }
0x1b4: {  	s22 =	simm.s32 $0x10888;
	s21 =	sadd.s32 $0x10, s19  }
0x1b5: {  	[hbm4b:s21+s3] =	stream.linear.scatter [tilespmem:s22], [sflag:$0x3], $0x80, $0x38;
	[tilespmem:$0x14C00] =	vst v63  }
0x1b6: {  	s21 =	sadd.s32 $0x20, s19;
	s22 =	simm.s32 $0x10910  }
0x1b7: {  	[hbm4b:s21+s3] =	stream.linear.scatter [tilespmem:s22], [sflag:$0x3], $0x80, $0x38;
	[tilespmem:$0x14C00] =	vst v63  }
0x1b8: {  	s21 =	sadd.s32 $0x30, s19;
	s22 =	simm.s32 $0x10998  }
0x1b9: {  	[hbm4b:s21+s3] =	stream.linear.scatter [tilespmem:s22], [sflag:$0x3], $0x80, $0x38;
	[tilespmem:$0x14C00] =	vst v63  }
0x1ba: {  	s21 =	sadd.s32 $0x40, s19;
	s22 =	simm.s32 $0x10A20  }
0x1bb: {  	[hbm4b:s21+s3] =	stream.linear.scatter [tilespmem:s22], [sflag:$0x3], $0x80, $0x38;
	[tilespmem:$0x14C00] =	vst v63  }
0x1bc: {  	s21 =	sadd.s32 $0x50, s19;
	s22 =	simm.s32 $0x10AA8  }
0x1bd: {  	[hbm4b:s21+s3] =	stream.linear.scatter [tilespmem:s22], [sflag:$0x3], $0x80, $0x38;
	[tilespmem:$0x14C00] =	vst v63  }
0x1be: {  	s21 =	sadd.s32 $0x60, s19;
	s22 =	simm.s32 $0x10B30  }
0x1bf: {  	[hbm4b:s21+s3] =	stream.linear.scatter [tilespmem:s22], [sflag:$0x3], $0x80, $0x38;
	[tilespmem:$0x14C00] =	vst v63  }
0x1c0: {  	s19 =	sadd.s32 $0x70, s19;
	s22 =	simm.s32 $0x10BB8  }
0x1c1: {  	[hbm4b:s19+s3] =	stream.linear.scatter [tilespmem:s22], [sflag:$0x3], $0x80, $0x38;
	[tilespmem:$0x14C00] =	vst v63  }
0x1c2: {  	s19 =	sadd.s32 s17, s8;
	s22 =	simm.s32 $0x10C40  }
0x1c3: {  	[hbm4b:s19+s3] =	stream.linear.scatter [tilespmem:s22], [sflag:$0x3], $0x80, $0x38;
	[tilespmem:$0x14C00] =	vst v63  }
0x1c4: {  	s21 =	sadd.s32 $0x10, s19;
	s22 =	simm.s32 $0x10CC8  }
0x1c5: {  	[hbm4b:s21+s3] =	stream.linear.scatter [tilespmem:s22], [sflag:$0x3], $0x80, $0x38;
	[tilespmem:$0x14C00] =	vst v63  }
0x1c6: {  	s21 =	sadd.s32 $0x20, s19;
	s22 =	simm.s32 $0x10D50  }
0x1c7: {  	[hbm4b:s21+s3] =	stream.linear.scatter [tilespmem:s22], [sflag:$0x3], $0x80, $0x38;
	[tilespmem:$0x14C00] =	vst v63  }
0x1c8: {  	s21 =	sadd.s32 $0x30, s19;
	s22 =	simm.s32 $0x10DD8  }
0x1c9: {  	[hbm4b:s21+s3] =	stream.linear.scatter [tilespmem:s22], [sflag:$0x3], $0x80, $0x38;
	[tilespmem:$0x14C00] =	vst v63  }
0x1ca: {  	s21 =	sadd.s32 $0x40, s19;
	s22 =	simm.s32 $0x10E60  }
0x1cb: {  	[hbm4b:s21+s3] =	stream.linear.scatter [tilespmem:s22], [sflag:$0x3], $0x80, $0x38;
	[tilespmem:$0x14C00] =	vst v63  }
0x1cc: {  	s21 =	sadd.s32 $0x50, s19;
	s22 =	simm.s32 $0x10EE8  }
0x1cd: {  	[hbm4b:s21+s3] =	stream.linear.scatter [tilespmem:s22], [sflag:$0x3], $0x80, $0x38;
	[tilespmem:$0x14C00] =	vst v63  }
0x1ce: {  	s21 =	sadd.s32 $0x60, s19;
	s22 =	simm.s32 $0x10F70  }
0x1cf: {  	[hbm4b:s21+s3] =	stream.linear.scatter [tilespmem:s22], [sflag:$0x3], $0x80, $0x38;
	[tilespmem:$0x14C00] =	vst v63  }
0x1d0: {  	s19 =	sadd.s32 $0x70, s19;
	s22 =	simm.s32 $0x10FF8  }
0x1d1: {  	[hbm4b:s19+s3] =	stream.linear.scatter [tilespmem:s22], [sflag:$0x3], $0x80, $0x38;
	[tilespmem:$0x14C00] =	vst v63  }
0x1d2: {  	s19 =	sadd.s32 s17, s9;
	s22 =	simm.s32 $0x11080  }
0x1d3: {  	[hbm4b:s19+s3] =	stream.linear.scatter [tilespmem:s22], [sflag:$0x3], $0x80, $0x38;
	[tilespmem:$0x14C00] =	vst v63  }
0x1d4: {  	s21 =	sadd.s32 $0x10, s19;
	s22 =	simm.s32 $0x11108  }
0x1d5: {  	[hbm4b:s21+s3] =	stream.linear.scatter [tilespmem:s22], [sflag:$0x3], $0x80, $0x38;
	[tilespmem:$0x14C00] =	vst v63  }
0x1d6: {  	s21 =	sadd.s32 $0x20, s19;
	s22 =	simm.s32 $0x11190  }
0x1d7: {  	[hbm4b:s21+s3] =	stream.linear.scatter [tilespmem:s22], [sflag:$0x3], $0x80, $0x38;
	[tilespmem:$0x14C00] =	vst v63  }
0x1d8: {  	s21 =	sadd.s32 $0x30, s19;
	s22 =	simm.s32 $0x11218  }
0x1d9: {  	[hbm4b:s21+s3] =	stream.linear.scatter [tilespmem:s22], [sflag:$0x3], $0x80, $0x38;
	[tilespmem:$0x14C00] =	vst v63  }
0x1da: {  	s21 =	sadd.s32 $0x40, s19;
	s22 =	simm.s32 $0x112A0  }
0x1db: {  	[hbm4b:s21+s3] =	stream.linear.scatter [tilespmem:s22], [sflag:$0x3], $0x80, $0x38;
	[tilespmem:$0x14C00] =	vst v63  }
0x1dc: {  	s21 =	sadd.s32 $0x50, s19;
	s22 =	simm.s32 $0x11328  }
0x1dd: {  	[hbm4b:s21+s3] =	stream.linear.scatter [tilespmem:s22], [sflag:$0x3], $0x80, $0x38;
	[tilespmem:$0x14C00] =	vst v63  }
0x1de: {  	s21 =	sadd.s32 $0x60, s19;
	s22 =	simm.s32 $0x113B0  }
0x1df: {  	[hbm4b:s21+s3] =	stream.linear.scatter [tilespmem:s22], [sflag:$0x3], $0x80, $0x38;
	[tilespmem:$0x14C00] =	vst v63  }
0x1e0: {  	s19 =	sadd.s32 $0x70, s19;
	s22 =	simm.s32 $0x11438  }
0x1e1: {  	[hbm4b:s19+s3] =	stream.linear.scatter [tilespmem:s22], [sflag:$0x3], $0x80, $0x38;
	[tilespmem:$0x14C00] =	vst v63  }
0x1e2: {  	s19 =	sadd.s32 s17, s12;
	s22 =	simm.s32 $0x114C0  }
0x1e3: {  	[hbm4b:s19+s3] =	stream.linear.scatter [tilespmem:s22], [sflag:$0x3], $0x80, $0x38;
	[tilespmem:$0x14C00] =	vst v63  }
0x1e4: {  	s21 =	sadd.s32 $0x10, s19;
	s22 =	simm.s32 $0x11548  }
0x1e5: {  	[hbm4b:s21+s3] =	stream.linear.scatter [tilespmem:s22], [sflag:$0x3], $0x80, $0x38;
	[tilespmem:$0x14C00] =	vst v63  }
0x1e6: {  	s21 =	sadd.s32 $0x20, s19;
	s22 =	simm.s32 $0x115D0  }
0x1e7: {  	[hbm4b:s21+s3] =	stream.linear.scatter [tilespmem:s22], [sflag:$0x3], $0x80, $0x38;
	[tilespmem:$0x14C00] =	vst v63  }
0x1e8: {  	s21 =	sadd.s32 $0x30, s19;
	s22 =	simm.s32 $0x11658  }
0x1e9: {  	[hbm4b:s21+s3] =	stream.linear.scatter [tilespmem:s22], [sflag:$0x3], $0x80, $0x38;
	[tilespmem:$0x14C00] =	vst v63  }
0x1ea: {  	s21 =	sadd.s32 $0x40, s19;
	s22 =	simm.s32 $0x116E0  }
0x1eb: {  	[hbm4b:s21+s3] =	stream.linear.scatter [tilespmem:s22], [sflag:$0x3], $0x80, $0x38;
	[tilespmem:$0x14C00] =	vst v63  }
0x1ec: {  	s21 =	sadd.s32 $0x50, s19;
	s22 =	simm.s32 $0x11768  }
0x1ed: {  	[hbm4b:s21+s3] =	stream.linear.scatter [tilespmem:s22], [sflag:$0x3], $0x80, $0x38;
	[tilespmem:$0x14C00] =	vst v63  }
0x1ee: {  	s21 =	sadd.s32 $0x60, s19;
	s22 =	simm.s32 $0x117F0  }
0x1ef: {  	[hbm4b:s21+s3] =	stream.linear.scatter [tilespmem:s22], [sflag:$0x3], $0x80, $0x38;
	[tilespmem:$0x14C00] =	vst v63  }
0x1f0: {  	s19 =	sadd.s32 $0x70, s19;
	s22 =	simm.s32 $0x11878  }
0x1f1: {  	[hbm4b:s19+s3] =	stream.linear.scatter [tilespmem:s22], [sflag:$0x3], $0x80, $0x38;
	[tilespmem:$0x14C00] =	vst v63  }
0x1f2: {  	s19 =	sadd.s32 s17, s14;
	s22 =	simm.s32 $0x11900  }
0x1f3: {  	[hbm4b:s19+s3] =	stream.linear.scatter [tilespmem:s22], [sflag:$0x3], $0x80, $0x38;
	[tilespmem:$0x14C00] =	vst v63  }
0x1f4: {  	s21 =	sadd.s32 $0x10, s19;
	s22 =	simm.s32 $0x11988  }
0x1f5: {  	[hbm4b:s21+s3] =	stream.linear.scatter [tilespmem:s22], [sflag:$0x3], $0x80, $0x38;
	[tilespmem:$0x14C00] =	vst v63  }
0x1f6: {  	s21 =	sadd.s32 $0x20, s19;
	s22 =	simm.s32 $0x11A10  }
0x1f7: {  	[hbm4b:s21+s3] =	stream.linear.scatter [tilespmem:s22], [sflag:$0x3], $0x80, $0x38;
	[tilespmem:$0x14C00] =	vst v63  }
0x1f8: {  	s21 =	sadd.s32 $0x30, s19;
	s22 =	simm.s32 $0x11A98  }
0x1f9: {  	[hbm4b:s21+s3] =	stream.linear.scatter [tilespmem:s22], [sflag:$0x3], $0x80, $0x38;
	[tilespmem:$0x14C00] =	vst v63  }
0x1fa: {  	s21 =	sadd.s32 $0x40, s19;
	s22 =	simm.s32 $0x11B20  }
0x1fb: {  	[hbm4b:s21+s3] =	stream.linear.scatter [tilespmem:s22], [sflag:$0x3], $0x80, $0x38;
	[tilespmem:$0x14C00] =	vst v63  }
0x1fc: {  	s21 =	sadd.s32 $0x50, s19;
	s22 =	simm.s32 $0x11BA8  }
0x1fd: {  	[hbm4b:s21+s3] =	stream.linear.scatter [tilespmem:s22], [sflag:$0x3], $0x80, $0x38;
	[tilespmem:$0x14C00] =	vst v63  }
0x1fe: {  	s21 =	sadd.s32 $0x60, s19;
	s22 =	simm.s32 $0x11C30  }
0x1ff: {  	[hbm4b:s21+s3] =	stream.linear.scatter [tilespmem:s22], [sflag:$0x3], $0x80, $0x38;
	[tilespmem:$0x14C00] =	vst v63  }
0x200: {  	s19 =	sadd.s32 $0x70, s19;
	s22 =	simm.s32 $0x11CB8  }
0x201: {  	[hbm4b:s19+s3] =	stream.linear.scatter [tilespmem:s22], [sflag:$0x3], $0x80, $0x38;
	[tilespmem:$0x14C00] =	vst v63  }
0x202: {  	s19 =	sadd.s32 s17, s15;
	s22 =	simm.s32 $0x11D40  }
0x203: {  	[hbm4b:s19+s3] =	stream.linear.scatter [tilespmem:s22], [sflag:$0x3], $0x80, $0x38;
	[tilespmem:$0x14C00] =	vst v63  }
0x204: {  	s21 =	sadd.s32 $0x10, s19;
	s22 =	simm.s32 $0x11DC8  }
0x205: {  	[hbm4b:s21+s3] =	stream.linear.scatter [tilespmem:s22], [sflag:$0x3], $0x80, $0x38;
	[tilespmem:$0x14C00] =	vst v63  }
0x206: {  	s21 =	sadd.s32 $0x20, s19;
	s22 =	simm.s32 $0x11E50  }
0x207: {  	[hbm4b:s21+s3] =	stream.linear.scatter [tilespmem:s22], [sflag:$0x3], $0x80, $0x38;
	[tilespmem:$0x14C00] =	vst v63  }
0x208: {  	s21 =	sadd.s32 $0x30, s19;
	s22 =	simm.s32 $0x11ED8  }
0x209: {  	[hbm4b:s21+s3] =	stream.linear.scatter [tilespmem:s22], [sflag:$0x3], $0x80, $0x38;
	[tilespmem:$0x14C00] =	vst v63  }
0x20a: {  	s21 =	sadd.s32 $0x40, s19;
	s22 =	simm.s32 $0x11F60  }
0x20b: {  	[hbm4b:s21+s3] =	stream.linear.scatter [tilespmem:s22], [sflag:$0x3], $0x80, $0x38;
	[tilespmem:$0x14C00] =	vst v63  }
0x20c: {  	s21 =	sadd.s32 $0x50, s19;
	s22 =	simm.s32 $0x11FE8  }
0x20d: {  	[hbm4b:s21+s3] =	stream.linear.scatter [tilespmem:s22], [sflag:$0x3], $0x80, $0x38;
	[tilespmem:$0x14C00] =	vst v63  }
0x20e: {  	s21 =	sadd.s32 $0x60, s19;
	s22 =	simm.s32 $0x12070  }
0x20f: {  	[hbm4b:s21+s3] =	stream.linear.scatter [tilespmem:s22], [sflag:$0x3], $0x80, $0x38;
	[tilespmem:$0x14C00] =	vst v63  }
0x210: {  	s19 =	sadd.s32 $0x70, s19;
	s22 =	simm.s32 $0x120F8  }
0x211: {  	[hbm4b:s19+s3] =	stream.linear.scatter [tilespmem:s22], [sflag:$0x3], $0x80, $0x38;
	[tilespmem:$0x14C00] =	vst v63  }
0x212: {  	s19 =	sadd.s32 s17, s18;
	s22 =	simm.s32 $0x12180  }
0x213: {  	[hbm4b:s19+s3] =	stream.linear.scatter [tilespmem:s22], [sflag:$0x3], $0x80, $0x38;
	[tilespmem:$0x14C00] =	vst v63  }
0x214: {  	s21 =	sadd.s32 $0x10, s19;
	s22 =	simm.s32 $0x12208  }
0x215: {  	[hbm4b:s21+s3] =	stream.linear.scatter [tilespmem:s22], [sflag:$0x3], $0x80, $0x38;
	[tilespmem:$0x14C00] =	vst v63  }
0x216: {  	s21 =	sadd.s32 $0x20, s19;
	s22 =	simm.s32 $0x12290  }
0x217: {  	[hbm4b:s21+s3] =	stream.linear.scatter [tilespmem:s22], [sflag:$0x3], $0x80, $0x38;
	[tilespmem:$0x14C00] =	vst v63  }
0x218: {  	s21 =	sadd.s32 $0x30, s19;
	s22 =	simm.s32 $0x12318  }
0x219: {  	[hbm4b:s21+s3] =	stream.linear.scatter [tilespmem:s22], [sflag:$0x3], $0x80, $0x38;
	[tilespmem:$0x14C00] =	vst v63  }
0x21a: {  	s21 =	sadd.s32 $0x40, s19;
	s22 =	simm.s32 $0x123A0  }
0x21b: {  	[hbm4b:s21+s3] =	stream.linear.scatter [tilespmem:s22], [sflag:$0x3], $0x80, $0x38;
	[tilespmem:$0x14C00] =	vst v63  }
0x21c: {  	s21 =	sadd.s32 $0x50, s19;
	s22 =	simm.s32 $0x12428  }
0x21d: {  	[hbm4b:s21+s3] =	stream.linear.scatter [tilespmem:s22], [sflag:$0x3], $0x80, $0x38;
	[tilespmem:$0x14C00] =	vst v63  }
0x21e: {  	s21 =	sadd.s32 $0x60, s19;
	s22 =	simm.s32 $0x124B0  }
0x21f: {  	[hbm4b:s21+s3] =	stream.linear.scatter [tilespmem:s22], [sflag:$0x3], $0x80, $0x38;
	[tilespmem:$0x14C00] =	vst v63  }
0x220: {  	s19 =	sadd.s32 $0x70, s19;
	s22 =	simm.s32 $0x12538  }
0x221: {  	[hbm4b:s19+s3] =	stream.linear.scatter [tilespmem:s22], [sflag:$0x3], $0x80, $0x38;
	[tilespmem:$0x14C00] =	vst v63  }
0x222: {  	s17 =	sadd.s32 s17, s20;
	s22 =	simm.s32 $0x125C0  }
0x223: {  	[hbm4b:s17+s3] =	stream.linear.scatter [tilespmem:s22], [sflag:$0x3], $0x80, $0x38;
	[tilespmem:$0x14C00] =	vst v63  }
0x224: {  	s21 =	sadd.s32 $0x10, s17;
	s22 =	simm.s32 $0x12648  }
0x225: {  	[hbm4b:s21+s3] =	stream.linear.scatter [tilespmem:s22], [sflag:$0x3], $0x80, $0x38;
	[tilespmem:$0x14C00] =	vst v63  }
0x226: {  	s21 =	sadd.s32 $0x20, s17;
	s22 =	simm.s32 $0x126D0  }
0x227: {  	[hbm4b:s21+s3] =	stream.linear.scatter [tilespmem:s22], [sflag:$0x3], $0x80, $0x38;
	[tilespmem:$0x14C00] =	vst v63  }
0x228: {  	s21 =	sadd.s32 $0x30, s17;
	s22 =	simm.s32 $0x12758  }
0x229: {  	[hbm4b:s21+s3] =	stream.linear.scatter [tilespmem:s22], [sflag:$0x3], $0x80, $0x38;
	[tilespmem:$0x14C00] =	vst v63  }
0x22a: {  	s21 =	sadd.s32 $0x40, s17;
	s22 =	simm.s32 $0x127E0  }
0x22b: {  	[hbm4b:s21+s3] =	stream.linear.scatter [tilespmem:s22], [sflag:$0x3], $0x80, $0x38;
	[tilespmem:$0x14C00] =	vst v63  }
0x22c: {  	s21 =	sadd.s32 $0x50, s17;
	s22 =	simm.s32 $0x12868  }
0x22d: {  	[hbm4b:s21+s3] =	stream.linear.scatter [tilespmem:s22], [sflag:$0x3], $0x80, $0x38;
	[tilespmem:$0x14C00] =	vst v63  }
0x22e: {  	s21 =	sadd.s32 $0x60, s17;
	s22 =	simm.s32 $0x128F0  }
0x22f: {  	[hbm4b:s21+s3] =	stream.linear.scatter [tilespmem:s22], [sflag:$0x3], $0x80, $0x38;
	[tilespmem:$0x14C00] =	vst v63  }
0x230: {  	p0 =	seq.s32 s13, $0x63;
	s17 =	sadd.s32 $0x70, s17;
	s22 =	simm.s32 $0x12978  }
0x231: {  	[hbm4b:s17+s3] =	stream.linear.scatter [tilespmem:s22], [sflag:$0x3], $0x80, $0x38;
	[tilespmem:$0x14C00] =	vst v63  }
0x232: {  	s17 =	sshll.u32 @!p0 s13, $0x9  }
0x233: {  	s17 =	sand.u32 @!p0 $0x3FFFFE00, s17  }
0x234: {  	s21 =	simm.s32 @!p0 $0x80;
	s22 =	simm.s32 @!p0 $0xC800;
	s19 =	sadd.s32 @!p0 $0x200, s17  }
0x235: {  	[tilespmem:s22], [sflag:$0x1] =	stream.indirect.gather @!p0 [hbm4b:s4+s21], $0x20, s19, s21, $0xb8;
	[tilespmem:$0x14C00] =	vst v63  }
0x236: {  	s17 =	sadd.s32 @!p0 $0x280, s17;
	s19 =	simm.s32 @!p0 $0xD800  }
0x237: {  	[tilespmem:s19], [sflag:$0x1] =	stream.indirect.gather @!p0 [hbm4b:s4+s21], $0x20, s17, s21, $0xb8;
	[tilespmem:$0x14C00] =	vst v63  }
0x238: {  	_ =	swait.ge [sflag:s28], $0x1000  }
0x239: {  	[sflag:s28] =	ssyncset.done $0x0  }
0x23a: {  	[sflag:s28] =	ssyncadd.s32 $0xFFFFF000  }
0x23b: {  	_ =	swait.ge [sflag:s28], $0x1000  }
0x23c: {  	[sflag:s28] =	ssyncset.done $0x0  }
0x23d: {  	[sflag:s28] =	ssyncadd.s32 $0xFFFFF000  }
0x23e: {  	_ =	swait.ge [sflag:s11], $0x400  }
0x23f: {  	[sflag:s11] =	ssyncset.done $0x0  }
0x240: {  	[sflag:s11] =	ssyncadd.s32 $0xFFFFFC00  }
0x241: {  	_ =	swait.ge [sflag:s11], $0x400  }
0x242: {  	[sflag:s11] =	ssyncset.done $0x0  }
0x243: {  	[sflag:s11] =	ssyncadd.s32 $0xFFFFFC00  }
0x244: {  	_ =	swait.ge [sflag:s11], $0x400  }
0x245: {  	[sflag:s11] =	ssyncset.done $0x0  }
0x246: {  	[sflag:s11] =	ssyncadd.s32 $0xFFFFFC00  }
0x247: {  	_ =	swait.ge [sflag:s11], $0x400  }
0x248: {  	[sflag:s11] =	ssyncset.done $0x0  }
0x249: {  	[sflag:s11] =	ssyncadd.s32 $0xFFFFFC00  }
0x24a: {  	_ =	swait.ge [sflag:s11], $0x400  }
0x24b: {  	[sflag:s11] =	ssyncset.done $0x0  }
0x24c: {  	[sflag:s11] =	ssyncadd.s32 $0xFFFFFC00  }
0x24d: {  	_ =	swait.ge [sflag:s11], $0x400  }
0x24e: {  	[sflag:s11] =	ssyncset.done $0x0  }
0x24f: {  	[sflag:s11] =	ssyncadd.s32 $0xFFFFFC00  }
0x250: {  	_ =	swait.ge [sflag:s11], $0x400  }
0x251: {  	[sflag:s11] =	ssyncset.done $0x0  }
0x252: {  	[sflag:s11] =	ssyncadd.s32 $0xFFFFFC00  }
0x253: {  	s21 =	simm.s32 $0x0;
	_ =	swait.ge [sflag:s11], $0x400  }
0x254: {  	v4 =	vmov s21;
	[sflag:s11] =	ssyncset.done $0x0  }
0x255: {  	s17 =	simm.s32 $0xE820;
	v5 =	vand.u32 $0x7F, v4;
	[sflag:s11] =	ssyncadd.s32 $0xFFFFFC00  }
0x256: {  	v6 =	vadd.s32 v0, v5;
	v4 =	vld [tilespmem:s17+$0xFFFFFFE0]  }
0x257: {  	v8 =	vadd.s32 v1, v5;
	v7 =	vld [tilespmem:s17+$0xFFFFFFF0];
	_ =	sdelay $0x3  }
0x258: {  	[tilespmem:v6+s29+$0x0] =	vst.idx.msk $0xffff, v4  }
0x259: {  	[tilespmem:v8+s29+$0x0] =	vst.idx.msk $0xffff, v7  }
0x25a: {  	v8 =	vadd.s32 v2, v5;
	v7 =	vld [tilespmem:s17+$0x0];
	_ =	sdelay $0x1  }
0x25b: {  	v5 =	vadd.s32 v3, v5;
	v4 =	vld [tilespmem:s17+$0x10];
	_ =	sdelay $0x1  }
0x25c: {  	s22 =	simm.s32 $0x1  }
0x25d: {  	s19 =	simm.s32 $0x2;
	v6 =	vmov s22;
	[tilespmem:v8+s29+$0x0] =	vst.idx.msk $0xffff, v7  }
.LBB2_9:
0x25e: {  	p0 =	sne.s32 s19, $0x7F  }
0x25f: {  	v6 =	vand.u32 $0x7F, v6;
	[tilespmem:v5+s29+$0x0] =	vst.idx.msk $0xffff, v4;
	s17 =	sadd.s32 $0x40, s17;
	s21 =	smov.u32 s19;
	s19 =	sadd.s32 $0x1, s19  }
0x260: {  	v4 =	vld [tilespmem:s17+$0xFFFFFFE0];
	v5 =	vadd.s32 v0, v6  }
0x261: {  	v8 =	vadd.s32 v1, v6;
	v7 =	vld [tilespmem:s17+$0xFFFFFFF0];
	_ =	sdelay $0x3  }
0x262: {  	[tilespmem:v5+s29+$0x0] =	vst.idx.msk $0xffff, v4  }
0x263: {  	[tilespmem:v8+s29+$0x0] =	vst.idx.msk $0xffff, v7  }
0x264: {  	v8 =	vadd.s32 v2, v6;
	v7 =	vld [tilespmem:s17+$0x0]  }
.Ltmp3:
0x265: {  	v5 =	vadd.s32 v3, v6;
	v4 =	vld [tilespmem:s17+$0x10];
	(pc) =	sbr.rel @p0 .LBB2_9-.Ltmp3, $2  }
0x266: {  	_ =	sdelay $0x2  }
0x267: {  	v6 =	vmov s21;
	[tilespmem:v8+s29+$0x0] =	vst.idx.msk $0xffff, v7  }
0x268: {  	_ =	sdelay $0x3  }
0x269: {  	v6 =	vand.u32 $0x7F, v6;
	[tilespmem:v5+s29+$0x0] =	vst.idx.msk $0xffff, v4;
	s17 =	sadd.s32 $0x40, s17  }
0x26a: {  	v4 =	vld [tilespmem:s17+$0xFFFFFFE0];
	v5 =	vadd.s32 v0, v6  }
0x26b: {  	v7 =	vld [tilespmem:s17+$0xFFFFFFF0];
	v8 =	vadd.s32 v1, v6;
	_ =	sdelay $0x3  }
0x26c: {  	[tilespmem:v5+s29+$0x0] =	vst.idx.msk $0xffff, v4  }
0x26d: {  	[tilespmem:v8+s29+$0x0] =	vst.idx.msk $0xffff, v7  }
0x26e: {  	v5 =	vadd.s32 v2, v6;
	v4 =	vld [tilespmem:s17+$0x0]  }
0x26f: {  	v6 =	vadd.s32 v3, v6;
	v7 =	vld [tilespmem:s17+$0x10]  }
0x270: {  	s16 =	sadd.s32 s5, s16  }
0x271: {  	s19 =	sshll.u32 s16, $0xA;
	s16 =	sshll.u32 s16, $0x7  }
0x272: {  	s16 =	sand.u32 $0xF80, s16;
	s17 =	sand.u32 $0xFFF8000, s19  }
0x273: {  	s16 =	sor.u32 s16, s17;
	[tilespmem:v5+s29+$0x0] =	vst.idx.msk $0xffff, v4  }
0x274: {  	s17 =	sadd.s32 s2, s16;
	[tilespmem:v6+s29+$0x0] =	vst.idx.msk $0xffff, v7  }
0x275: {  	[hbm4b:s17+s3] =	stream.linear.scatter [tilespmem:s29], [sflag:$0x4], $0x80, $0x38;
	[tilespmem:$0x14C00] =	vst v63  }
0x276: {  	s21 =	simm.s32 $0x12A88;
	s19 =	sadd.s32 $0x10, s17  }
0x277: {  	[hbm4b:s19+s3] =	stream.linear.scatter [tilespmem:s21], [sflag:$0x4], $0x80, $0x38;
	[tilespmem:$0x14C00] =	vst v63  }
0x278: {  	s22 =	simm.s32 $0x12B10;
	s21 =	sadd.s32 $0x20, s17  }
0x279: {  	[hbm4b:s21+s3] =	stream.linear.scatter [tilespmem:s22], [sflag:$0x4], $0x80, $0x38;
	[tilespmem:$0x14C00] =	vst v63  }
0x27a: {  	s21 =	sadd.s32 $0x30, s17;
	s22 =	simm.s32 $0x12B98  }
0x27b: {  	[hbm4b:s21+s3] =	stream.linear.scatter [tilespmem:s22], [sflag:$0x4], $0x80, $0x38;
	[tilespmem:$0x14C00] =	vst v63  }
0x27c: {  	s21 =	sadd.s32 $0x40, s17;
	s22 =	simm.s32 $0x12C20  }
0x27d: {  	[hbm4b:s21+s3] =	stream.linear.scatter [tilespmem:s22], [sflag:$0x4], $0x80, $0x38;
	[tilespmem:$0x14C00] =	vst v63  }
0x27e: {  	s21 =	sadd.s32 $0x50, s17;
	s22 =	simm.s32 $0x12CA8  }
0x27f: {  	[hbm4b:s21+s3] =	stream.linear.scatter [tilespmem:s22], [sflag:$0x4], $0x80, $0x38;
	[tilespmem:$0x14C00] =	vst v63  }
0x280: {  	s21 =	sadd.s32 $0x60, s17;
	s22 =	simm.s32 $0x12D30  }
0x281: {  	[hbm4b:s21+s3] =	stream.linear.scatter [tilespmem:s22], [sflag:$0x4], $0x80, $0x38;
	[tilespmem:$0x14C00] =	vst v63  }
0x282: {  	s17 =	sadd.s32 $0x70, s17;
	s21 =	simm.s32 $0x12DB8  }
0x283: {  	[hbm4b:s17+s3] =	stream.linear.scatter [tilespmem:s21], [sflag:$0x4], $0x80, $0x38;
	[tilespmem:$0x14C00] =	vst v63  }
0x284: {  	s22 =	simm.s32 $0x12E40;
	s17 =	sadd.s32 s16, s8  }
0x285: {  	[hbm4b:s17+s3] =	stream.linear.scatter [tilespmem:s22], [sflag:$0x4], $0x80, $0x38;
	[tilespmem:$0x14C00] =	vst v63  }
0x286: {  	s21 =	sadd.s32 $0x10, s17;
	s22 =	simm.s32 $0x12EC8  }
0x287: {  	[hbm4b:s21+s3] =	stream.linear.scatter [tilespmem:s22], [sflag:$0x4], $0x80, $0x38;
	[tilespmem:$0x14C00] =	vst v63  }
0x288: {  	s21 =	sadd.s32 $0x20, s17;
	s22 =	simm.s32 $0x12F50  }
0x289: {  	[hbm4b:s21+s3] =	stream.linear.scatter [tilespmem:s22], [sflag:$0x4], $0x80, $0x38;
	[tilespmem:$0x14C00] =	vst v63  }
0x28a: {  	s21 =	sadd.s32 $0x30, s17;
	s22 =	simm.s32 $0x12FD8  }
0x28b: {  	[hbm4b:s21+s3] =	stream.linear.scatter [tilespmem:s22], [sflag:$0x4], $0x80, $0x38;
	[tilespmem:$0x14C00] =	vst v63  }
0x28c: {  	s21 =	sadd.s32 $0x40, s17;
	s22 =	simm.s32 $0x13060  }
0x28d: {  	[hbm4b:s21+s3] =	stream.linear.scatter [tilespmem:s22], [sflag:$0x4], $0x80, $0x38;
	[tilespmem:$0x14C00] =	vst v63  }
0x28e: {  	s21 =	sadd.s32 $0x50, s17;
	s22 =	simm.s32 $0x130E8  }
0x28f: {  	[hbm4b:s21+s3] =	stream.linear.scatter [tilespmem:s22], [sflag:$0x4], $0x80, $0x38;
	[tilespmem:$0x14C00] =	vst v63  }
0x290: {  	s21 =	sadd.s32 $0x60, s17;
	s22 =	simm.s32 $0x13170  }
0x291: {  	[hbm4b:s21+s3] =	stream.linear.scatter [tilespmem:s22], [sflag:$0x4], $0x80, $0x38;
	[tilespmem:$0x14C00] =	vst v63  }
0x292: {  	s17 =	sadd.s32 $0x70, s17;
	s21 =	simm.s32 $0x131F8  }
0x293: {  	[hbm4b:s17+s3] =	stream.linear.scatter [tilespmem:s21], [sflag:$0x4], $0x80, $0x38;
	[tilespmem:$0x14C00] =	vst v63  }
0x294: {  	s22 =	simm.s32 $0x13280;
	s17 =	sadd.s32 s16, s9  }
0x295: {  	[hbm4b:s17+s3] =	stream.linear.scatter [tilespmem:s22], [sflag:$0x4], $0x80, $0x38;
	[tilespmem:$0x14C00] =	vst v63  }
0x296: {  	s21 =	sadd.s32 $0x10, s17;
	s22 =	simm.s32 $0x13308  }
0x297: {  	[hbm4b:s21+s3] =	stream.linear.scatter [tilespmem:s22], [sflag:$0x4], $0x80, $0x38;
	[tilespmem:$0x14C00] =	vst v63  }
0x298: {  	s21 =	sadd.s32 $0x20, s17;
	s22 =	simm.s32 $0x13390  }
0x299: {  	[hbm4b:s21+s3] =	stream.linear.scatter [tilespmem:s22], [sflag:$0x4], $0x80, $0x38;
	[tilespmem:$0x14C00] =	vst v63  }
0x29a: {  	s21 =	sadd.s32 $0x30, s17;
	s22 =	simm.s32 $0x13418  }
0x29b: {  	[hbm4b:s21+s3] =	stream.linear.scatter [tilespmem:s22], [sflag:$0x4], $0x80, $0x38;
	[tilespmem:$0x14C00] =	vst v63  }
0x29c: {  	s21 =	sadd.s32 $0x40, s17;
	s22 =	simm.s32 $0x134A0  }
0x29d: {  	[hbm4b:s21+s3] =	stream.linear.scatter [tilespmem:s22], [sflag:$0x4], $0x80, $0x38;
	[tilespmem:$0x14C00] =	vst v63  }
0x29e: {  	s21 =	sadd.s32 $0x50, s17;
	s22 =	simm.s32 $0x13528  }
0x29f: {  	[hbm4b:s21+s3] =	stream.linear.scatter [tilespmem:s22], [sflag:$0x4], $0x80, $0x38;
	[tilespmem:$0x14C00] =	vst v63  }
0x2a0: {  	s21 =	sadd.s32 $0x60, s17;
	s22 =	simm.s32 $0x135B0  }
0x2a1: {  	[hbm4b:s21+s3] =	stream.linear.scatter [tilespmem:s22], [sflag:$0x4], $0x80, $0x38;
	[tilespmem:$0x14C00] =	vst v63  }
0x2a2: {  	s17 =	sadd.s32 $0x70, s17;
	s21 =	simm.s32 $0x13638  }
0x2a3: {  	[hbm4b:s17+s3] =	stream.linear.scatter [tilespmem:s21], [sflag:$0x4], $0x80, $0x38;
	[tilespmem:$0x14C00] =	vst v63  }
0x2a4: {  	s22 =	simm.s32 $0x136C0;
	s17 =	sadd.s32 s16, s12  }
0x2a5: {  	[hbm4b:s17+s3] =	stream.linear.scatter [tilespmem:s22], [sflag:$0x4], $0x80, $0x38;
	[tilespmem:$0x14C00] =	vst v63  }
0x2a6: {  	s21 =	sadd.s32 $0x10, s17;
	s22 =	simm.s32 $0x13748  }
0x2a7: {  	[hbm4b:s21+s3] =	stream.linear.scatter [tilespmem:s22], [sflag:$0x4], $0x80, $0x38;
	[tilespmem:$0x14C00] =	vst v63  }
0x2a8: {  	s21 =	sadd.s32 $0x20, s17;
	s22 =	simm.s32 $0x137D0  }
0x2a9: {  	[hbm4b:s21+s3] =	stream.linear.scatter [tilespmem:s22], [sflag:$0x4], $0x80, $0x38;
	[tilespmem:$0x14C00] =	vst v63  }
0x2aa: {  	s21 =	sadd.s32 $0x30, s17;
	s22 =	simm.s32 $0x13858  }
0x2ab: {  	[hbm4b:s21+s3] =	stream.linear.scatter [tilespmem:s22], [sflag:$0x4], $0x80, $0x38;
	[tilespmem:$0x14C00] =	vst v63  }
0x2ac: {  	s21 =	sadd.s32 $0x40, s17;
	s22 =	simm.s32 $0x138E0  }
0x2ad: {  	[hbm4b:s21+s3] =	stream.linear.scatter [tilespmem:s22], [sflag:$0x4], $0x80, $0x38;
	[tilespmem:$0x14C00] =	vst v63  }
0x2ae: {  	s21 =	sadd.s32 $0x50, s17;
	s22 =	simm.s32 $0x13968  }
0x2af: {  	[hbm4b:s21+s3] =	stream.linear.scatter [tilespmem:s22], [sflag:$0x4], $0x80, $0x38;
	[tilespmem:$0x14C00] =	vst v63  }
0x2b0: {  	s21 =	sadd.s32 $0x60, s17;
	s22 =	simm.s32 $0x139F0  }
0x2b1: {  	[hbm4b:s21+s3] =	stream.linear.scatter [tilespmem:s22], [sflag:$0x4], $0x80, $0x38;
	[tilespmem:$0x14C00] =	vst v63  }
0x2b2: {  	s17 =	sadd.s32 $0x70, s17;
	s21 =	simm.s32 $0x13A78  }
0x2b3: {  	[hbm4b:s17+s3] =	stream.linear.scatter [tilespmem:s21], [sflag:$0x4], $0x80, $0x38;
	[tilespmem:$0x14C00] =	vst v63  }
0x2b4: {  	s22 =	simm.s32 $0x13B00;
	s17 =	sadd.s32 s16, s14  }
0x2b5: {  	[hbm4b:s17+s3] =	stream.linear.scatter [tilespmem:s22], [sflag:$0x4], $0x80, $0x38;
	[tilespmem:$0x14C00] =	vst v63  }
0x2b6: {  	s21 =	sadd.s32 $0x10, s17;
	s22 =	simm.s32 $0x13B88  }
0x2b7: {  	[hbm4b:s21+s3] =	stream.linear.scatter [tilespmem:s22], [sflag:$0x4], $0x80, $0x38;
	[tilespmem:$0x14C00] =	vst v63  }
0x2b8: {  	s21 =	sadd.s32 $0x20, s17;
	s22 =	simm.s32 $0x13C10  }
0x2b9: {  	[hbm4b:s21+s3] =	stream.linear.scatter [tilespmem:s22], [sflag:$0x4], $0x80, $0x38;
	[tilespmem:$0x14C00] =	vst v63  }
0x2ba: {  	s21 =	sadd.s32 $0x30, s17;
	s22 =	simm.s32 $0x13C98  }
0x2bb: {  	[hbm4b:s21+s3] =	stream.linear.scatter [tilespmem:s22], [sflag:$0x4], $0x80, $0x38;
	[tilespmem:$0x14C00] =	vst v63  }
0x2bc: {  	s21 =	sadd.s32 $0x40, s17;
	s22 =	simm.s32 $0x13D20  }
0x2bd: {  	[hbm4b:s21+s3] =	stream.linear.scatter [tilespmem:s22], [sflag:$0x4], $0x80, $0x38;
	[tilespmem:$0x14C00] =	vst v63  }
0x2be: {  	s21 =	sadd.s32 $0x50, s17;
	s22 =	simm.s32 $0x13DA8  }
0x2bf: {  	[hbm4b:s21+s3] =	stream.linear.scatter [tilespmem:s22], [sflag:$0x4], $0x80, $0x38;
	[tilespmem:$0x14C00] =	vst v63  }
0x2c0: {  	s21 =	sadd.s32 $0x60, s17;
	s22 =	simm.s32 $0x13E30  }
0x2c1: {  	[hbm4b:s21+s3] =	stream.linear.scatter [tilespmem:s22], [sflag:$0x4], $0x80, $0x38;
	[tilespmem:$0x14C00] =	vst v63  }
0x2c2: {  	s17 =	sadd.s32 $0x70, s17;
	s21 =	simm.s32 $0x13EB8  }
0x2c3: {  	[hbm4b:s17+s3] =	stream.linear.scatter [tilespmem:s21], [sflag:$0x4], $0x80, $0x38;
	[tilespmem:$0x14C00] =	vst v63  }
0x2c4: {  	s22 =	simm.s32 $0x13F40;
	s17 =	sadd.s32 s16, s15  }
0x2c5: {  	[hbm4b:s17+s3] =	stream.linear.scatter [tilespmem:s22], [sflag:$0x4], $0x80, $0x38;
	[tilespmem:$0x14C00] =	vst v63  }
0x2c6: {  	s21 =	sadd.s32 $0x10, s17;
	s22 =	simm.s32 $0x13FC8  }
0x2c7: {  	[hbm4b:s21+s3] =	stream.linear.scatter [tilespmem:s22], [sflag:$0x4], $0x80, $0x38;
	[tilespmem:$0x14C00] =	vst v63  }
0x2c8: {  	s21 =	sadd.s32 $0x20, s17;
	s22 =	simm.s32 $0x14050  }
0x2c9: {  	[hbm4b:s21+s3] =	stream.linear.scatter [tilespmem:s22], [sflag:$0x4], $0x80, $0x38;
	[tilespmem:$0x14C00] =	vst v63  }
0x2ca: {  	s21 =	sadd.s32 $0x30, s17;
	s22 =	simm.s32 $0x140D8  }
0x2cb: {  	[hbm4b:s21+s3] =	stream.linear.scatter [tilespmem:s22], [sflag:$0x4], $0x80, $0x38;
	[tilespmem:$0x14C00] =	vst v63  }
0x2cc: {  	s21 =	sadd.s32 $0x40, s17;
	s22 =	simm.s32 $0x14160  }
0x2cd: {  	[hbm4b:s21+s3] =	stream.linear.scatter [tilespmem:s22], [sflag:$0x4], $0x80, $0x38;
	[tilespmem:$0x14C00] =	vst v63  }
0x2ce: {  	s21 =	sadd.s32 $0x50, s17;
	s22 =	simm.s32 $0x141E8  }
0x2cf: {  	[hbm4b:s21+s3] =	stream.linear.scatter [tilespmem:s22], [sflag:$0x4], $0x80, $0x38;
	[tilespmem:$0x14C00] =	vst v63  }
0x2d0: {  	s21 =	sadd.s32 $0x60, s17;
	s22 =	simm.s32 $0x14270  }
0x2d1: {  	[hbm4b:s21+s3] =	stream.linear.scatter [tilespmem:s22], [sflag:$0x4], $0x80, $0x38;
	[tilespmem:$0x14C00] =	vst v63  }
0x2d2: {  	s17 =	sadd.s32 $0x70, s17;
	s21 =	simm.s32 $0x142F8  }
0x2d3: {  	[hbm4b:s17+s3] =	stream.linear.scatter [tilespmem:s21], [sflag:$0x4], $0x80, $0x38;
	[tilespmem:$0x14C00] =	vst v63  }
0x2d4: {  	s22 =	simm.s32 $0x14380;
	s17 =	sadd.s32 s16, s18  }
0x2d5: {  	[hbm4b:s17+s3] =	stream.linear.scatter [tilespmem:s22], [sflag:$0x4], $0x80, $0x38;
	[tilespmem:$0x14C00] =	vst v63  }
0x2d6: {  	s21 =	sadd.s32 $0x10, s17;
	s22 =	simm.s32 $0x14408  }
0x2d7: {  	[hbm4b:s21+s3] =	stream.linear.scatter [tilespmem:s22], [sflag:$0x4], $0x80, $0x38;
	[tilespmem:$0x14C00] =	vst v63  }
0x2d8: {  	s21 =	sadd.s32 $0x20, s17;
	s22 =	simm.s32 $0x14490  }
0x2d9: {  	[hbm4b:s21+s3] =	stream.linear.scatter [tilespmem:s22], [sflag:$0x4], $0x80, $0x38;
	[tilespmem:$0x14C00] =	vst v63  }
0x2da: {  	s21 =	sadd.s32 $0x30, s17;
	s22 =	simm.s32 $0x14518  }
0x2db: {  	[hbm4b:s21+s3] =	stream.linear.scatter [tilespmem:s22], [sflag:$0x4], $0x80, $0x38;
	[tilespmem:$0x14C00] =	vst v63  }
0x2dc: {  	s21 =	sadd.s32 $0x40, s17;
	s22 =	simm.s32 $0x145A0  }
0x2dd: {  	[hbm4b:s21+s3] =	stream.linear.scatter [tilespmem:s22], [sflag:$0x4], $0x80, $0x38;
	[tilespmem:$0x14C00] =	vst v63  }
0x2de: {  	s21 =	sadd.s32 $0x50, s17;
	s22 =	simm.s32 $0x14628  }
0x2df: {  	[hbm4b:s21+s3] =	stream.linear.scatter [tilespmem:s22], [sflag:$0x4], $0x80, $0x38;
	[tilespmem:$0x14C00] =	vst v63  }
0x2e0: {  	s21 =	sadd.s32 $0x60, s17;
	s22 =	simm.s32 $0x146B0  }
0x2e1: {  	[hbm4b:s21+s3] =	stream.linear.scatter [tilespmem:s22], [sflag:$0x4], $0x80, $0x38;
	[tilespmem:$0x14C00] =	vst v63  }
0x2e2: {  	s17 =	sadd.s32 $0x70, s17;
	s21 =	simm.s32 $0x14738  }
0x2e3: {  	[hbm4b:s17+s3] =	stream.linear.scatter [tilespmem:s21], [sflag:$0x4], $0x80, $0x38;
	[tilespmem:$0x14C00] =	vst v63  }
0x2e4: {  	s16 =	sadd.s32 s16, s20;
	s22 =	simm.s32 $0x147C0  }
0x2e5: {  	[hbm4b:s16+s3] =	stream.linear.scatter [tilespmem:s22], [sflag:$0x4], $0x80, $0x38;
	[tilespmem:$0x14C00] =	vst v63  }
0x2e6: {  	s19 =	sadd.s32 $0x10, s16  }
0x2e7: {  	[hbm4b:s19+s3] =	stream.linear.scatter [tilespmem:s23], [sflag:$0x4], $0x80, $0x38;
	[tilespmem:$0x14C00] =	vst v63  }
0x2e8: {  	s21 =	sadd.s32 $0x20, s16  }
0x2e9: {  	[hbm4b:s21+s3] =	stream.linear.scatter [tilespmem:s24], [sflag:$0x4], $0x80, $0x38;
	[tilespmem:$0x14C00] =	vst v63  }
0x2ea: {  	s22 =	sadd.s32 $0x30, s16  }
0x2eb: {  	[hbm4b:s22+s3] =	stream.linear.scatter [tilespmem:s25], [sflag:$0x4], $0x80, $0x38;
	[tilespmem:$0x14C00] =	vst v63  }
0x2ec: {  	s13 =	sadd.s32 $0x1, s13;
	s19 =	sadd.s32 $0x40, s16  }
0x2ed: {  	[hbm4b:s19+s3] =	stream.linear.scatter [tilespmem:s26], [sflag:$0x4], $0x80, $0x38;
	[tilespmem:$0x14C00] =	vst v63  }
0x2ee: {  	p0 =	sne.s32 s13, $0x64;
	s21 =	sadd.s32 $0x50, s16  }
0x2ef: {  	[hbm4b:s21+s3] =	stream.linear.scatter [tilespmem:s30], [sflag:$0x4], $0x80, $0x38;
	[tilespmem:$0x14C00] =	vst v63  }
.Ltmp4:
0x2f0: {  	_ = 	snop;
	(pc) =	sbr.rel @p0 .LBB2_6-.Ltmp4, $4  }
0x2f1: {  	s22 =	sadd.s32 $0x60, s16  }
0x2f2: {  	[hbm4b:s22+s3] =	stream.linear.scatter [tilespmem:s6], [sflag:$0x4], $0x80, $0x38;
	[tilespmem:$0x14C00] =	vst v63  }
0x2f3: {  	s16 =	sadd.s32 $0x70, s16  }
0x2f4: {  	[hbm4b:s16+s3] =	stream.linear.scatter [tilespmem:s31], [sflag:$0x4], $0x80, $0x38;
	[tilespmem:$0x14C00] =	vst v63  }
0x2f5: {  	_ =	swait.ge [sflag:s10], $0x400  }
0x2f6: {  	[sflag:s10] =	ssyncset.done $0x0  }
0x2f7: {  	[sflag:s10] =	ssyncadd.s32 $0xFFFFFC00  }
0x2f8: {  	_ =	swait.ge [sflag:s10], $0x400  }
0x2f9: {  	[sflag:s10] =	ssyncset.done $0x0  }
0x2fa: {  	[sflag:s10] =	ssyncadd.s32 $0xFFFFFC00  }
0x2fb: {  	_ =	swait.ge [sflag:s10], $0x400  }
0x2fc: {  	[sflag:s10] =	ssyncset.done $0x0  }
0x2fd: {  	[sflag:s10] =	ssyncadd.s32 $0xFFFFFC00  }
0x2fe: {  	_ =	swait.ge [sflag:s10], $0x400  }
0x2ff: {  	[sflag:s10] =	ssyncset.done $0x0  }
0x300: {  	[sflag:s10] =	ssyncadd.s32 $0xFFFFFC00  }
0x301: {  	_ =	swait.ge [sflag:s10], $0x400  }
0x302: {  	[sflag:s10] =	ssyncset.done $0x0  }
0x303: {  	[sflag:s10] =	ssyncadd.s32 $0xFFFFFC00  }
0x304: {  	_ =	swait.ge [sflag:s10], $0x400  }
0x305: {  	[sflag:s10] =	ssyncset.done $0x0  }
0x306: {  	[sflag:s10] =	ssyncadd.s32 $0xFFFFFC00  }
0x307: {  	_ =	swait.ge [sflag:s10], $0x400  }
0x308: {  	[sflag:s10] =	ssyncset.done $0x0  }
0x309: {  	[sflag:s10] =	ssyncadd.s32 $0xFFFFFC00  }
0x30a: {  	_ =	swait.ge [sflag:s10], $0x400  }
0x30b: {  	[sflag:s10] =	ssyncset.done $0x0  }
0x30c: {  	[sflag:s10] =	ssyncadd.s32 $0xFFFFFC00  }
0x30d: {  	_ =	swait.ge [sflag:s11], $0x400  }
0x30e: {  	[sflag:s11] =	ssyncset.done $0x0  }
0x30f: {  	[sflag:s11] =	ssyncadd.s32 $0xFFFFFC00  }
0x310: {  	_ =	swait.ge [sflag:s11], $0x400  }
0x311: {  	[sflag:s11] =	ssyncset.done $0x0  }
0x312: {  	[sflag:s11] =	ssyncadd.s32 $0xFFFFFC00  }
0x313: {  	_ =	swait.ge [sflag:s11], $0x400  }
0x314: {  	[sflag:s11] =	ssyncset.done $0x0  }
0x315: {  	[sflag:s11] =	ssyncadd.s32 $0xFFFFFC00  }
0x316: {  	_ =	swait.ge [sflag:s11], $0x400  }
0x317: {  	[sflag:s11] =	ssyncset.done $0x0  }
0x318: {  	[sflag:s11] =	ssyncadd.s32 $0xFFFFFC00  }
0x319: {  	_ =	swait.ge [sflag:s11], $0x400  }
0x31a: {  	[sflag:s11] =	ssyncset.done $0x0  }
0x31b: {  	[sflag:s11] =	ssyncadd.s32 $0xFFFFFC00  }
0x31c: {  	_ =	swait.ge [sflag:s11], $0x400  }
0x31d: {  	[sflag:s11] =	ssyncset.done $0x0  }
0x31e: {  	[sflag:s11] =	ssyncadd.s32 $0xFFFFFC00  }
0x31f: {  	_ =	swait.ge [sflag:s11], $0x400  }
0x320: {  	[sflag:s11] =	ssyncset.done $0x0  }
0x321: {  	[sflag:s11] =	ssyncadd.s32 $0xFFFFFC00  }
0x322: {  	_ =	swait.ge [sflag:s11], $0x400  }
0x323: {  	s16 =	rddreg [dreg:$0x15]  }
0x324: {  	s13 =	rddreg [dreg:$0x14];
	s16 =	sadd.s32 $0x1, s16  }
0x325: {  	p0 =	sne.s32 s16, s13  }
.Ltmp5:
0x326: {  	_ = 	snop;
	(pc) =	sbr.rel @p0 .LBB2_1-.Ltmp5, $3  }
0x327: {  	_ =	sdelay $0x1  }
0x328: {  	[sflag:s11] =	ssyncset.done $0x0  }
0x329: {  	s19 =	simm.s32 $0xC800;
	s21 =	simm.s32 $0xD800;
	[sflag:s11] =	ssyncadd.s32 $0xFFFFFC00  }
0x32a: {  	_ =	sfence.sel $0x180000  }
0x32b: {  	[bflag:$0x0] =	sbarrier.arrive $0xFFFF  }
0x32c: {  	_ =	strace $0x90000047  }
0x32d: {  	s0 =	stileid.u32;
	[bflag:$0x2] =	sbarrier.arrive $0xFFFF  }
0x32e: {  	p0 =	sne.s32 s0, $0x0;
	s0 =	rddreg [dreg:$0x2]  }
0x32f: {  	s0 =	sadd.s32 @!p0 $0x100000, s0  }
0x330: {  	[sflag:s0] =	ssyncadd.tile.s32 @!p0 $0x1;
	_ =	shalt  }
.Lfunc_end2:
_tile_overlayer_lowered:
.L_overlay_start_2:
0x331: {  	(tag) =	ssettag $0x2  }
0x332: {  	s0 =	rddreg [dreg:$0x0];
	s2 =	stileid.u32  }
0x333: {  	s1 =	rddreg [dreg:$0x1];
	p0 =	sne.s32 s2, $0x0  }
0x334: {  	s3 =	rddreg [dreg:$0x2];
	[bflag:$0x3] =	sbarrier.arrive $0xFFFF;
	s2 =	simm.s32 @!p0 $0x1C05  }
0x335: {  	[timem:s3], [sflag:s2] =	dma.local @!p0 [hbm:s0], s1  }
0x336: {  	s0 =	simm.s32 @!p0 $0x5  }
0x337: {  	_ =	swait.ge @!p0 [sflag:s0], s1  }
0x338: {  	s1 =	ssub.s32 @!p0 $0x0, s1;
	[sflag:s0] =	ssyncset.done @!p0 $0x0  }
0x339: {  	[sflag:s0] =	ssyncadd.s32 @!p0 s1  }
0x33a: {  	[bflag:$0x3] =	sbarrier.arrive $0xFFFF  }
0x33b: {  	_ =	shalt  }

</sc_bundles>
